<compile_context>
chip_gen: v7x
topology: tpu7x:2x2x1
jax: 0.10.2.dev20260603
libtpu: 0.0.44.dev20260713+nightly
codegen_flags: <defaults>
</compile_context>

<pallas_src>
import jax
import jax.numpy as jnp
from jax.experimental import pallas as pl

_T = 32
_H = 32
_E = 32
_C = 128
_U = 8


def _lstm_kernel(xt_ref, lens_ref, embt_ref, wihf_ref, bf_ref, whhf_ref,
                 wihb_ref, bb_ref, whhb_ref, out_ref):
    f32 = jnp.float32
    embt = embt_ref[...]
    pft = jnp.dot(wihf_ref[...], embt, preferred_element_type=f32) + bf_ref[...]
    pbt = jnp.dot(wihb_ref[...], embt, preferred_element_type=f32) + bb_ref[...]
    pt = jnp.concatenate([pft, pbt], axis=0)

    bb_cols = out_ref.shape[0]
    ids = jax.lax.broadcasted_iota(jnp.int32, (_C, bb_cols), 0)

    def gx(t, half):
        onehot_t = (xt_ref[pl.ds(t, 1), :] == ids).astype(f32)
        table = pt[4 * _H * half:4 * _H * (half + 1), :]
        return jnp.dot(table, onehot_t, preferred_element_type=f32)

    lens_b = lens_ref[...]
    whh_f = whhf_ref[...]
    whh_b = whhb_ref[...]

    def sig(v):
        return 0.5 * jnp.tanh(0.5 * v) + 0.5

    def step_dir(h, c, gin, t, whh):
        gates = gin + jnp.dot(whh, h, preferred_element_type=f32)
        i = sig(gates[:_H, :])
        f = sig(gates[_H:2 * _H, :])
        g = jnp.tanh(gates[2 * _H:3 * _H, :])
        o = sig(gates[3 * _H:, :])
        c_new = f * c + i * g
        h_new = o * jnp.tanh(c_new)
        m = t < lens_b
        return jnp.where(m, h_new, h), jnp.where(m, c_new, c)

    maxlen = jnp.max(lens_b)
    trip = (maxlen + _U - 1) // _U
    lpad = trip * _U

    zeros = jnp.zeros((_H, bb_cols), f32)

    def body(j, carry):
        h_f, c_f, h_b, c_b = carry
        base = j * _U
        for r in range(_U):
            t_f = base + r
            t_b = lpad - 1 - t_f
            h_f, c_f = step_dir(h_f, c_f, gx(t_f, 0), t_f, whh_f)
            h_b, c_b = step_dir(h_b, c_b, gx(t_b, 1), t_b, whh_b)
        return h_f, c_f, h_b, c_b

    h_f, c_f, h_b, c_b = jax.lax.fori_loop(
        0, trip, body, (zeros, zeros, zeros, zeros))

    out_ref[...] = jnp.concatenate([h_f, h_b], axis=0).T


def kernel(x, lens, embed, Wih_f, Whh_f, bih_f, bhh_f, Wih_b, Whh_b, bih_b, bhh_b):
    B, T = x.shape
    assert T == _T
    BB = min(2048, B)
    grid = (B // BB,)

    order = jnp.argsort(lens)
    oh = (lens[:, None] == jnp.arange(1, _T + 1)[None, :]).astype(jnp.int32)
    within = jnp.cumsum(oh, axis=0)
    rank = jnp.take_along_axis(within, (lens - 1)[:, None], axis=1)[:, 0] - 1
    counts = within[-1]
    start = jnp.cumsum(counts) - counts
    inv = start[lens - 1] + rank
    xs = x[order]
    lens_s = lens[order]

    xt = xs.T
    lens2 = lens_s.reshape(1, B).astype(jnp.int32)
    bf = (bih_f + bhh_f).reshape(4 * _H, 1)
    bbias = (bih_b + bhh_b).reshape(4 * _H, 1)

    full = lambda shape: pl.BlockSpec(shape, lambda i: (0, 0))
    out_s = pl.pallas_call(
        _lstm_kernel,
        grid=grid,
        in_specs=[
            pl.BlockSpec((_T, BB), lambda i: (0, i)),
            pl.BlockSpec((1, BB), lambda i: (0, i)),
            full((_E, _C)),
            full((4 * _H, _E)),
            full((4 * _H, 1)),
            full((4 * _H, _H)),
            full((4 * _H, _E)),
            full((4 * _H, 1)),
            full((4 * _H, _H)),
        ],
        out_specs=pl.BlockSpec((BB, 2 * _H), lambda i: (i, 0)),
        out_shape=jax.ShapeDtypeStruct((B, 2 * _H), jnp.float32),
    )(xt, lens2, embed.T, Wih_f, bf, Whh_f, Wih_b, bbias, Whh_b)
    return out_s[inv]

# --- scband reference (transcript-rebuilt; emitter-appended) ---
"""Pipeline reference for scband-char-lstm-79602923864174 (READ-ONLY COPY).

The authoritative reference and input builder live on the scoring server;
editing this copy changes nothing except your own understanding.
"""

import jax, jax.numpy as jnp
import numpy as np


def _lstm_dir(emb, lens, Wih, Whh, bih, bhh):
    B, T, D = emb.shape
    H = Whh.shape[1]

    def step(carry, t):
        h, c = carry
        x_t = emb[:, t, :]
        gates = x_t @ Wih.T + bih + h @ Whh.T + bhh
        i, f, g, o = jnp.split(gates, 4, axis=1)
        i = jax.nn.sigmoid(i)
        f = jax.nn.sigmoid(f)
        g = jnp.tanh(g)
        o = jax.nn.sigmoid(o)
        c_new = f * c + i * g
        h_new = o * jnp.tanh(c_new)
        m = (t < lens)[:, None]
        h = jnp.where(m, h_new, h)
        c = jnp.where(m, c_new, c)
        return (h, c), None

    init = (jnp.zeros((B, H), emb.dtype), jnp.zeros((B, H), emb.dtype))
    (h, c), _ = jax.lax.scan(step, init, jnp.arange(T))
    return h


def setup_inputs(seed: int = 0):
    key = jax.random.key(seed)
    ks = jax.random.split(key, 16)
    B, T = 16384, 32
    chrdim, embdim, hiddim = 128, 32, 64
    H = hiddim // 2
    k = 1.0 / np.sqrt(H)
    x = jax.random.randint(ks[0], (B, T), 0, chrdim, dtype=jnp.int32)
    lens = jax.random.randint(ks[1], (B,), 1, T + 1, dtype=jnp.int32)
    embed = jax.random.normal(ks[2], (chrdim, embdim), dtype=jnp.float32) * 0.1

    def u(kk, shape):
        return jax.random.uniform(kk, shape, jnp.float32, -k, k)

    Wih_f = u(ks[3], (4 * H, embdim))
    Whh_f = u(ks[4], (4 * H, H))
    bih_f = u(ks[5], (4 * H,))
    bhh_f = u(ks[6], (4 * H,))
    Wih_b = u(ks[7], (4 * H, embdim))
    Whh_b = u(ks[8], (4 * H, H))
    bih_b = u(ks[9], (4 * H,))
    bhh_b = u(ks[10], (4 * H,))
    return {"x": x, "lens": lens, "embed": embed, "Wih_f": Wih_f, "Whh_f": Whh_f,
            "bih_f": bih_f, "bhh_f": bhh_f, "Wih_b": Wih_b, "Whh_b": Whh_b,
            "bih_b": bih_b, "bhh_b": bhh_b}


def reference(x, lens, embed, Wih_f, Whh_f, bih_f, bhh_f, Wih_b, Whh_b, bih_b, bhh_b):
    # lens.sort(descending=True) and inverse permutation
    order = jnp.argsort(-lens)
    inv = jnp.argsort(order)
    lens_s = lens[order]
    # masked scan freezes state once t >= lens, so running the full static
    # sequence length is numerically identical to truncating at max(lens)
    xs = x[order]
    emb = embed[xs]
    # packed forward-direction LSTM == masked scan (state frozen past each length)
    h_f = _lstm_dir(emb, lens_s, Wih_f, Whh_f, bih_f, bhh_f)
    # packed reverse-direction LSTM == run on per-sequence reversed valid prefix
    T = emb.shape[1]
    idx = jnp.clip(lens_s[:, None] - 1 - jnp.arange(T)[None, :], 0, T - 1)
    emb_r = jnp.take_along_axis(emb, idx[:, :, None], axis=1)
    h_b = _lstm_dir(emb_r, lens_s, Wih_b, Whh_b, bih_b, bhh_b)
    # torch.cat(torch.unbind(hidden), dim=1) -> [B, 2H] with fwd then bwd
    reprs = jnp.concatenate([h_f, h_b], axis=1)
    return reprs[inv]

if __name__ == "__main__":
    import jax
    _d = setup_inputs()
    print(jax.jit(kernel)(*tuple(_d.values())))

</pallas_src>

<mosaic_0001>
module attributes {stable_mosaic.version = 14 : i64} {
  func.func @_lstm_kernel(%arg0: i32, %arg1: memref<32x2048xi32, #tpu.memory_space<vmem>>, %arg2: memref<1x2048xi32, #tpu.memory_space<vmem>>, %arg3: memref<32x128xf32, #tpu.memory_space<vmem>>, %arg4: memref<128x32xf32, #tpu.memory_space<vmem>>, %arg5: memref<128x1xf32, #tpu.memory_space<vmem>>, %arg6: memref<128x32xf32, #tpu.memory_space<vmem>>, %arg7: memref<128x32xf32, #tpu.memory_space<vmem>>, %arg8: memref<128x1xf32, #tpu.memory_space<vmem>>, %arg9: memref<128x32xf32, #tpu.memory_space<vmem>>, %arg10: memref<2048x64xf32, #tpu.memory_space<vmem>>) attributes {dimension_semantics = [#tpu.dimension_semantics<arbitrary>], iteration_bounds = array<i64: 8>, scalar_prefetch = 0 : i64, scratch_operands = 0 : i64, tpu.core_type = #tpu.core_type<tc>, window_params = [{transform_indices = @transform_0, window_bounds = array<i64: 32, 2048>}, {transform_indices = @transform_1, window_bounds = array<i64: 1, 2048>}, {pipeline_mode = #tpu.pipeline_mode<synchronous>, transform_indices = @transform_2, window_bounds = array<i64: 32, 128>}, {pipeline_mode = #tpu.pipeline_mode<synchronous>, transform_indices = @transform_3, window_bounds = array<i64: 128, 32>}, {pipeline_mode = #tpu.pipeline_mode<synchronous>, transform_indices = @transform_4, window_bounds = array<i64: 128, 1>}, {pipeline_mode = #tpu.pipeline_mode<synchronous>, transform_indices = @transform_5, window_bounds = array<i64: 128, 32>}, {pipeline_mode = #tpu.pipeline_mode<synchronous>, transform_indices = @transform_6, window_bounds = array<i64: 128, 32>}, {pipeline_mode = #tpu.pipeline_mode<synchronous>, transform_indices = @transform_7, window_bounds = array<i64: 128, 1>}, {pipeline_mode = #tpu.pipeline_mode<synchronous>, transform_indices = @transform_8, window_bounds = array<i64: 128, 32>}, {transform_indices = @transform_9, window_bounds = array<i64: 2048, 64>}]} {
    %get3A = arith.constant 0 : index
    %get3A_0 = arith.constant 0 : index
    %get3A_1 = vector.load %arg3[%get3A, %get3A_0] : memref<32x128xf32, #tpu.memory_space<vmem>>, vector<32x128xf32>
    %get3A_2 = arith.constant 0 : index
    %get3A_3 = arith.constant 0 : index
    %get3A_4 = vector.load %arg4[%get3A_2, %get3A_3] : memref<128x32xf32, #tpu.memory_space<vmem>>, vector<128x32xf32>
    %dot_general3A = arith.constant dense<0.000000e+00> : vector<128x128xf32>
    %dot_general3A_5 = tpu.matmul %get3A_4, %get3A_1, %dot_general3A {dimension_numbers = #tpu.dot_dimension_numbers<[1], [0], [0], [1], [0, 0, 1, 1], [], []>, transpose_lhs_hint = false} : vector<128x32xf32>, vector<32x128xf32>, vector<128x128xf32> -> vector<128x128xf32>
    %get3A_6 = arith.constant 0 : index
    %get3A_7 = arith.constant 0 : index
    %get3A_8 = vector.load %arg5[%get3A_6, %get3A_7] : memref<128x1xf32, #tpu.memory_space<vmem>>, vector<128x1xf32>
    %add3A = vector.broadcast %get3A_8 : vector<128x1xf32> to vector<128x128xf32>
    %add3A_9 = arith.addf %dot_general3A_5, %add3A : vector<128x128xf32>
    %get3A_10 = arith.constant 0 : index
    %get3A_11 = arith.constant 0 : index
    %get3A_12 = vector.load %arg7[%get3A_10, %get3A_11] : memref<128x32xf32, #tpu.memory_space<vmem>>, vector<128x32xf32>
    %dot_general3A_13 = arith.constant dense<0.000000e+00> : vector<128x128xf32>
    %dot_general3A_14 = tpu.matmul %get3A_12, %get3A_1, %dot_general3A_13 {dimension_numbers = #tpu.dot_dimension_numbers<[1], [0], [0], [1], [0, 0, 1, 1], [], []>, transpose_lhs_hint = false} : vector<128x32xf32>, vector<32x128xf32>, vector<128x128xf32> -> vector<128x128xf32>
    %get3A_15 = arith.constant 0 : index
    %get3A_16 = arith.constant 0 : index
    %get3A_17 = vector.load %arg8[%get3A_15, %get3A_16] : memref<128x1xf32, #tpu.memory_space<vmem>>, vector<128x1xf32>
    %add3A_18 = vector.broadcast %get3A_17 : vector<128x1xf32> to vector<128x128xf32>
    %add3A_19 = arith.addf %dot_general3A_14, %add3A_18 : vector<128x128xf32>
    %concatenate3A = tpu.concatenate %add3A_9, %add3A_19 in 0 : vector<128x128xf32>, vector<128x128xf32> -> vector<256x128xf32>
    %iota3A = tpu.iota {dimensions = array<i32: 0>} : vector<128x2048xi32>
    %get3A_20 = arith.constant 0 : index
    %get3A_21 = arith.constant 0 : index
    %get3A_22 = vector.load %arg2[%get3A_20, %get3A_21] : memref<1x2048xi32, #tpu.memory_space<vmem>>, vector<1x2048xi32>
    %get3A_23 = arith.constant 0 : index
    %get3A_24 = arith.constant 0 : index
    %get3A_25 = vector.load %arg6[%get3A_23, %get3A_24] : memref<128x32xf32, #tpu.memory_space<vmem>>, vector<128x32xf32>
    %get3A_26 = arith.constant 0 : index
    %get3A_27 = arith.constant 0 : index
    %get3A_28 = vector.load %arg9[%get3A_26, %get3A_27] : memref<128x32xf32, #tpu.memory_space<vmem>>, vector<128x32xf32>
    %reduce_max3A = vector.shape_cast %get3A_22 : vector<1x2048xi32> to vector<1x1x2048xi32>
    %reduce_max3A_29 = arith.constant dense<-2147483648> : vector<1xi32>
    %reduce_max3A_30 = vector.multi_reduction <maxsi>, %reduce_max3A, %reduce_max3A_29 [1, 2] : vector<1x1x2048xi32> to vector<1xi32>
    %reduce_max3A_31 = vector.shape_cast %reduce_max3A_30 : vector<1xi32> to vector<1x1x1xi32>
    %reduce_max3A_32 = vector.extract %reduce_max3A_31[0, 0, 0] : i32 from vector<1x1x1xi32>
    %add3A_33 = arith.constant 8 : i32
    %add3A_34 = arith.addi %reduce_max3A_32, %add3A_33 : i32
    %sub3A = arith.constant 1 : i32
    %sub3A_35 = arith.subi %add3A_34, %sub3A : i32
    %jit3A = arith.constant 8 : i32
    %div3A = arith.divsi %sub3A_35, %jit3A : i32
    %sign3A = arith.constant 0 : i32
    %sign3A_36 = arith.cmpi sgt, %sub3A_35, %sign3A : i32
    %sign3A_37 = arith.extui %sign3A_36 : i1 to i32
    %sign3A_38 = arith.constant 0 : i32
    %sign3A_39 = arith.cmpi slt, %sub3A_35, %sign3A_38 : i32
    %sign3A_40 = arith.extui %sign3A_39 : i1 to i32
    %sign3A_41 = arith.subi %sign3A_37, %sign3A_40 : i32
    %sign3A_42 = arith.constant 0 : i32
    %sign3A_43 = arith.cmpi sgt, %jit3A, %sign3A_42 : i32
    %sign3A_44 = arith.extui %sign3A_43 : i1 to i32
    %sign3A_45 = arith.constant 0 : i32
    %sign3A_46 = arith.cmpi slt, %jit3A, %sign3A_45 : i32
    %sign3A_47 = arith.extui %sign3A_46 : i1 to i32
    %sign3A_48 = arith.subi %sign3A_44, %sign3A_47 : i32
    %ne3A = arith.cmpi ne, %sign3A_41, %sign3A_48 : i32
    %rem3A = arith.remsi %sub3A_35, %jit3A : i32
    %ne3A_49 = arith.constant 0 : i32
    %ne3A_50 = arith.cmpi ne, %rem3A, %ne3A_49 : i32
    %and3A = arith.andi %ne3A, %ne3A_50 : i1
    %sub3A_51 = arith.constant 1 : i32
    %sub3A_52 = arith.subi %div3A, %sub3A_51 : i32
    %select_n3A = arith.select %and3A, %sub3A_52, %div3A : i32
    %mul3A = arith.constant 8 : i32
    %mul3A_53 = arith.muli %select_n3A, %mul3A : i32
    %broadcast_in_dim3A = arith.constant 0.000000e+00 : f32
    %broadcast_in_dim3A_54 = vector.broadcast %broadcast_in_dim3A : f32 to vector<32x2048xf32>
    %while3A = arith.constant 0 : i32
    %while3A_55 = arith.subi %select_n3A, %while3A : i32
    %while3A_56 = arith.addi %while3A, %while3A_55 : i32
    %while3A_57 = arith.constant 1 : i32
    %while3A_58 = arith.divsi %while3A_55, %while3A_57 : i32
    %while3A_59 = arith.muli %while3A_58, %while3A_57 : i32
    %while3A_60 = arith.addi %while3A, %while3A_59 : i32
    %while3A_61 = arith.constant 1 : i32
    %while3A_62:4 = scf.for %while3A_68 = %while3A to %while3A_60 step %while3A_61 iter_args(%while3A_69 = %broadcast_in_dim3A_54, %while3A_70 = %broadcast_in_dim3A_54, %while3A_71 = %broadcast_in_dim3A_54, %while3A_72 = %broadcast_in_dim3A_54) -> (vector<32x2048xf32>, vector<32x2048xf32>, vector<32x2048xf32>, vector<32x2048xf32>)  : i32 {
      %mul3A_73 = arith.constant 8 : i32
      %mul3A_74 = arith.muli %while3A_68, %mul3A_73 : i32
      %add3A_75 = arith.constant 0 : i32
      %add3A_76 = arith.addi %mul3A_74, %add3A_75 : i32
      %sub3A_77 = arith.constant 1 : i32
      %sub3A_78 = arith.subi %mul3A_53, %sub3A_77 : i32
      %sub3A_79 = arith.subi %sub3A_78, %add3A_76 : i32
      %get3A_80 = arith.index_cast %add3A_76 : i32 to index
      %get3A_81 = arith.constant 0 : index
      %get3A_82 = vector.load %arg1[%get3A_80, %get3A_81] : memref<32x2048xi32, #tpu.memory_space<vmem>>, vector<1x2048xi32>
      %eq3A = vector.broadcast %get3A_82 : vector<1x2048xi32> to vector<128x2048xi32>
      %eq3A_83 = arith.cmpi eq, %eq3A, %iota3A : vector<128x2048xi32>
      %convert_element_type3A = arith.extui %eq3A_83 : vector<128x2048xi1> to vector<128x2048xi32>
      %convert_element_type3A_84 = arith.sitofp %convert_element_type3A : vector<128x2048xi32> to vector<128x2048xf32>
      %slice3A = vector.extract_strided_slice %concatenate3A {offsets = [0, 0], sizes = [128, 128], strides = [1, 1]} : vector<256x128xf32> to vector<128x128xf32>
      %dot_general3A_85 = arith.constant dense<0.000000e+00> : vector<128x2048xf32>
      %dot_general3A_86 = tpu.matmul %slice3A, %convert_element_type3A_84, %dot_general3A_85 {dimension_numbers = #tpu.dot_dimension_numbers<[1], [0], [0], [1], [0, 0, 1, 1], [], []>, transpose_lhs_hint = false} : vector<128x128xf32>, vector<128x2048xf32>, vector<128x2048xf32> -> vector<128x2048xf32>
      %dot_general3A_87 = arith.constant dense<0.000000e+00> : vector<128x2048xf32>
      %dot_general3A_88 = tpu.matmul %get3A_25, %while3A_69, %dot_general3A_87 {dimension_numbers = #tpu.dot_dimension_numbers<[1], [0], [0], [1], [0, 0, 1, 1], [], []>, transpose_lhs_hint = false} : vector<128x32xf32>, vector<32x2048xf32>, vector<128x2048xf32> -> vector<128x2048xf32>
      %add3A_89 = arith.addf %dot_general3A_86, %dot_general3A_88 : vector<128x2048xf32>
      %slice3A_90 = vector.extract_strided_slice %add3A_89 {offsets = [0, 0], sizes = [32, 2048], strides = [1, 1]} : vector<128x2048xf32> to vector<32x2048xf32>
      %mul3A_91 = arith.constant 5.000000e-01 : f32
      %mul3A_92 = vector.broadcast %mul3A_91 : f32 to vector<32x2048xf32>
      %mul3A_93 = arith.mulf %mul3A_92, %slice3A_90 : vector<32x2048xf32>
      %tanh3A = math.tanh %mul3A_93 : vector<32x2048xf32>
      %mul3A_94 = arith.constant 5.000000e-01 : f32
      %mul3A_95 = vector.broadcast %mul3A_94 : f32 to vector<32x2048xf32>
      %mul3A_96 = arith.mulf %mul3A_95, %tanh3A : vector<32x2048xf32>
      %add3A_97 = arith.constant 5.000000e-01 : f32
      %add3A_98 = vector.broadcast %add3A_97 : f32 to vector<32x2048xf32>
      %add3A_99 = arith.addf %mul3A_96, %add3A_98 : vector<32x2048xf32>
      %slice3A_100 = vector.extract_strided_slice %add3A_89 {offsets = [32, 0], sizes = [32, 2048], strides = [1, 1]} : vector<128x2048xf32> to vector<32x2048xf32>
      %mul3A_101 = arith.constant 5.000000e-01 : f32
      %mul3A_102 = vector.broadcast %mul3A_101 : f32 to vector<32x2048xf32>
      %mul3A_103 = arith.mulf %mul3A_102, %slice3A_100 : vector<32x2048xf32>
      %tanh3A_104 = math.tanh %mul3A_103 : vector<32x2048xf32>
      %mul3A_105 = arith.constant 5.000000e-01 : f32
      %mul3A_106 = vector.broadcast %mul3A_105 : f32 to vector<32x2048xf32>
      %mul3A_107 = arith.mulf %mul3A_106, %tanh3A_104 : vector<32x2048xf32>
      %add3A_108 = arith.constant 5.000000e-01 : f32
      %add3A_109 = vector.broadcast %add3A_108 : f32 to vector<32x2048xf32>
      %add3A_110 = arith.addf %mul3A_107, %add3A_109 : vector<32x2048xf32>
      %slice3A_111 = vector.extract_strided_slice %add3A_89 {offsets = [64, 0], sizes = [32, 2048], strides = [1, 1]} : vector<128x2048xf32> to vector<32x2048xf32>
      %tanh3A_112 = math.tanh %slice3A_111 : vector<32x2048xf32>
      %slice3A_113 = vector.extract_strided_slice %add3A_89 {offsets = [96, 0], sizes = [32, 2048], strides = [1, 1]} : vector<128x2048xf32> to vector<32x2048xf32>
      %mul3A_114 = arith.constant 5.000000e-01 : f32
      %mul3A_115 = vector.broadcast %mul3A_114 : f32 to vector<32x2048xf32>
      %mul3A_116 = arith.mulf %mul3A_115, %slice3A_113 : vector<32x2048xf32>
      %tanh3A_117 = math.tanh %mul3A_116 : vector<32x2048xf32>
      %mul3A_118 = arith.constant 5.000000e-01 : f32
      %mul3A_119 = vector.broadcast %mul3A_118 : f32 to vector<32x2048xf32>
      %mul3A_120 = arith.mulf %mul3A_119, %tanh3A_117 : vector<32x2048xf32>
      %add3A_121 = arith.constant 5.000000e-01 : f32
      %add3A_122 = vector.broadcast %add3A_121 : f32 to vector<32x2048xf32>
      %add3A_123 = arith.addf %mul3A_120, %add3A_122 : vector<32x2048xf32>
      %mul3A_124 = arith.mulf %add3A_110, %while3A_70 : vector<32x2048xf32>
      %mul3A_125 = arith.mulf %add3A_99, %tanh3A_112 : vector<32x2048xf32>
      %add3A_126 = arith.addf %mul3A_124, %mul3A_125 : vector<32x2048xf32>
      %tanh3A_127 = math.tanh %add3A_126 : vector<32x2048xf32>
      %mul3A_128 = arith.mulf %add3A_123, %tanh3A_127 : vector<32x2048xf32>
      %lt3A = vector.broadcast %add3A_76 : i32 to vector<1x2048xi32>
      %lt3A_129 = arith.cmpi slt, %lt3A, %get3A_22 : vector<1x2048xi32>
      %broadcast_in_dim3A_130 = vector.shape_cast %lt3A_129 : vector<1x2048xi1> to vector<1x2048xi1>
      %broadcast_in_dim3A_131 = vector.broadcast %broadcast_in_dim3A_130 : vector<1x2048xi1> to vector<32x2048xi1>
      %select_n3A_132 = arith.select %broadcast_in_dim3A_131, %mul3A_128, %while3A_69 : vector<32x2048xi1>, vector<32x2048xf32>
      %broadcast_in_dim3A_133 = vector.shape_cast %lt3A_129 : vector<1x2048xi1> to vector<1x2048xi1>
      %broadcast_in_dim3A_134 = vector.broadcast %broadcast_in_dim3A_133 : vector<1x2048xi1> to vector<32x2048xi1>
      %select_n3A_135 = arith.select %broadcast_in_dim3A_134, %add3A_126, %while3A_70 : vector<32x2048xi1>, vector<32x2048xf32>
      %get3A_136 = arith.index_cast %sub3A_79 : i32 to index
      %get3A_137 = arith.constant 0 : index
      %get3A_138 = vector.load %arg1[%get3A_136, %get3A_137] : memref<32x2048xi32, #tpu.memory_space<vmem>>, vector<1x2048xi32>
      %eq3A_139 = vector.broadcast %get3A_138 : vector<1x2048xi32> to vector<128x2048xi32>
      %eq3A_140 = arith.cmpi eq, %eq3A_139, %iota3A : vector<128x2048xi32>
      %convert_element_type3A_141 = arith.extui %eq3A_140 : vector<128x2048xi1> to vector<128x2048xi32>
      %convert_element_type3A_142 = arith.sitofp %convert_element_type3A_141 : vector<128x2048xi32> to vector<128x2048xf32>
      %slice3A_143 = vector.extract_strided_slice %concatenate3A {offsets = [128, 0], sizes = [128, 128], strides = [1, 1]} : vector<256x128xf32> to vector<128x128xf32>
      %dot_general3A_144 = arith.constant dense<0.000000e+00> : vector<128x2048xf32>
      %dot_general3A_145 = tpu.matmul %slice3A_143, %convert_element_type3A_142, %dot_general3A_144 {dimension_numbers = #tpu.dot_dimension_numbers<[1], [0], [0], [1], [0, 0, 1, 1], [], []>, transpose_lhs_hint = false} : vector<128x128xf32>, vector<128x2048xf32>, vector<128x2048xf32> -> vector<128x2048xf32>
      %dot_general3A_146 = arith.constant dense<0.000000e+00> : vector<128x2048xf32>
      %dot_general3A_147 = tpu.matmul %get3A_28, %while3A_71, %dot_general3A_146 {dimension_numbers = #tpu.dot_dimension_numbers<[1], [0], [0], [1], [0, 0, 1, 1], [], []>, transpose_lhs_hint = false} : vector<128x32xf32>, vector<32x2048xf32>, vector<128x2048xf32> -> vector<128x2048xf32>
      %add3A_148 = arith.addf %dot_general3A_145, %dot_general3A_147 : vector<128x2048xf32>
      %slice3A_149 = vector.extract_strided_slice %add3A_148 {offsets = [0, 0], sizes = [32, 2048], strides = [1, 1]} : vector<128x2048xf32> to vector<32x2048xf32>
      %mul3A_150 = arith.constant 5.000000e-01 : f32
      %mul3A_151 = vector.broadcast %mul3A_150 : f32 to vector<32x2048xf32>
      %mul3A_152 = arith.mulf %mul3A_151, %slice3A_149 : vector<32x2048xf32>
      %tanh3A_153 = math.tanh %mul3A_152 : vector<32x2048xf32>
      %mul3A_154 = arith.constant 5.000000e-01 : f32
      %mul3A_155 = vector.broadcast %mul3A_154 : f32 to vector<32x2048xf32>
      %mul3A_156 = arith.mulf %mul3A_155, %tanh3A_153 : vector<32x2048xf32>
      %add3A_157 = arith.constant 5.000000e-01 : f32
      %add3A_158 = vector.broadcast %add3A_157 : f32 to vector<32x2048xf32>
      %add3A_159 = arith.addf %mul3A_156, %add3A_158 : vector<32x2048xf32>
      %slice3A_160 = vector.extract_strided_slice %add3A_148 {offsets = [32, 0], sizes = [32, 2048], strides = [1, 1]} : vector<128x2048xf32> to vector<32x2048xf32>
      %mul3A_161 = arith.constant 5.000000e-01 : f32
      %mul3A_162 = vector.broadcast %mul3A_161 : f32 to vector<32x2048xf32>
      %mul3A_163 = arith.mulf %mul3A_162, %slice3A_160 : vector<32x2048xf32>
      %tanh3A_164 = math.tanh %mul3A_163 : vector<32x2048xf32>
      %mul3A_165 = arith.constant 5.000000e-01 : f32
      %mul3A_166 = vector.broadcast %mul3A_165 : f32 to vector<32x2048xf32>
      %mul3A_167 = arith.mulf %mul3A_166, %tanh3A_164 : vector<32x2048xf32>
      %add3A_168 = arith.constant 5.000000e-01 : f32
      %add3A_169 = vector.broadcast %add3A_168 : f32 to vector<32x2048xf32>
      %add3A_170 = arith.addf %mul3A_167, %add3A_169 : vector<32x2048xf32>
      %slice3A_171 = vector.extract_strided_slice %add3A_148 {offsets = [64, 0], sizes = [32, 2048], strides = [1, 1]} : vector<128x2048xf32> to vector<32x2048xf32>
      %tanh3A_172 = math.tanh %slice3A_171 : vector<32x2048xf32>
      %slice3A_173 = vector.extract_strided_slice %add3A_148 {offsets = [96, 0], sizes = [32, 2048], strides = [1, 1]} : vector<128x2048xf32> to vector<32x2048xf32>
      %mul3A_174 = arith.constant 5.000000e-01 : f32
      %mul3A_175 = vector.broadcast %mul3A_174 : f32 to vector<32x2048xf32>
      %mul3A_176 = arith.mulf %mul3A_175, %slice3A_173 : vector<32x2048xf32>
      %tanh3A_177 = math.tanh %mul3A_176 : vector<32x2048xf32>
      %mul3A_178 = arith.constant 5.000000e-01 : f32
      %mul3A_179 = vector.broadcast %mul3A_178 : f32 to vector<32x2048xf32>
      %mul3A_180 = arith.mulf %mul3A_179, %tanh3A_177 : vector<32x2048xf32>
      %add3A_181 = arith.constant 5.000000e-01 : f32
      %add3A_182 = vector.broadcast %add3A_181 : f32 to vector<32x2048xf32>
      %add3A_183 = arith.addf %mul3A_180, %add3A_182 : vector<32x2048xf32>
      %mul3A_184 = arith.mulf %add3A_170, %while3A_72 : vector<32x2048xf32>
      %mul3A_185 = arith.mulf %add3A_159, %tanh3A_172 : vector<32x2048xf32>
      %add3A_186 = arith.addf %mul3A_184, %mul3A_185 : vector<32x2048xf32>
      %tanh3A_187 = math.tanh %add3A_186 : vector<32x2048xf32>
      %mul3A_188 = arith.mulf %add3A_183, %tanh3A_187 : vector<32x2048xf32>
      %lt3A_189 = vector.broadcast %sub3A_79 : i32 to vector<1x2048xi32>
      %lt3A_190 = arith.cmpi slt, %lt3A_189, %get3A_22 : vector<1x2048xi32>
      %broadcast_in_dim3A_191 = vector.shape_cast %lt3A_190 : vector<1x2048xi1> to vector<1x2048xi1>
      %broadcast_in_dim3A_192 = vector.broadcast %broadcast_in_dim3A_191 : vector<1x2048xi1> to vector<32x2048xi1>
      %select_n3A_193 = arith.select %broadcast_in_dim3A_192, %mul3A_188, %while3A_71 : vector<32x2048xi1>, vector<32x2048xf32>
      %broadcast_in_dim3A_194 = vector.shape_cast %lt3A_190 : vector<1x2048xi1> to vector<1x2048xi1>
      %broadcast_in_dim3A_195 = vector.broadcast %broadcast_in_dim3A_194 : vector<1x2048xi1> to vector<32x2048xi1>
      %select_n3A_196 = arith.select %broadcast_in_dim3A_195, %add3A_186, %while3A_72 : vector<32x2048xi1>, vector<32x2048xf32>
      %add3A_197 = arith.constant 1 : i32
      %add3A_198 = arith.addi %mul3A_74, %add3A_197 : i32
      %sub3A_199 = arith.constant 1 : i32
      %sub3A_200 = arith.subi %mul3A_53, %sub3A_199 : i32
      %sub3A_201 = arith.subi %sub3A_200, %add3A_198 : i32
      %get3A_202 = arith.index_cast %add3A_198 : i32 to index
      %get3A_203 = arith.constant 0 : index
      %get3A_204 = vector.load %arg1[%get3A_202, %get3A_203] : memref<32x2048xi32, #tpu.memory_space<vmem>>, vector<1x2048xi32>
      %eq3A_205 = vector.broadcast %get3A_204 : vector<1x2048xi32> to vector<128x2048xi32>
      %eq3A_206 = arith.cmpi eq, %eq3A_205, %iota3A : vector<128x2048xi32>
      %convert_element_type3A_207 = arith.extui %eq3A_206 : vector<128x2048xi1> to vector<128x2048xi32>
      %convert_element_type3A_208 = arith.sitofp %convert_element_type3A_207 : vector<128x2048xi32> to vector<128x2048xf32>
      %slice3A_209 = vector.extract_strided_slice %concatenate3A {offsets = [0, 0], sizes = [128, 128], strides = [1, 1]} : vector<256x128xf32> to vector<128x128xf32>
      %dot_general3A_210 = arith.constant dense<0.000000e+00> : vector<128x2048xf32>
      %dot_general3A_211 = tpu.matmul %slice3A_209, %convert_element_type3A_208, %dot_general3A_210 {dimension_numbers = #tpu.dot_dimension_numbers<[1], [0], [0], [1], [0, 0, 1, 1], [], []>, transpose_lhs_hint = false} : vector<128x128xf32>, vector<128x2048xf32>, vector<128x2048xf32> -> vector<128x2048xf32>
      %dot_general3A_212 = arith.constant dense<0.000000e+00> : vector<128x2048xf32>
      %dot_general3A_213 = tpu.matmul %get3A_25, %select_n3A_132, %dot_general3A_212 {dimension_numbers = #tpu.dot_dimension_numbers<[1], [0], [0], [1], [0, 0, 1, 1], [], []>, transpose_lhs_hint = false} : vector<128x32xf32>, vector<32x2048xf32>, vector<128x2048xf32> -> vector<128x2048xf32>
      %add3A_214 = arith.addf %dot_general3A_211, %dot_general3A_213 : vector<128x2048xf32>
      %slice3A_215 = vector.extract_strided_slice %add3A_214 {offsets = [0, 0], sizes = [32, 2048], strides = [1, 1]} : vector<128x2048xf32> to vector<32x2048xf32>
      %mul3A_216 = arith.constant 5.000000e-01 : f32
      %mul3A_217 = vector.broadcast %mul3A_216 : f32 to vector<32x2048xf32>
      %mul3A_218 = arith.mulf %mul3A_217, %slice3A_215 : vector<32x2048xf32>
      %tanh3A_219 = math.tanh %mul3A_218 : vector<32x2048xf32>
      %mul3A_220 = arith.constant 5.000000e-01 : f32
      %mul3A_221 = vector.broadcast %mul3A_220 : f32 to vector<32x2048xf32>
      %mul3A_222 = arith.mulf %mul3A_221, %tanh3A_219 : vector<32x2048xf32>
      %add3A_223 = arith.constant 5.000000e-01 : f32
      %add3A_224 = vector.broadcast %add3A_223 : f32 to vector<32x2048xf32>
      %add3A_225 = arith.addf %mul3A_222, %add3A_224 : vector<32x2048xf32>
      %slice3A_226 = vector.extract_strided_slice %add3A_214 {offsets = [32, 0], sizes = [32, 2048], strides = [1, 1]} : vector<128x2048xf32> to vector<32x2048xf32>
      %mul3A_227 = arith.constant 5.000000e-01 : f32
      %mul3A_228 = vector.broadcast %mul3A_227 : f32 to vector<32x2048xf32>
      %mul3A_229 = arith.mulf %mul3A_228, %slice3A_226 : vector<32x2048xf32>
      %tanh3A_230 = math.tanh %mul3A_229 : vector<32x2048xf32>
      %mul3A_231 = arith.constant 5.000000e-01 : f32
      %mul3A_232 = vector.broadcast %mul3A_231 : f32 to vector<32x2048xf32>
      %mul3A_233 = arith.mulf %mul3A_232, %tanh3A_230 : vector<32x2048xf32>
      %add3A_234 = arith.constant 5.000000e-01 : f32
      %add3A_235 = vector.broadcast %add3A_234 : f32 to vector<32x2048xf32>
      %add3A_236 = arith.addf %mul3A_233, %add3A_235 : vector<32x2048xf32>
      %slice3A_237 = vector.extract_strided_slice %add3A_214 {offsets = [64, 0], sizes = [32, 2048], strides = [1, 1]} : vector<128x2048xf32> to vector<32x2048xf32>
      %tanh3A_238 = math.tanh %slice3A_237 : vector<32x2048xf32>
      %slice3A_239 = vector.extract_strided_slice %add3A_214 {offsets = [96, 0], sizes = [32, 2048], strides = [1, 1]} : vector<128x2048xf32> to vector<32x2048xf32>
      %mul3A_240 = arith.constant 5.000000e-01 : f32
      %mul3A_241 = vector.broadcast %mul3A_240 : f32 to vector<32x2048xf32>
      %mul3A_242 = arith.mulf %mul3A_241, %slice3A_239 : vector<32x2048xf32>
      %tanh3A_243 = math.tanh %mul3A_242 : vector<32x2048xf32>
      %mul3A_244 = arith.constant 5.000000e-01 : f32
      %mul3A_245 = vector.broadcast %mul3A_244 : f32 to vector<32x2048xf32>
      %mul3A_246 = arith.mulf %mul3A_245, %tanh3A_243 : vector<32x2048xf32>
      %add3A_247 = arith.constant 5.000000e-01 : f32
      %add3A_248 = vector.broadcast %add3A_247 : f32 to vector<32x2048xf32>
      %add3A_249 = arith.addf %mul3A_246, %add3A_248 : vector<32x2048xf32>
      %mul3A_250 = arith.mulf %add3A_236, %select_n3A_135 : vector<32x2048xf32>
      %mul3A_251 = arith.mulf %add3A_225, %tanh3A_238 : vector<32x2048xf32>
      %add3A_252 = arith.addf %mul3A_250, %mul3A_251 : vector<32x2048xf32>
      %tanh3A_253 = math.tanh %add3A_252 : vector<32x2048xf32>
      %mul3A_254 = arith.mulf %add3A_249, %tanh3A_253 : vector<32x2048xf32>
      %lt3A_255 = vector.broadcast %add3A_198 : i32 to vector<1x2048xi32>
      %lt3A_256 = arith.cmpi slt, %lt3A_255, %get3A_22 : vector<1x2048xi32>
      %broadcast_in_dim3A_257 = vector.shape_cast %lt3A_256 : vector<1x2048xi1> to vector<1x2048xi1>
      %broadcast_in_dim3A_258 = vector.broadcast %broadcast_in_dim3A_257 : vector<1x2048xi1> to vector<32x2048xi1>
      %select_n3A_259 = arith.select %broadcast_in_dim3A_258, %mul3A_254, %select_n3A_132 : vector<32x2048xi1>, vector<32x2048xf32>
      %broadcast_in_dim3A_260 = vector.shape_cast %lt3A_256 : vector<1x2048xi1> to vector<1x2048xi1>
      %broadcast_in_dim3A_261 = vector.broadcast %broadcast_in_dim3A_260 : vector<1x2048xi1> to vector<32x2048xi1>
      %select_n3A_262 = arith.select %broadcast_in_dim3A_261, %add3A_252, %select_n3A_135 : vector<32x2048xi1>, vector<32x2048xf32>
      %get3A_263 = arith.index_cast %sub3A_201 : i32 to index
      %get3A_264 = arith.constant 0 : index
      %get3A_265 = vector.load %arg1[%get3A_263, %get3A_264] : memref<32x2048xi32, #tpu.memory_space<vmem>>, vector<1x2048xi32>
      %eq3A_266 = vector.broadcast %get3A_265 : vector<1x2048xi32> to vector<128x2048xi32>
      %eq3A_267 = arith.cmpi eq, %eq3A_266, %iota3A : vector<128x2048xi32>
      %convert_element_type3A_268 = arith.extui %eq3A_267 : vector<128x2048xi1> to vector<128x2048xi32>
      %convert_element_type3A_269 = arith.sitofp %convert_element_type3A_268 : vector<128x2048xi32> to vector<128x2048xf32>
      %slice3A_270 = vector.extract_strided_slice %concatenate3A {offsets = [128, 0], sizes = [128, 128], strides = [1, 1]} : vector<256x128xf32> to vector<128x128xf32>
      %dot_general3A_271 = arith.constant dense<0.000000e+00> : vector<128x2048xf32>
      %dot_general3A_272 = tpu.matmul %slice3A_270, %convert_element_type3A_269, %dot_general3A_271 {dimension_numbers = #tpu.dot_dimension_numbers<[1], [0], [0], [1], [0, 0, 1, 1], [], []>, transpose_lhs_hint = false} : vector<128x128xf32>, vector<128x2048xf32>, vector<128x2048xf32> -> vector<128x2048xf32>
      %dot_general3A_273 = arith.constant dense<0.000000e+00> : vector<128x2048xf32>
      %dot_general3A_274 = tpu.matmul %get3A_28, %select_n3A_193, %dot_general3A_273 {dimension_numbers = #tpu.dot_dimension_numbers<[1], [0], [0], [1], [0, 0, 1, 1], [], []>, transpose_lhs_hint = false} : vector<128x32xf32>, vector<32x2048xf32>, vector<128x2048xf32> -> vector<128x2048xf32>
      %add3A_275 = arith.addf %dot_general3A_272, %dot_general3A_274 : vector<128x2048xf32>
      %slice3A_276 = vector.extract_strided_slice %add3A_275 {offsets = [0, 0], sizes = [32, 2048], strides = [1, 1]} : vector<128x2048xf32> to vector<32x2048xf32>
      %mul3A_277 = arith.constant 5.000000e-01 : f32
      %mul3A_278 = vector.broadcast %mul3A_277 : f32 to vector<32x2048xf32>
      %mul3A_279 = arith.mulf %mul3A_278, %slice3A_276 : vector<32x2048xf32>
      %tanh3A_280 = math.tanh %mul3A_279 : vector<32x2048xf32>
      %mul3A_281 = arith.constant 5.000000e-01 : f32
      %mul3A_282 = vector.broadcast %mul3A_281 : f32 to vector<32x2048xf32>
      %mul3A_283 = arith.mulf %mul3A_282, %tanh3A_280 : vector<32x2048xf32>
      %add3A_284 = arith.constant 5.000000e-01 : f32
      %add3A_285 = vector.broadcast %add3A_284 : f32 to vector<32x2048xf32>
      %add3A_286 = arith.addf %mul3A_283, %add3A_285 : vector<32x2048xf32>
      %slice3A_287 = vector.extract_strided_slice %add3A_275 {offsets = [32, 0], sizes = [32, 2048], strides = [1, 1]} : vector<128x2048xf32> to vector<32x2048xf32>
      %mul3A_288 = arith.constant 5.000000e-01 : f32
      %mul3A_289 = vector.broadcast %mul3A_288 : f32 to vector<32x2048xf32>
      %mul3A_290 = arith.mulf %mul3A_289, %slice3A_287 : vector<32x2048xf32>
      %tanh3A_291 = math.tanh %mul3A_290 : vector<32x2048xf32>
      %mul3A_292 = arith.constant 5.000000e-01 : f32
      %mul3A_293 = vector.broadcast %mul3A_292 : f32 to vector<32x2048xf32>
      %mul3A_294 = arith.mulf %mul3A_293, %tanh3A_291 : vector<32x2048xf32>
      %add3A_295 = arith.constant 5.000000e-01 : f32
      %add3A_296 = vector.broadcast %add3A_295 : f32 to vector<32x2048xf32>
      %add3A_297 = arith.addf %mul3A_294, %add3A_296 : vector<32x2048xf32>
      %slice3A_298 = vector.extract_strided_slice %add3A_275 {offsets = [64, 0], sizes = [32, 2048], strides = [1, 1]} : vector<128x2048xf32> to vector<32x2048xf32>
      %tanh3A_299 = math.tanh %slice3A_298 : vector<32x2048xf32>
      %slice3A_300 = vector.extract_strided_slice %add3A_275 {offsets = [96, 0], sizes = [32, 2048], strides = [1, 1]} : vector<128x2048xf32> to vector<32x2048xf32>
      %mul3A_301 = arith.constant 5.000000e-01 : f32
      %mul3A_302 = vector.broadcast %mul3A_301 : f32 to vector<32x2048xf32>
      %mul3A_303 = arith.mulf %mul3A_302, %slice3A_300 : vector<32x2048xf32>
      %tanh3A_304 = math.tanh %mul3A_303 : vector<32x2048xf32>
      %mul3A_305 = arith.constant 5.000000e-01 : f32
      %mul3A_306 = vector.broadcast %mul3A_305 : f32 to vector<32x2048xf32>
      %mul3A_307 = arith.mulf %mul3A_306, %tanh3A_304 : vector<32x2048xf32>
      %add3A_308 = arith.constant 5.000000e-01 : f32
      %add3A_309 = vector.broadcast %add3A_308 : f32 to vector<32x2048xf32>
      %add3A_310 = arith.addf %mul3A_307, %add3A_309 : vector<32x2048xf32>
      %mul3A_311 = arith.mulf %add3A_297, %select_n3A_196 : vector<32x2048xf32>
      %mul3A_312 = arith.mulf %add3A_286, %tanh3A_299 : vector<32x2048xf32>
      %add3A_313 = arith.addf %mul3A_311, %mul3A_312 : vector<32x2048xf32>
      %tanh3A_314 = math.tanh %add3A_313 : vector<32x2048xf32>
      %mul3A_315 = arith.mulf %add3A_310, %tanh3A_314 : vector<32x2048xf32>
      %lt3A_316 = vector.broadcast %sub3A_201 : i32 to vector<1x2048xi32>
      %lt3A_317 = arith.cmpi slt, %lt3A_316, %get3A_22 : vector<1x2048xi32>
      %broadcast_in_dim3A_318 = vector.shape_cast %lt3A_317 : vector<1x2048xi1> to vector<1x2048xi1>
      %broadcast_in_dim3A_319 = vector.broadcast %broadcast_in_dim3A_318 : vector<1x2048xi1> to vector<32x2048xi1>
      %select_n3A_320 = arith.select %broadcast_in_dim3A_319, %mul3A_315, %select_n3A_193 : vector<32x2048xi1>, vector<32x2048xf32>
      %broadcast_in_dim3A_321 = vector.shape_cast %lt3A_317 : vector<1x2048xi1> to vector<1x2048xi1>
      %broadcast_in_dim3A_322 = vector.broadcast %broadcast_in_dim3A_321 : vector<1x2048xi1> to vector<32x2048xi1>
      %select_n3A_323 = arith.select %broadcast_in_dim3A_322, %add3A_313, %select_n3A_196 : vector<32x2048xi1>, vector<32x2048xf32>
      %add3A_324 = arith.constant 2 : i32
      %add3A_325 = arith.addi %mul3A_74, %add3A_324 : i32
      %sub3A_326 = arith.constant 1 : i32
      %sub3A_327 = arith.subi %mul3A_53, %sub3A_326 : i32
      %sub3A_328 = arith.subi %sub3A_327, %add3A_325 : i32
      %get3A_329 = arith.index_cast %add3A_325 : i32 to index
      %get3A_330 = arith.constant 0 : index
      %get3A_331 = vector.load %arg1[%get3A_329, %get3A_330] : memref<32x2048xi32, #tpu.memory_space<vmem>>, vector<1x2048xi32>
      %eq3A_332 = vector.broadcast %get3A_331 : vector<1x2048xi32> to vector<128x2048xi32>
      %eq3A_333 = arith.cmpi eq, %eq3A_332, %iota3A : vector<128x2048xi32>
      %convert_element_type3A_334 = arith.extui %eq3A_333 : vector<128x2048xi1> to vector<128x2048xi32>
      %convert_element_type3A_335 = arith.sitofp %convert_element_type3A_334 : vector<128x2048xi32> to vector<128x2048xf32>
      %slice3A_336 = vector.extract_strided_slice %concatenate3A {offsets = [0, 0], sizes = [128, 128], strides = [1, 1]} : vector<256x128xf32> to vector<128x128xf32>
      %dot_general3A_337 = arith.constant dense<0.000000e+00> : vector<128x2048xf32>
      %dot_general3A_338 = tpu.matmul %slice3A_336, %convert_element_type3A_335, %dot_general3A_337 {dimension_numbers = #tpu.dot_dimension_numbers<[1], [0], [0], [1], [0, 0, 1, 1], [], []>, transpose_lhs_hint = false} : vector<128x128xf32>, vector<128x2048xf32>, vector<128x2048xf32> -> vector<128x2048xf32>
      %dot_general3A_339 = arith.constant dense<0.000000e+00> : vector<128x2048xf32>
      %dot_general3A_340 = tpu.matmul %get3A_25, %select_n3A_259, %dot_general3A_339 {dimension_numbers = #tpu.dot_dimension_numbers<[1], [0], [0], [1], [0, 0, 1, 1], [], []>, transpose_lhs_hint = false} : vector<128x32xf32>, vector<32x2048xf32>, vector<128x2048xf32> -> vector<128x2048xf32>
      %add3A_341 = arith.addf %dot_general3A_338, %dot_general3A_340 : vector<128x2048xf32>
      %slice3A_342 = vector.extract_strided_slice %add3A_341 {offsets = [0, 0], sizes = [32, 2048], strides = [1, 1]} : vector<128x2048xf32> to vector<32x2048xf32>
      %mul3A_343 = arith.constant 5.000000e-01 : f32
      %mul3A_344 = vector.broadcast %mul3A_343 : f32 to vector<32x2048xf32>
      %mul3A_345 = arith.mulf %mul3A_344, %slice3A_342 : vector<32x2048xf32>
      %tanh3A_346 = math.tanh %mul3A_345 : vector<32x2048xf32>
      %mul3A_347 = arith.constant 5.000000e-01 : f32
      %mul3A_348 = vector.broadcast %mul3A_347 : f32 to vector<32x2048xf32>
      %mul3A_349 = arith.mulf %mul3A_348, %tanh3A_346 : vector<32x2048xf32>
      %add3A_350 = arith.constant 5.000000e-01 : f32
      %add3A_351 = vector.broadcast %add3A_350 : f32 to vector<32x2048xf32>
      %add3A_352 = arith.addf %mul3A_349, %add3A_351 : vector<32x2048xf32>
      %slice3A_353 = vector.extract_strided_slice %add3A_341 {offsets = [32, 0], sizes = [32, 2048], strides = [1, 1]} : vector<128x2048xf32> to vector<32x2048xf32>
      %mul3A_354 = arith.constant 5.000000e-01 : f32
      %mul3A_355 = vector.broadcast %mul3A_354 : f32 to vector<32x2048xf32>
      %mul3A_356 = arith.mulf %mul3A_355, %slice3A_353 : vector<32x2048xf32>
      %tanh3A_357 = math.tanh %mul3A_356 : vector<32x2048xf32>
      %mul3A_358 = arith.constant 5.000000e-01 : f32
      %mul3A_359 = vector.broadcast %mul3A_358 : f32 to vector<32x2048xf32>
      %mul3A_360 = arith.mulf %mul3A_359, %tanh3A_357 : vector<32x2048xf32>
      %add3A_361 = arith.constant 5.000000e-01 : f32
      %add3A_362 = vector.broadcast %add3A_361 : f32 to vector<32x2048xf32>
      %add3A_363 = arith.addf %mul3A_360, %add3A_362 : vector<32x2048xf32>
      %slice3A_364 = vector.extract_strided_slice %add3A_341 {offsets = [64, 0], sizes = [32, 2048], strides = [1, 1]} : vector<128x2048xf32> to vector<32x2048xf32>
      %tanh3A_365 = math.tanh %slice3A_364 : vector<32x2048xf32>
      %slice3A_366 = vector.extract_strided_slice %add3A_341 {offsets = [96, 0], sizes = [32, 2048], strides = [1, 1]} : vector<128x2048xf32> to vector<32x2048xf32>
      %mul3A_367 = arith.constant 5.000000e-01 : f32
      %mul3A_368 = vector.broadcast %mul3A_367 : f32 to vector<32x2048xf32>
      %mul3A_369 = arith.mulf %mul3A_368, %slice3A_366 : vector<32x2048xf32>
      %tanh3A_370 = math.tanh %mul3A_369 : vector<32x2048xf32>
      %mul3A_371 = arith.constant 5.000000e-01 : f32
      %mul3A_372 = vector.broadcast %mul3A_371 : f32 to vector<32x2048xf32>
      %mul3A_373 = arith.mulf %mul3A_372, %tanh3A_370 : vector<32x2048xf32>
      %add3A_374 = arith.constant 5.000000e-01 : f32
      %add3A_375 = vector.broadcast %add3A_374 : f32 to vector<32x2048xf32>
      %add3A_376 = arith.addf %mul3A_373, %add3A_375 : vector<32x2048xf32>
      %mul3A_377 = arith.mulf %add3A_363, %select_n3A_262 : vector<32x2048xf32>
      %mul3A_378 = arith.mulf %add3A_352, %tanh3A_365 : vector<32x2048xf32>
      %add3A_379 = arith.addf %mul3A_377, %mul3A_378 : vector<32x2048xf32>
      %tanh3A_380 = math.tanh %add3A_379 : vector<32x2048xf32>
      %mul3A_381 = arith.mulf %add3A_376, %tanh3A_380 : vector<32x2048xf32>
      %lt3A_382 = vector.broadcast %add3A_325 : i32 to vector<1x2048xi32>
      %lt3A_383 = arith.cmpi slt, %lt3A_382, %get3A_22 : vector<1x2048xi32>
      %broadcast_in_dim3A_384 = vector.shape_cast %lt3A_383 : vector<1x2048xi1> to vector<1x2048xi1>
      %broadcast_in_dim3A_385 = vector.broadcast %broadcast_in_dim3A_384 : vector<1x2048xi1> to vector<32x2048xi1>
      %select_n3A_386 = arith.select %broadcast_in_dim3A_385, %mul3A_381, %select_n3A_259 : vector<32x2048xi1>, vector<32x2048xf32>
      %broadcast_in_dim3A_387 = vector.shape_cast %lt3A_383 : vector<1x2048xi1> to vector<1x2048xi1>
      %broadcast_in_dim3A_388 = vector.broadcast %broadcast_in_dim3A_387 : vector<1x2048xi1> to vector<32x2048xi1>
      %select_n3A_389 = arith.select %broadcast_in_dim3A_388, %add3A_379, %select_n3A_262 : vector<32x2048xi1>, vector<32x2048xf32>
      %get3A_390 = arith.index_cast %sub3A_328 : i32 to index
      %get3A_391 = arith.constant 0 : index
      %get3A_392 = vector.load %arg1[%get3A_390, %get3A_391] : memref<32x2048xi32, #tpu.memory_space<vmem>>, vector<1x2048xi32>
      %eq3A_393 = vector.broadcast %get3A_392 : vector<1x2048xi32> to vector<128x2048xi32>
      %eq3A_394 = arith.cmpi eq, %eq3A_393, %iota3A : vector<128x2048xi32>
      %convert_element_type3A_395 = arith.extui %eq3A_394 : vector<128x2048xi1> to vector<128x2048xi32>
      %convert_element_type3A_396 = arith.sitofp %convert_element_type3A_395 : vector<128x2048xi32> to vector<128x2048xf32>
      %slice3A_397 = vector.extract_strided_slice %concatenate3A {offsets = [128, 0], sizes = [128, 128], strides = [1, 1]} : vector<256x128xf32> to vector<128x128xf32>
      %dot_general3A_398 = arith.constant dense<0.000000e+00> : vector<128x2048xf32>
      %dot_general3A_399 = tpu.matmul %slice3A_397, %convert_element_type3A_396, %dot_general3A_398 {dimension_numbers = #tpu.dot_dimension_numbers<[1], [0], [0], [1], [0, 0, 1, 1], [], []>, transpose_lhs_hint = false} : vector<128x128xf32>, vector<128x2048xf32>, vector<128x2048xf32> -> vector<128x2048xf32>
      %dot_general3A_400 = arith.constant dense<0.000000e+00> : vector<128x2048xf32>
      %dot_general3A_401 = tpu.matmul %get3A_28, %select_n3A_320, %dot_general3A_400 {dimension_numbers = #tpu.dot_dimension_numbers<[1], [0], [0], [1], [0, 0, 1, 1], [], []>, transpose_lhs_hint = false} : vector<128x32xf32>, vector<32x2048xf32>, vector<128x2048xf32> -> vector<128x2048xf32>
      %add3A_402 = arith.addf %dot_general3A_399, %dot_general3A_401 : vector<128x2048xf32>
      %slice3A_403 = vector.extract_strided_slice %add3A_402 {offsets = [0, 0], sizes = [32, 2048], strides = [1, 1]} : vector<128x2048xf32> to vector<32x2048xf32>
      %mul3A_404 = arith.constant 5.000000e-01 : f32
      %mul3A_405 = vector.broadcast %mul3A_404 : f32 to vector<32x2048xf32>
      %mul3A_406 = arith.mulf %mul3A_405, %slice3A_403 : vector<32x2048xf32>
      %tanh3A_407 = math.tanh %mul3A_406 : vector<32x2048xf32>
      %mul3A_408 = arith.constant 5.000000e-01 : f32
      %mul3A_409 = vector.broadcast %mul3A_408 : f32 to vector<32x2048xf32>
      %mul3A_410 = arith.mulf %mul3A_409, %tanh3A_407 : vector<32x2048xf32>
      %add3A_411 = arith.constant 5.000000e-01 : f32
      %add3A_412 = vector.broadcast %add3A_411 : f32 to vector<32x2048xf32>
      %add3A_413 = arith.addf %mul3A_410, %add3A_412 : vector<32x2048xf32>
      %slice3A_414 = vector.extract_strided_slice %add3A_402 {offsets = [32, 0], sizes = [32, 2048], strides = [1, 1]} : vector<128x2048xf32> to vector<32x2048xf32>
      %mul3A_415 = arith.constant 5.000000e-01 : f32
      %mul3A_416 = vector.broadcast %mul3A_415 : f32 to vector<32x2048xf32>
      %mul3A_417 = arith.mulf %mul3A_416, %slice3A_414 : vector<32x2048xf32>
      %tanh3A_418 = math.tanh %mul3A_417 : vector<32x2048xf32>
      %mul3A_419 = arith.constant 5.000000e-01 : f32
      %mul3A_420 = vector.broadcast %mul3A_419 : f32 to vector<32x2048xf32>
      %mul3A_421 = arith.mulf %mul3A_420, %tanh3A_418 : vector<32x2048xf32>
      %add3A_422 = arith.constant 5.000000e-01 : f32
      %add3A_423 = vector.broadcast %add3A_422 : f32 to vector<32x2048xf32>
      %add3A_424 = arith.addf %mul3A_421, %add3A_423 : vector<32x2048xf32>
      %slice3A_425 = vector.extract_strided_slice %add3A_402 {offsets = [64, 0], sizes = [32, 2048], strides = [1, 1]} : vector<128x2048xf32> to vector<32x2048xf32>
      %tanh3A_426 = math.tanh %slice3A_425 : vector<32x2048xf32>
      %slice3A_427 = vector.extract_strided_slice %add3A_402 {offsets = [96, 0], sizes = [32, 2048], strides = [1, 1]} : vector<128x2048xf32> to vector<32x2048xf32>
      %mul3A_428 = arith.constant 5.000000e-01 : f32
      %mul3A_429 = vector.broadcast %mul3A_428 : f32 to vector<32x2048xf32>
      %mul3A_430 = arith.mulf %mul3A_429, %slice3A_427 : vector<32x2048xf32>
      %tanh3A_431 = math.tanh %mul3A_430 : vector<32x2048xf32>
      %mul3A_432 = arith.constant 5.000000e-01 : f32
      %mul3A_433 = vector.broadcast %mul3A_432 : f32 to vector<32x2048xf32>
      %mul3A_434 = arith.mulf %mul3A_433, %tanh3A_431 : vector<32x2048xf32>
      %add3A_435 = arith.constant 5.000000e-01 : f32
      %add3A_436 = vector.broadcast %add3A_435 : f32 to vector<32x2048xf32>
      %add3A_437 = arith.addf %mul3A_434, %add3A_436 : vector<32x2048xf32>
      %mul3A_438 = arith.mulf %add3A_424, %select_n3A_323 : vector<32x2048xf32>
      %mul3A_439 = arith.mulf %add3A_413, %tanh3A_426 : vector<32x2048xf32>
      %add3A_440 = arith.addf %mul3A_438, %mul3A_439 : vector<32x2048xf32>
      %tanh3A_441 = math.tanh %add3A_440 : vector<32x2048xf32>
      %mul3A_442 = arith.mulf %add3A_437, %tanh3A_441 : vector<32x2048xf32>
      %lt3A_443 = vector.broadcast %sub3A_328 : i32 to vector<1x2048xi32>
      %lt3A_444 = arith.cmpi slt, %lt3A_443, %get3A_22 : vector<1x2048xi32>
      %broadcast_in_dim3A_445 = vector.shape_cast %lt3A_444 : vector<1x2048xi1> to vector<1x2048xi1>
      %broadcast_in_dim3A_446 = vector.broadcast %broadcast_in_dim3A_445 : vector<1x2048xi1> to vector<32x2048xi1>
      %select_n3A_447 = arith.select %broadcast_in_dim3A_446, %mul3A_442, %select_n3A_320 : vector<32x2048xi1>, vector<32x2048xf32>
      %broadcast_in_dim3A_448 = vector.shape_cast %lt3A_444 : vector<1x2048xi1> to vector<1x2048xi1>
      %broadcast_in_dim3A_449 = vector.broadcast %broadcast_in_dim3A_448 : vector<1x2048xi1> to vector<32x2048xi1>
      %select_n3A_450 = arith.select %broadcast_in_dim3A_449, %add3A_440, %select_n3A_323 : vector<32x2048xi1>, vector<32x2048xf32>
      %add3A_451 = arith.constant 3 : i32
      %add3A_452 = arith.addi %mul3A_74, %add3A_451 : i32
      %sub3A_453 = arith.constant 1 : i32
      %sub3A_454 = arith.subi %mul3A_53, %sub3A_453 : i32
      %sub3A_455 = arith.subi %sub3A_454, %add3A_452 : i32
      %get3A_456 = arith.index_cast %add3A_452 : i32 to index
      %get3A_457 = arith.constant 0 : index
      %get3A_458 = vector.load %arg1[%get3A_456, %get3A_457] : memref<32x2048xi32, #tpu.memory_space<vmem>>, vector<1x2048xi32>
      %eq3A_459 = vector.broadcast %get3A_458 : vector<1x2048xi32> to vector<128x2048xi32>
      %eq3A_460 = arith.cmpi eq, %eq3A_459, %iota3A : vector<128x2048xi32>
      %convert_element_type3A_461 = arith.extui %eq3A_460 : vector<128x2048xi1> to vector<128x2048xi32>
      %convert_element_type3A_462 = arith.sitofp %convert_element_type3A_461 : vector<128x2048xi32> to vector<128x2048xf32>
      %slice3A_463 = vector.extract_strided_slice %concatenate3A {offsets = [0, 0], sizes = [128, 128], strides = [1, 1]} : vector<256x128xf32> to vector<128x128xf32>
      %dot_general3A_464 = arith.constant dense<0.000000e+00> : vector<128x2048xf32>
      %dot_general3A_465 = tpu.matmul %slice3A_463, %convert_element_type3A_462, %dot_general3A_464 {dimension_numbers = #tpu.dot_dimension_numbers<[1], [0], [0], [1], [0, 0, 1, 1], [], []>, transpose_lhs_hint = false} : vector<128x128xf32>, vector<128x2048xf32>, vector<128x2048xf32> -> vector<128x2048xf32>
      %dot_general3A_466 = arith.constant dense<0.000000e+00> : vector<128x2048xf32>
      %dot_general3A_467 = tpu.matmul %get3A_25, %select_n3A_386, %dot_general3A_466 {dimension_numbers = #tpu.dot_dimension_numbers<[1], [0], [0], [1], [0, 0, 1, 1], [], []>, transpose_lhs_hint = false} : vector<128x32xf32>, vector<32x2048xf32>, vector<128x2048xf32> -> vector<128x2048xf32>
      %add3A_468 = arith.addf %dot_general3A_465, %dot_general3A_467 : vector<128x2048xf32>
      %slice3A_469 = vector.extract_strided_slice %add3A_468 {offsets = [0, 0], sizes = [32, 2048], strides = [1, 1]} : vector<128x2048xf32> to vector<32x2048xf32>
      %mul3A_470 = arith.constant 5.000000e-01 : f32
      %mul3A_471 = vector.broadcast %mul3A_470 : f32 to vector<32x2048xf32>
      %mul3A_472 = arith.mulf %mul3A_471, %slice3A_469 : vector<32x2048xf32>
      %tanh3A_473 = math.tanh %mul3A_472 : vector<32x2048xf32>
      %mul3A_474 = arith.constant 5.000000e-01 : f32
      %mul3A_475 = vector.broadcast %mul3A_474 : f32 to vector<32x2048xf32>
      %mul3A_476 = arith.mulf %mul3A_475, %tanh3A_473 : vector<32x2048xf32>
      %add3A_477 = arith.constant 5.000000e-01 : f32
      %add3A_478 = vector.broadcast %add3A_477 : f32 to vector<32x2048xf32>
      %add3A_479 = arith.addf %mul3A_476, %add3A_478 : vector<32x2048xf32>
      %slice3A_480 = vector.extract_strided_slice %add3A_468 {offsets = [32, 0], sizes = [32, 2048], strides = [1, 1]} : vector<128x2048xf32> to vector<32x2048xf32>
      %mul3A_481 = arith.constant 5.000000e-01 : f32
      %mul3A_482 = vector.broadcast %mul3A_481 : f32 to vector<32x2048xf32>
      %mul3A_483 = arith.mulf %mul3A_482, %slice3A_480 : vector<32x2048xf32>
      %tanh3A_484 = math.tanh %mul3A_483 : vector<32x2048xf32>
      %mul3A_485 = arith.constant 5.000000e-01 : f32
      %mul3A_486 = vector.broadcast %mul3A_485 : f32 to vector<32x2048xf32>
      %mul3A_487 = arith.mulf %mul3A_486, %tanh3A_484 : vector<32x2048xf32>
      %add3A_488 = arith.constant 5.000000e-01 : f32
      %add3A_489 = vector.broadcast %add3A_488 : f32 to vector<32x2048xf32>
      %add3A_490 = arith.addf %mul3A_487, %add3A_489 : vector<32x2048xf32>
      %slice3A_491 = vector.extract_strided_slice %add3A_468 {offsets = [64, 0], sizes = [32, 2048], strides = [1, 1]} : vector<128x2048xf32> to vector<32x2048xf32>
      %tanh3A_492 = math.tanh %slice3A_491 : vector<32x2048xf32>
      %slice3A_493 = vector.extract_strided_slice %add3A_468 {offsets = [96, 0], sizes = [32, 2048], strides = [1, 1]} : vector<128x2048xf32> to vector<32x2048xf32>
      %mul3A_494 = arith.constant 5.000000e-01 : f32
      %mul3A_495 = vector.broadcast %mul3A_494 : f32 to vector<32x2048xf32>
      %mul3A_496 = arith.mulf %mul3A_495, %slice3A_493 : vector<32x2048xf32>
      %tanh3A_497 = math.tanh %mul3A_496 : vector<32x2048xf32>
      %mul3A_498 = arith.constant 5.000000e-01 : f32
      %mul3A_499 = vector.broadcast %mul3A_498 : f32 to vector<32x2048xf32>
      %mul3A_500 = arith.mulf %mul3A_499, %tanh3A_497 : vector<32x2048xf32>
      %add3A_501 = arith.constant 5.000000e-01 : f32
      %add3A_502 = vector.broadcast %add3A_501 : f32 to vector<32x2048xf32>
      %add3A_503 = arith.addf %mul3A_500, %add3A_502 : vector<32x2048xf32>
      %mul3A_504 = arith.mulf %add3A_490, %select_n3A_389 : vector<32x2048xf32>
      %mul3A_505 = arith.mulf %add3A_479, %tanh3A_492 : vector<32x2048xf32>
      %add3A_506 = arith.addf %mul3A_504, %mul3A_505 : vector<32x2048xf32>
      %tanh3A_507 = math.tanh %add3A_506 : vector<32x2048xf32>
      %mul3A_508 = arith.mulf %add3A_503, %tanh3A_507 : vector<32x2048xf32>
      %lt3A_509 = vector.broadcast %add3A_452 : i32 to vector<1x2048xi32>
      %lt3A_510 = arith.cmpi slt, %lt3A_509, %get3A_22 : vector<1x2048xi32>
      %broadcast_in_dim3A_511 = vector.shape_cast %lt3A_510 : vector<1x2048xi1> to vector<1x2048xi1>
      %broadcast_in_dim3A_512 = vector.broadcast %broadcast_in_dim3A_511 : vector<1x2048xi1> to vector<32x2048xi1>
      %select_n3A_513 = arith.select %broadcast_in_dim3A_512, %mul3A_508, %select_n3A_386 : vector<32x2048xi1>, vector<32x2048xf32>
      %broadcast_in_dim3A_514 = vector.shape_cast %lt3A_510 : vector<1x2048xi1> to vector<1x2048xi1>
      %broadcast_in_dim3A_515 = vector.broadcast %broadcast_in_dim3A_514 : vector<1x2048xi1> to vector<32x2048xi1>
      %select_n3A_516 = arith.select %broadcast_in_dim3A_515, %add3A_506, %select_n3A_389 : vector<32x2048xi1>, vector<32x2048xf32>
      %get3A_517 = arith.index_cast %sub3A_455 : i32 to index
      %get3A_518 = arith.constant 0 : index
      %get3A_519 = vector.load %arg1[%get3A_517, %get3A_518] : memref<32x2048xi32, #tpu.memory_space<vmem>>, vector<1x2048xi32>
      %eq3A_520 = vector.broadcast %get3A_519 : vector<1x2048xi32> to vector<128x2048xi32>
      %eq3A_521 = arith.cmpi eq, %eq3A_520, %iota3A : vector<128x2048xi32>
      %convert_element_type3A_522 = arith.extui %eq3A_521 : vector<128x2048xi1> to vector<128x2048xi32>
      %convert_element_type3A_523 = arith.sitofp %convert_element_type3A_522 : vector<128x2048xi32> to vector<128x2048xf32>
      %slice3A_524 = vector.extract_strided_slice %concatenate3A {offsets = [128, 0], sizes = [128, 128], strides = [1, 1]} : vector<256x128xf32> to vector<128x128xf32>
      %dot_general3A_525 = arith.constant dense<0.000000e+00> : vector<128x2048xf32>
      %dot_general3A_526 = tpu.matmul %slice3A_524, %convert_element_type3A_523, %dot_general3A_525 {dimension_numbers = #tpu.dot_dimension_numbers<[1], [0], [0], [1], [0, 0, 1, 1], [], []>, transpose_lhs_hint = false} : vector<128x128xf32>, vector<128x2048xf32>, vector<128x2048xf32> -> vector<128x2048xf32>
      %dot_general3A_527 = arith.constant dense<0.000000e+00> : vector<128x2048xf32>
      %dot_general3A_528 = tpu.matmul %get3A_28, %select_n3A_447, %dot_general3A_527 {dimension_numbers = #tpu.dot_dimension_numbers<[1], [0], [0], [1], [0, 0, 1, 1], [], []>, transpose_lhs_hint = false} : vector<128x32xf32>, vector<32x2048xf32>, vector<128x2048xf32> -> vector<128x2048xf32>
      %add3A_529 = arith.addf %dot_general3A_526, %dot_general3A_528 : vector<128x2048xf32>
      %slice3A_530 = vector.extract_strided_slice %add3A_529 {offsets = [0, 0], sizes = [32, 2048], strides = [1, 1]} : vector<128x2048xf32> to vector<32x2048xf32>
      %mul3A_531 = arith.constant 5.000000e-01 : f32
      %mul3A_532 = vector.broadcast %mul3A_531 : f32 to vector<32x2048xf32>
      %mul3A_533 = arith.mulf %mul3A_532, %slice3A_530 : vector<32x2048xf32>
      %tanh3A_534 = math.tanh %mul3A_533 : vector<32x2048xf32>
      %mul3A_535 = arith.constant 5.000000e-01 : f32
      %mul3A_536 = vector.broadcast %mul3A_535 : f32 to vector<32x2048xf32>
      %mul3A_537 = arith.mulf %mul3A_536, %tanh3A_534 : vector<32x2048xf32>
      %add3A_538 = arith.constant 5.000000e-01 : f32
      %add3A_539 = vector.broadcast %add3A_538 : f32 to vector<32x2048xf32>
      %add3A_540 = arith.addf %mul3A_537, %add3A_539 : vector<32x2048xf32>
      %slice3A_541 = vector.extract_strided_slice %add3A_529 {offsets = [32, 0], sizes = [32, 2048], strides = [1, 1]} : vector<128x2048xf32> to vector<32x2048xf32>
      %mul3A_542 = arith.constant 5.000000e-01 : f32
      %mul3A_543 = vector.broadcast %mul3A_542 : f32 to vector<32x2048xf32>
      %mul3A_544 = arith.mulf %mul3A_543, %slice3A_541 : vector<32x2048xf32>
      %tanh3A_545 = math.tanh %mul3A_544 : vector<32x2048xf32>
      %mul3A_546 = arith.constant 5.000000e-01 : f32
      %mul3A_547 = vector.broadcast %mul3A_546 : f32 to vector<32x2048xf32>
      %mul3A_548 = arith.mulf %mul3A_547, %tanh3A_545 : vector<32x2048xf32>
      %add3A_549 = arith.constant 5.000000e-01 : f32
      %add3A_550 = vector.broadcast %add3A_549 : f32 to vector<32x2048xf32>
      %add3A_551 = arith.addf %mul3A_548, %add3A_550 : vector<32x2048xf32>
      %slice3A_552 = vector.extract_strided_slice %add3A_529 {offsets = [64, 0], sizes = [32, 2048], strides = [1, 1]} : vector<128x2048xf32> to vector<32x2048xf32>
      %tanh3A_553 = math.tanh %slice3A_552 : vector<32x2048xf32>
      %slice3A_554 = vector.extract_strided_slice %add3A_529 {offsets = [96, 0], sizes = [32, 2048], strides = [1, 1]} : vector<128x2048xf32> to vector<32x2048xf32>
      %mul3A_555 = arith.constant 5.000000e-01 : f32
      %mul3A_556 = vector.broadcast %mul3A_555 : f32 to vector<32x2048xf32>
      %mul3A_557 = arith.mulf %mul3A_556, %slice3A_554 : vector<32x2048xf32>
      %tanh3A_558 = math.tanh %mul3A_557 : vector<32x2048xf32>
      %mul3A_559 = arith.constant 5.000000e-01 : f32
      %mul3A_560 = vector.broadcast %mul3A_559 : f32 to vector<32x2048xf32>
      %mul3A_561 = arith.mulf %mul3A_560, %tanh3A_558 : vector<32x2048xf32>
      %add3A_562 = arith.constant 5.000000e-01 : f32
      %add3A_563 = vector.broadcast %add3A_562 : f32 to vector<32x2048xf32>
      %add3A_564 = arith.addf %mul3A_561, %add3A_563 : vector<32x2048xf32>
      %mul3A_565 = arith.mulf %add3A_551, %select_n3A_450 : vector<32x2048xf32>
      %mul3A_566 = arith.mulf %add3A_540, %tanh3A_553 : vector<32x2048xf32>
      %add3A_567 = arith.addf %mul3A_565, %mul3A_566 : vector<32x2048xf32>
      %tanh3A_568 = math.tanh %add3A_567 : vector<32x2048xf32>
      %mul3A_569 = arith.mulf %add3A_564, %tanh3A_568 : vector<32x2048xf32>
      %lt3A_570 = vector.broadcast %sub3A_455 : i32 to vector<1x2048xi32>
      %lt3A_571 = arith.cmpi slt, %lt3A_570, %get3A_22 : vector<1x2048xi32>
      %broadcast_in_dim3A_572 = vector.shape_cast %lt3A_571 : vector<1x2048xi1> to vector<1x2048xi1>
      %broadcast_in_dim3A_573 = vector.broadcast %broadcast_in_dim3A_572 : vector<1x2048xi1> to vector<32x2048xi1>
      %select_n3A_574 = arith.select %broadcast_in_dim3A_573, %mul3A_569, %select_n3A_447 : vector<32x2048xi1>, vector<32x2048xf32>
      %broadcast_in_dim3A_575 = vector.shape_cast %lt3A_571 : vector<1x2048xi1> to vector<1x2048xi1>
      %broadcast_in_dim3A_576 = vector.broadcast %broadcast_in_dim3A_575 : vector<1x2048xi1> to vector<32x2048xi1>
      %select_n3A_577 = arith.select %broadcast_in_dim3A_576, %add3A_567, %select_n3A_450 : vector<32x2048xi1>, vector<32x2048xf32>
      %add3A_578 = arith.constant 4 : i32
      %add3A_579 = arith.addi %mul3A_74, %add3A_578 : i32
      %sub3A_580 = arith.constant 1 : i32
      %sub3A_581 = arith.subi %mul3A_53, %sub3A_580 : i32
      %sub3A_582 = arith.subi %sub3A_581, %add3A_579 : i32
      %get3A_583 = arith.index_cast %add3A_579 : i32 to index
      %get3A_584 = arith.constant 0 : index
      %get3A_585 = vector.load %arg1[%get3A_583, %get3A_584] : memref<32x2048xi32, #tpu.memory_space<vmem>>, vector<1x2048xi32>
      %eq3A_586 = vector.broadcast %get3A_585 : vector<1x2048xi32> to vector<128x2048xi32>
      %eq3A_587 = arith.cmpi eq, %eq3A_586, %iota3A : vector<128x2048xi32>
      %convert_element_type3A_588 = arith.extui %eq3A_587 : vector<128x2048xi1> to vector<128x2048xi32>
      %convert_element_type3A_589 = arith.sitofp %convert_element_type3A_588 : vector<128x2048xi32> to vector<128x2048xf32>
      %slice3A_590 = vector.extract_strided_slice %concatenate3A {offsets = [0, 0], sizes = [128, 128], strides = [1, 1]} : vector<256x128xf32> to vector<128x128xf32>
      %dot_general3A_591 = arith.constant dense<0.000000e+00> : vector<128x2048xf32>
      %dot_general3A_592 = tpu.matmul %slice3A_590, %convert_element_type3A_589, %dot_general3A_591 {dimension_numbers = #tpu.dot_dimension_numbers<[1], [0], [0], [1], [0, 0, 1, 1], [], []>, transpose_lhs_hint = false} : vector<128x128xf32>, vector<128x2048xf32>, vector<128x2048xf32> -> vector<128x2048xf32>
      %dot_general3A_593 = arith.constant dense<0.000000e+00> : vector<128x2048xf32>
      %dot_general3A_594 = tpu.matmul %get3A_25, %select_n3A_513, %dot_general3A_593 {dimension_numbers = #tpu.dot_dimension_numbers<[1], [0], [0], [1], [0, 0, 1, 1], [], []>, transpose_lhs_hint = false} : vector<128x32xf32>, vector<32x2048xf32>, vector<128x2048xf32> -> vector<128x2048xf32>
      %add3A_595 = arith.addf %dot_general3A_592, %dot_general3A_594 : vector<128x2048xf32>
      %slice3A_596 = vector.extract_strided_slice %add3A_595 {offsets = [0, 0], sizes = [32, 2048], strides = [1, 1]} : vector<128x2048xf32> to vector<32x2048xf32>
      %mul3A_597 = arith.constant 5.000000e-01 : f32
      %mul3A_598 = vector.broadcast %mul3A_597 : f32 to vector<32x2048xf32>
      %mul3A_599 = arith.mulf %mul3A_598, %slice3A_596 : vector<32x2048xf32>
      %tanh3A_600 = math.tanh %mul3A_599 : vector<32x2048xf32>
      %mul3A_601 = arith.constant 5.000000e-01 : f32
      %mul3A_602 = vector.broadcast %mul3A_601 : f32 to vector<32x2048xf32>
      %mul3A_603 = arith.mulf %mul3A_602, %tanh3A_600 : vector<32x2048xf32>
      %add3A_604 = arith.constant 5.000000e-01 : f32
      %add3A_605 = vector.broadcast %add3A_604 : f32 to vector<32x2048xf32>
      %add3A_606 = arith.addf %mul3A_603, %add3A_605 : vector<32x2048xf32>
      %slice3A_607 = vector.extract_strided_slice %add3A_595 {offsets = [32, 0], sizes = [32, 2048], strides = [1, 1]} : vector<128x2048xf32> to vector<32x2048xf32>
      %mul3A_608 = arith.constant 5.000000e-01 : f32
      %mul3A_609 = vector.broadcast %mul3A_608 : f32 to vector<32x2048xf32>
      %mul3A_610 = arith.mulf %mul3A_609, %slice3A_607 : vector<32x2048xf32>
      %tanh3A_611 = math.tanh %mul3A_610 : vector<32x2048xf32>
      %mul3A_612 = arith.constant 5.000000e-01 : f32
      %mul3A_613 = vector.broadcast %mul3A_612 : f32 to vector<32x2048xf32>
      %mul3A_614 = arith.mulf %mul3A_613, %tanh3A_611 : vector<32x2048xf32>
      %add3A_615 = arith.constant 5.000000e-01 : f32
      %add3A_616 = vector.broadcast %add3A_615 : f32 to vector<32x2048xf32>
      %add3A_617 = arith.addf %mul3A_614, %add3A_616 : vector<32x2048xf32>
      %slice3A_618 = vector.extract_strided_slice %add3A_595 {offsets = [64, 0], sizes = [32, 2048], strides = [1, 1]} : vector<128x2048xf32> to vector<32x2048xf32>
      %tanh3A_619 = math.tanh %slice3A_618 : vector<32x2048xf32>
      %slice3A_620 = vector.extract_strided_slice %add3A_595 {offsets = [96, 0], sizes = [32, 2048], strides = [1, 1]} : vector<128x2048xf32> to vector<32x2048xf32>
      %mul3A_621 = arith.constant 5.000000e-01 : f32
      %mul3A_622 = vector.broadcast %mul3A_621 : f32 to vector<32x2048xf32>
      %mul3A_623 = arith.mulf %mul3A_622, %slice3A_620 : vector<32x2048xf32>
      %tanh3A_624 = math.tanh %mul3A_623 : vector<32x2048xf32>
      %mul3A_625 = arith.constant 5.000000e-01 : f32
      %mul3A_626 = vector.broadcast %mul3A_625 : f32 to vector<32x2048xf32>
      %mul3A_627 = arith.mulf %mul3A_626, %tanh3A_624 : vector<32x2048xf32>
      %add3A_628 = arith.constant 5.000000e-01 : f32
      %add3A_629 = vector.broadcast %add3A_628 : f32 to vector<32x2048xf32>
      %add3A_630 = arith.addf %mul3A_627, %add3A_629 : vector<32x2048xf32>
      %mul3A_631 = arith.mulf %add3A_617, %select_n3A_516 : vector<32x2048xf32>
      %mul3A_632 = arith.mulf %add3A_606, %tanh3A_619 : vector<32x2048xf32>
      %add3A_633 = arith.addf %mul3A_631, %mul3A_632 : vector<32x2048xf32>
      %tanh3A_634 = math.tanh %add3A_633 : vector<32x2048xf32>
      %mul3A_635 = arith.mulf %add3A_630, %tanh3A_634 : vector<32x2048xf32>
      %lt3A_636 = vector.broadcast %add3A_579 : i32 to vector<1x2048xi32>
      %lt3A_637 = arith.cmpi slt, %lt3A_636, %get3A_22 : vector<1x2048xi32>
      %broadcast_in_dim3A_638 = vector.shape_cast %lt3A_637 : vector<1x2048xi1> to vector<1x2048xi1>
      %broadcast_in_dim3A_639 = vector.broadcast %broadcast_in_dim3A_638 : vector<1x2048xi1> to vector<32x2048xi1>
      %select_n3A_640 = arith.select %broadcast_in_dim3A_639, %mul3A_635, %select_n3A_513 : vector<32x2048xi1>, vector<32x2048xf32>
      %broadcast_in_dim3A_641 = vector.shape_cast %lt3A_637 : vector<1x2048xi1> to vector<1x2048xi1>
      %broadcast_in_dim3A_642 = vector.broadcast %broadcast_in_dim3A_641 : vector<1x2048xi1> to vector<32x2048xi1>
      %select_n3A_643 = arith.select %broadcast_in_dim3A_642, %add3A_633, %select_n3A_516 : vector<32x2048xi1>, vector<32x2048xf32>
      %get3A_644 = arith.index_cast %sub3A_582 : i32 to index
      %get3A_645 = arith.constant 0 : index
      %get3A_646 = vector.load %arg1[%get3A_644, %get3A_645] : memref<32x2048xi32, #tpu.memory_space<vmem>>, vector<1x2048xi32>
      %eq3A_647 = vector.broadcast %get3A_646 : vector<1x2048xi32> to vector<128x2048xi32>
      %eq3A_648 = arith.cmpi eq, %eq3A_647, %iota3A : vector<128x2048xi32>
      %convert_element_type3A_649 = arith.extui %eq3A_648 : vector<128x2048xi1> to vector<128x2048xi32>
      %convert_element_type3A_650 = arith.sitofp %convert_element_type3A_649 : vector<128x2048xi32> to vector<128x2048xf32>
      %slice3A_651 = vector.extract_strided_slice %concatenate3A {offsets = [128, 0], sizes = [128, 128], strides = [1, 1]} : vector<256x128xf32> to vector<128x128xf32>
      %dot_general3A_652 = arith.constant dense<0.000000e+00> : vector<128x2048xf32>
      %dot_general3A_653 = tpu.matmul %slice3A_651, %convert_element_type3A_650, %dot_general3A_652 {dimension_numbers = #tpu.dot_dimension_numbers<[1], [0], [0], [1], [0, 0, 1, 1], [], []>, transpose_lhs_hint = false} : vector<128x128xf32>, vector<128x2048xf32>, vector<128x2048xf32> -> vector<128x2048xf32>
      %dot_general3A_654 = arith.constant dense<0.000000e+00> : vector<128x2048xf32>
      %dot_general3A_655 = tpu.matmul %get3A_28, %select_n3A_574, %dot_general3A_654 {dimension_numbers = #tpu.dot_dimension_numbers<[1], [0], [0], [1], [0, 0, 1, 1], [], []>, transpose_lhs_hint = false} : vector<128x32xf32>, vector<32x2048xf32>, vector<128x2048xf32> -> vector<128x2048xf32>
      %add3A_656 = arith.addf %dot_general3A_653, %dot_general3A_655 : vector<128x2048xf32>
      %slice3A_657 = vector.extract_strided_slice %add3A_656 {offsets = [0, 0], sizes = [32, 2048], strides = [1, 1]} : vector<128x2048xf32> to vector<32x2048xf32>
      %mul3A_658 = arith.constant 5.000000e-01 : f32
      %mul3A_659 = vector.broadcast %mul3A_658 : f32 to vector<32x2048xf32>
      %mul3A_660 = arith.mulf %mul3A_659, %slice3A_657 : vector<32x2048xf32>
      %tanh3A_661 = math.tanh %mul3A_660 : vector<32x2048xf32>
      %mul3A_662 = arith.constant 5.000000e-01 : f32
      %mul3A_663 = vector.broadcast %mul3A_662 : f32 to vector<32x2048xf32>
      %mul3A_664 = arith.mulf %mul3A_663, %tanh3A_661 : vector<32x2048xf32>
      %add3A_665 = arith.constant 5.000000e-01 : f32
      %add3A_666 = vector.broadcast %add3A_665 : f32 to vector<32x2048xf32>
      %add3A_667 = arith.addf %mul3A_664, %add3A_666 : vector<32x2048xf32>
      %slice3A_668 = vector.extract_strided_slice %add3A_656 {offsets = [32, 0], sizes = [32, 2048], strides = [1, 1]} : vector<128x2048xf32> to vector<32x2048xf32>
      %mul3A_669 = arith.constant 5.000000e-01 : f32
      %mul3A_670 = vector.broadcast %mul3A_669 : f32 to vector<32x2048xf32>
      %mul3A_671 = arith.mulf %mul3A_670, %slice3A_668 : vector<32x2048xf32>
      %tanh3A_672 = math.tanh %mul3A_671 : vector<32x2048xf32>
      %mul3A_673 = arith.constant 5.000000e-01 : f32
      %mul3A_674 = vector.broadcast %mul3A_673 : f32 to vector<32x2048xf32>
      %mul3A_675 = arith.mulf %mul3A_674, %tanh3A_672 : vector<32x2048xf32>
      %add3A_676 = arith.constant 5.000000e-01 : f32
      %add3A_677 = vector.broadcast %add3A_676 : f32 to vector<32x2048xf32>
      %add3A_678 = arith.addf %mul3A_675, %add3A_677 : vector<32x2048xf32>
      %slice3A_679 = vector.extract_strided_slice %add3A_656 {offsets = [64, 0], sizes = [32, 2048], strides = [1, 1]} : vector<128x2048xf32> to vector<32x2048xf32>
      %tanh3A_680 = math.tanh %slice3A_679 : vector<32x2048xf32>
      %slice3A_681 = vector.extract_strided_slice %add3A_656 {offsets = [96, 0], sizes = [32, 2048], strides = [1, 1]} : vector<128x2048xf32> to vector<32x2048xf32>
      %mul3A_682 = arith.constant 5.000000e-01 : f32
      %mul3A_683 = vector.broadcast %mul3A_682 : f32 to vector<32x2048xf32>
      %mul3A_684 = arith.mulf %mul3A_683, %slice3A_681 : vector<32x2048xf32>
      %tanh3A_685 = math.tanh %mul3A_684 : vector<32x2048xf32>
      %mul3A_686 = arith.constant 5.000000e-01 : f32
      %mul3A_687 = vector.broadcast %mul3A_686 : f32 to vector<32x2048xf32>
      %mul3A_688 = arith.mulf %mul3A_687, %tanh3A_685 : vector<32x2048xf32>
      %add3A_689 = arith.constant 5.000000e-01 : f32
      %add3A_690 = vector.broadcast %add3A_689 : f32 to vector<32x2048xf32>
      %add3A_691 = arith.addf %mul3A_688, %add3A_690 : vector<32x2048xf32>
      %mul3A_692 = arith.mulf %add3A_678, %select_n3A_577 : vector<32x2048xf32>
      %mul3A_693 = arith.mulf %add3A_667, %tanh3A_680 : vector<32x2048xf32>
      %add3A_694 = arith.addf %mul3A_692, %mul3A_693 : vector<32x2048xf32>
      %tanh3A_695 = math.tanh %add3A_694 : vector<32x2048xf32>
      %mul3A_696 = arith.mulf %add3A_691, %tanh3A_695 : vector<32x2048xf32>
      %lt3A_697 = vector.broadcast %sub3A_582 : i32 to vector<1x2048xi32>
      %lt3A_698 = arith.cmpi slt, %lt3A_697, %get3A_22 : vector<1x2048xi32>
      %broadcast_in_dim3A_699 = vector.shape_cast %lt3A_698 : vector<1x2048xi1> to vector<1x2048xi1>
      %broadcast_in_dim3A_700 = vector.broadcast %broadcast_in_dim3A_699 : vector<1x2048xi1> to vector<32x2048xi1>
      %select_n3A_701 = arith.select %broadcast_in_dim3A_700, %mul3A_696, %select_n3A_574 : vector<32x2048xi1>, vector<32x2048xf32>
      %broadcast_in_dim3A_702 = vector.shape_cast %lt3A_698 : vector<1x2048xi1> to vector<1x2048xi1>
      %broadcast_in_dim3A_703 = vector.broadcast %broadcast_in_dim3A_702 : vector<1x2048xi1> to vector<32x2048xi1>
      %select_n3A_704 = arith.select %broadcast_in_dim3A_703, %add3A_694, %select_n3A_577 : vector<32x2048xi1>, vector<32x2048xf32>
      %add3A_705 = arith.constant 5 : i32
      %add3A_706 = arith.addi %mul3A_74, %add3A_705 : i32
      %sub3A_707 = arith.constant 1 : i32
      %sub3A_708 = arith.subi %mul3A_53, %sub3A_707 : i32
      %sub3A_709 = arith.subi %sub3A_708, %add3A_706 : i32
      %get3A_710 = arith.index_cast %add3A_706 : i32 to index
      %get3A_711 = arith.constant 0 : index
      %get3A_712 = vector.load %arg1[%get3A_710, %get3A_711] : memref<32x2048xi32, #tpu.memory_space<vmem>>, vector<1x2048xi32>
      %eq3A_713 = vector.broadcast %get3A_712 : vector<1x2048xi32> to vector<128x2048xi32>
      %eq3A_714 = arith.cmpi eq, %eq3A_713, %iota3A : vector<128x2048xi32>
      %convert_element_type3A_715 = arith.extui %eq3A_714 : vector<128x2048xi1> to vector<128x2048xi32>
      %convert_element_type3A_716 = arith.sitofp %convert_element_type3A_715 : vector<128x2048xi32> to vector<128x2048xf32>
      %slice3A_717 = vector.extract_strided_slice %concatenate3A {offsets = [0, 0], sizes = [128, 128], strides = [1, 1]} : vector<256x128xf32> to vector<128x128xf32>
      %dot_general3A_718 = arith.constant dense<0.000000e+00> : vector<128x2048xf32>
      %dot_general3A_719 = tpu.matmul %slice3A_717, %convert_element_type3A_716, %dot_general3A_718 {dimension_numbers = #tpu.dot_dimension_numbers<[1], [0], [0], [1], [0, 0, 1, 1], [], []>, transpose_lhs_hint = false} : vector<128x128xf32>, vector<128x2048xf32>, vector<128x2048xf32> -> vector<128x2048xf32>
      %dot_general3A_720 = arith.constant dense<0.000000e+00> : vector<128x2048xf32>
      %dot_general3A_721 = tpu.matmul %get3A_25, %select_n3A_640, %dot_general3A_720 {dimension_numbers = #tpu.dot_dimension_numbers<[1], [0], [0], [1], [0, 0, 1, 1], [], []>, transpose_lhs_hint = false} : vector<128x32xf32>, vector<32x2048xf32>, vector<128x2048xf32> -> vector<128x2048xf32>
      %add3A_722 = arith.addf %dot_general3A_719, %dot_general3A_721 : vector<128x2048xf32>
      %slice3A_723 = vector.extract_strided_slice %add3A_722 {offsets = [0, 0], sizes = [32, 2048], strides = [1, 1]} : vector<128x2048xf32> to vector<32x2048xf32>
      %mul3A_724 = arith.constant 5.000000e-01 : f32
      %mul3A_725 = vector.broadcast %mul3A_724 : f32 to vector<32x2048xf32>
      %mul3A_726 = arith.mulf %mul3A_725, %slice3A_723 : vector<32x2048xf32>
      %tanh3A_727 = math.tanh %mul3A_726 : vector<32x2048xf32>
      %mul3A_728 = arith.constant 5.000000e-01 : f32
      %mul3A_729 = vector.broadcast %mul3A_728 : f32 to vector<32x2048xf32>
      %mul3A_730 = arith.mulf %mul3A_729, %tanh3A_727 : vector<32x2048xf32>
      %add3A_731 = arith.constant 5.000000e-01 : f32
      %add3A_732 = vector.broadcast %add3A_731 : f32 to vector<32x2048xf32>
      %add3A_733 = arith.addf %mul3A_730, %add3A_732 : vector<32x2048xf32>
      %slice3A_734 = vector.extract_strided_slice %add3A_722 {offsets = [32, 0], sizes = [32, 2048], strides = [1, 1]} : vector<128x2048xf32> to vector<32x2048xf32>
      %mul3A_735 = arith.constant 5.000000e-01 : f32
      %mul3A_736 = vector.broadcast %mul3A_735 : f32 to vector<32x2048xf32>
      %mul3A_737 = arith.mulf %mul3A_736, %slice3A_734 : vector<32x2048xf32>
      %tanh3A_738 = math.tanh %mul3A_737 : vector<32x2048xf32>
      %mul3A_739 = arith.constant 5.000000e-01 : f32
      %mul3A_740 = vector.broadcast %mul3A_739 : f32 to vector<32x2048xf32>
      %mul3A_741 = arith.mulf %mul3A_740, %tanh3A_738 : vector<32x2048xf32>
      %add3A_742 = arith.constant 5.000000e-01 : f32
      %add3A_743 = vector.broadcast %add3A_742 : f32 to vector<32x2048xf32>
      %add3A_744 = arith.addf %mul3A_741, %add3A_743 : vector<32x2048xf32>
      %slice3A_745 = vector.extract_strided_slice %add3A_722 {offsets = [64, 0], sizes = [32, 2048], strides = [1, 1]} : vector<128x2048xf32> to vector<32x2048xf32>
      %tanh3A_746 = math.tanh %slice3A_745 : vector<32x2048xf32>
      %slice3A_747 = vector.extract_strided_slice %add3A_722 {offsets = [96, 0], sizes = [32, 2048], strides = [1, 1]} : vector<128x2048xf32> to vector<32x2048xf32>
      %mul3A_748 = arith.constant 5.000000e-01 : f32
      %mul3A_749 = vector.broadcast %mul3A_748 : f32 to vector<32x2048xf32>
      %mul3A_750 = arith.mulf %mul3A_749, %slice3A_747 : vector<32x2048xf32>
      %tanh3A_751 = math.tanh %mul3A_750 : vector<32x2048xf32>
      %mul3A_752 = arith.constant 5.000000e-01 : f32
      %mul3A_753 = vector.broadcast %mul3A_752 : f32 to vector<32x2048xf32>
      %mul3A_754 = arith.mulf %mul3A_753, %tanh3A_751 : vector<32x2048xf32>
      %add3A_755 = arith.constant 5.000000e-01 : f32
      %add3A_756 = vector.broadcast %add3A_755 : f32 to vector<32x2048xf32>
      %add3A_757 = arith.addf %mul3A_754, %add3A_756 : vector<32x2048xf32>
      %mul3A_758 = arith.mulf %add3A_744, %select_n3A_643 : vector<32x2048xf32>
      %mul3A_759 = arith.mulf %add3A_733, %tanh3A_746 : vector<32x2048xf32>
      %add3A_760 = arith.addf %mul3A_758, %mul3A_759 : vector<32x2048xf32>
      %tanh3A_761 = math.tanh %add3A_760 : vector<32x2048xf32>
      %mul3A_762 = arith.mulf %add3A_757, %tanh3A_761 : vector<32x2048xf32>
      %lt3A_763 = vector.broadcast %add3A_706 : i32 to vector<1x2048xi32>
      %lt3A_764 = arith.cmpi slt, %lt3A_763, %get3A_22 : vector<1x2048xi32>
      %broadcast_in_dim3A_765 = vector.shape_cast %lt3A_764 : vector<1x2048xi1> to vector<1x2048xi1>
      %broadcast_in_dim3A_766 = vector.broadcast %broadcast_in_dim3A_765 : vector<1x2048xi1> to vector<32x2048xi1>
      %select_n3A_767 = arith.select %broadcast_in_dim3A_766, %mul3A_762, %select_n3A_640 : vector<32x2048xi1>, vector<32x2048xf32>
      %broadcast_in_dim3A_768 = vector.shape_cast %lt3A_764 : vector<1x2048xi1> to vector<1x2048xi1>
      %broadcast_in_dim3A_769 = vector.broadcast %broadcast_in_dim3A_768 : vector<1x2048xi1> to vector<32x2048xi1>
      %select_n3A_770 = arith.select %broadcast_in_dim3A_769, %add3A_760, %select_n3A_643 : vector<32x2048xi1>, vector<32x2048xf32>
      %get3A_771 = arith.index_cast %sub3A_709 : i32 to index
      %get3A_772 = arith.constant 0 : index
      %get3A_773 = vector.load %arg1[%get3A_771, %get3A_772] : memref<32x2048xi32, #tpu.memory_space<vmem>>, vector<1x2048xi32>
      %eq3A_774 = vector.broadcast %get3A_773 : vector<1x2048xi32> to vector<128x2048xi32>
      %eq3A_775 = arith.cmpi eq, %eq3A_774, %iota3A : vector<128x2048xi32>
      %convert_element_type3A_776 = arith.extui %eq3A_775 : vector<128x2048xi1> to vector<128x2048xi32>
      %convert_element_type3A_777 = arith.sitofp %convert_element_type3A_776 : vector<128x2048xi32> to vector<128x2048xf32>
      %slice3A_778 = vector.extract_strided_slice %concatenate3A {offsets = [128, 0], sizes = [128, 128], strides = [1, 1]} : vector<256x128xf32> to vector<128x128xf32>
      %dot_general3A_779 = arith.constant dense<0.000000e+00> : vector<128x2048xf32>
      %dot_general3A_780 = tpu.matmul %slice3A_778, %convert_element_type3A_777, %dot_general3A_779 {dimension_numbers = #tpu.dot_dimension_numbers<[1], [0], [0], [1], [0, 0, 1, 1], [], []>, transpose_lhs_hint = false} : vector<128x128xf32>, vector<128x2048xf32>, vector<128x2048xf32> -> vector<128x2048xf32>
      %dot_general3A_781 = arith.constant dense<0.000000e+00> : vector<128x2048xf32>
      %dot_general3A_782 = tpu.matmul %get3A_28, %select_n3A_701, %dot_general3A_781 {dimension_numbers = #tpu.dot_dimension_numbers<[1], [0], [0], [1], [0, 0, 1, 1], [], []>, transpose_lhs_hint = false} : vector<128x32xf32>, vector<32x2048xf32>, vector<128x2048xf32> -> vector<128x2048xf32>
      %add3A_783 = arith.addf %dot_general3A_780, %dot_general3A_782 : vector<128x2048xf32>
      %slice3A_784 = vector.extract_strided_slice %add3A_783 {offsets = [0, 0], sizes = [32, 2048], strides = [1, 1]} : vector<128x2048xf32> to vector<32x2048xf32>
      %mul3A_785 = arith.constant 5.000000e-01 : f32
      %mul3A_786 = vector.broadcast %mul3A_785 : f32 to vector<32x2048xf32>
      %mul3A_787 = arith.mulf %mul3A_786, %slice3A_784 : vector<32x2048xf32>
      %tanh3A_788 = math.tanh %mul3A_787 : vector<32x2048xf32>
      %mul3A_789 = arith.constant 5.000000e-01 : f32
      %mul3A_790 = vector.broadcast %mul3A_789 : f32 to vector<32x2048xf32>
      %mul3A_791 = arith.mulf %mul3A_790, %tanh3A_788 : vector<32x2048xf32>
      %add3A_792 = arith.constant 5.000000e-01 : f32
      %add3A_793 = vector.broadcast %add3A_792 : f32 to vector<32x2048xf32>
      %add3A_794 = arith.addf %mul3A_791, %add3A_793 : vector<32x2048xf32>
      %slice3A_795 = vector.extract_strided_slice %add3A_783 {offsets = [32, 0], sizes = [32, 2048], strides = [1, 1]} : vector<128x2048xf32> to vector<32x2048xf32>
      %mul3A_796 = arith.constant 5.000000e-01 : f32
      %mul3A_797 = vector.broadcast %mul3A_796 : f32 to vector<32x2048xf32>
      %mul3A_798 = arith.mulf %mul3A_797, %slice3A_795 : vector<32x2048xf32>
      %tanh3A_799 = math.tanh %mul3A_798 : vector<32x2048xf32>
      %mul3A_800 = arith.constant 5.000000e-01 : f32
      %mul3A_801 = vector.broadcast %mul3A_800 : f32 to vector<32x2048xf32>
      %mul3A_802 = arith.mulf %mul3A_801, %tanh3A_799 : vector<32x2048xf32>
      %add3A_803 = arith.constant 5.000000e-01 : f32
      %add3A_804 = vector.broadcast %add3A_803 : f32 to vector<32x2048xf32>
      %add3A_805 = arith.addf %mul3A_802, %add3A_804 : vector<32x2048xf32>
      %slice3A_806 = vector.extract_strided_slice %add3A_783 {offsets = [64, 0], sizes = [32, 2048], strides = [1, 1]} : vector<128x2048xf32> to vector<32x2048xf32>
      %tanh3A_807 = math.tanh %slice3A_806 : vector<32x2048xf32>
      %slice3A_808 = vector.extract_strided_slice %add3A_783 {offsets = [96, 0], sizes = [32, 2048], strides = [1, 1]} : vector<128x2048xf32> to vector<32x2048xf32>
      %mul3A_809 = arith.constant 5.000000e-01 : f32
      %mul3A_810 = vector.broadcast %mul3A_809 : f32 to vector<32x2048xf32>
      %mul3A_811 = arith.mulf %mul3A_810, %slice3A_808 : vector<32x2048xf32>
      %tanh3A_812 = math.tanh %mul3A_811 : vector<32x2048xf32>
      %mul3A_813 = arith.constant 5.000000e-01 : f32
      %mul3A_814 = vector.broadcast %mul3A_813 : f32 to vector<32x2048xf32>
      %mul3A_815 = arith.mulf %mul3A_814, %tanh3A_812 : vector<32x2048xf32>
      %add3A_816 = arith.constant 5.000000e-01 : f32
      %add3A_817 = vector.broadcast %add3A_816 : f32 to vector<32x2048xf32>
      %add3A_818 = arith.addf %mul3A_815, %add3A_817 : vector<32x2048xf32>
      %mul3A_819 = arith.mulf %add3A_805, %select_n3A_704 : vector<32x2048xf32>
      %mul3A_820 = arith.mulf %add3A_794, %tanh3A_807 : vector<32x2048xf32>
      %add3A_821 = arith.addf %mul3A_819, %mul3A_820 : vector<32x2048xf32>
      %tanh3A_822 = math.tanh %add3A_821 : vector<32x2048xf32>
      %mul3A_823 = arith.mulf %add3A_818, %tanh3A_822 : vector<32x2048xf32>
      %lt3A_824 = vector.broadcast %sub3A_709 : i32 to vector<1x2048xi32>
      %lt3A_825 = arith.cmpi slt, %lt3A_824, %get3A_22 : vector<1x2048xi32>
      %broadcast_in_dim3A_826 = vector.shape_cast %lt3A_825 : vector<1x2048xi1> to vector<1x2048xi1>
      %broadcast_in_dim3A_827 = vector.broadcast %broadcast_in_dim3A_826 : vector<1x2048xi1> to vector<32x2048xi1>
      %select_n3A_828 = arith.select %broadcast_in_dim3A_827, %mul3A_823, %select_n3A_701 : vector<32x2048xi1>, vector<32x2048xf32>
      %broadcast_in_dim3A_829 = vector.shape_cast %lt3A_825 : vector<1x2048xi1> to vector<1x2048xi1>
      %broadcast_in_dim3A_830 = vector.broadcast %broadcast_in_dim3A_829 : vector<1x2048xi1> to vector<32x2048xi1>
      %select_n3A_831 = arith.select %broadcast_in_dim3A_830, %add3A_821, %select_n3A_704 : vector<32x2048xi1>, vector<32x2048xf32>
      %add3A_832 = arith.constant 6 : i32
      %add3A_833 = arith.addi %mul3A_74, %add3A_832 : i32
      %sub3A_834 = arith.constant 1 : i32
      %sub3A_835 = arith.subi %mul3A_53, %sub3A_834 : i32
      %sub3A_836 = arith.subi %sub3A_835, %add3A_833 : i32
      %get3A_837 = arith.index_cast %add3A_833 : i32 to index
      %get3A_838 = arith.constant 0 : index
      %get3A_839 = vector.load %arg1[%get3A_837, %get3A_838] : memref<32x2048xi32, #tpu.memory_space<vmem>>, vector<1x2048xi32>
      %eq3A_840 = vector.broadcast %get3A_839 : vector<1x2048xi32> to vector<128x2048xi32>
      %eq3A_841 = arith.cmpi eq, %eq3A_840, %iota3A : vector<128x2048xi32>
      %convert_element_type3A_842 = arith.extui %eq3A_841 : vector<128x2048xi1> to vector<128x2048xi32>
      %convert_element_type3A_843 = arith.sitofp %convert_element_type3A_842 : vector<128x2048xi32> to vector<128x2048xf32>
      %slice3A_844 = vector.extract_strided_slice %concatenate3A {offsets = [0, 0], sizes = [128, 128], strides = [1, 1]} : vector<256x128xf32> to vector<128x128xf32>
      %dot_general3A_845 = arith.constant dense<0.000000e+00> : vector<128x2048xf32>
      %dot_general3A_846 = tpu.matmul %slice3A_844, %convert_element_type3A_843, %dot_general3A_845 {dimension_numbers = #tpu.dot_dimension_numbers<[1], [0], [0], [1], [0, 0, 1, 1], [], []>, transpose_lhs_hint = false} : vector<128x128xf32>, vector<128x2048xf32>, vector<128x2048xf32> -> vector<128x2048xf32>
      %dot_general3A_847 = arith.constant dense<0.000000e+00> : vector<128x2048xf32>
      %dot_general3A_848 = tpu.matmul %get3A_25, %select_n3A_767, %dot_general3A_847 {dimension_numbers = #tpu.dot_dimension_numbers<[1], [0], [0], [1], [0, 0, 1, 1], [], []>, transpose_lhs_hint = false} : vector<128x32xf32>, vector<32x2048xf32>, vector<128x2048xf32> -> vector<128x2048xf32>
      %add3A_849 = arith.addf %dot_general3A_846, %dot_general3A_848 : vector<128x2048xf32>
      %slice3A_850 = vector.extract_strided_slice %add3A_849 {offsets = [0, 0], sizes = [32, 2048], strides = [1, 1]} : vector<128x2048xf32> to vector<32x2048xf32>
      %mul3A_851 = arith.constant 5.000000e-01 : f32
      %mul3A_852 = vector.broadcast %mul3A_851 : f32 to vector<32x2048xf32>
      %mul3A_853 = arith.mulf %mul3A_852, %slice3A_850 : vector<32x2048xf32>
      %tanh3A_854 = math.tanh %mul3A_853 : vector<32x2048xf32>
      %mul3A_855 = arith.constant 5.000000e-01 : f32
      %mul3A_856 = vector.broadcast %mul3A_855 : f32 to vector<32x2048xf32>
      %mul3A_857 = arith.mulf %mul3A_856, %tanh3A_854 : vector<32x2048xf32>
      %add3A_858 = arith.constant 5.000000e-01 : f32
      %add3A_859 = vector.broadcast %add3A_858 : f32 to vector<32x2048xf32>
      %add3A_860 = arith.addf %mul3A_857, %add3A_859 : vector<32x2048xf32>
      %slice3A_861 = vector.extract_strided_slice %add3A_849 {offsets = [32, 0], sizes = [32, 2048], strides = [1, 1]} : vector<128x2048xf32> to vector<32x2048xf32>
      %mul3A_862 = arith.constant 5.000000e-01 : f32
      %mul3A_863 = vector.broadcast %mul3A_862 : f32 to vector<32x2048xf32>
      %mul3A_864 = arith.mulf %mul3A_863, %slice3A_861 : vector<32x2048xf32>
      %tanh3A_865 = math.tanh %mul3A_864 : vector<32x2048xf32>
      %mul3A_866 = arith.constant 5.000000e-01 : f32
      %mul3A_867 = vector.broadcast %mul3A_866 : f32 to vector<32x2048xf32>
      %mul3A_868 = arith.mulf %mul3A_867, %tanh3A_865 : vector<32x2048xf32>
      %add3A_869 = arith.constant 5.000000e-01 : f32
      %add3A_870 = vector.broadcast %add3A_869 : f32 to vector<32x2048xf32>
      %add3A_871 = arith.addf %mul3A_868, %add3A_870 : vector<32x2048xf32>
      %slice3A_872 = vector.extract_strided_slice %add3A_849 {offsets = [64, 0], sizes = [32, 2048], strides = [1, 1]} : vector<128x2048xf32> to vector<32x2048xf32>
      %tanh3A_873 = math.tanh %slice3A_872 : vector<32x2048xf32>
      %slice3A_874 = vector.extract_strided_slice %add3A_849 {offsets = [96, 0], sizes = [32, 2048], strides = [1, 1]} : vector<128x2048xf32> to vector<32x2048xf32>
      %mul3A_875 = arith.constant 5.000000e-01 : f32
      %mul3A_876 = vector.broadcast %mul3A_875 : f32 to vector<32x2048xf32>
      %mul3A_877 = arith.mulf %mul3A_876, %slice3A_874 : vector<32x2048xf32>
      %tanh3A_878 = math.tanh %mul3A_877 : vector<32x2048xf32>
      %mul3A_879 = arith.constant 5.000000e-01 : f32
      %mul3A_880 = vector.broadcast %mul3A_879 : f32 to vector<32x2048xf32>
      %mul3A_881 = arith.mulf %mul3A_880, %tanh3A_878 : vector<32x2048xf32>
      %add3A_882 = arith.constant 5.000000e-01 : f32
      %add3A_883 = vector.broadcast %add3A_882 : f32 to vector<32x2048xf32>
      %add3A_884 = arith.addf %mul3A_881, %add3A_883 : vector<32x2048xf32>
      %mul3A_885 = arith.mulf %add3A_871, %select_n3A_770 : vector<32x2048xf32>
      %mul3A_886 = arith.mulf %add3A_860, %tanh3A_873 : vector<32x2048xf32>
      %add3A_887 = arith.addf %mul3A_885, %mul3A_886 : vector<32x2048xf32>
      %tanh3A_888 = math.tanh %add3A_887 : vector<32x2048xf32>
      %mul3A_889 = arith.mulf %add3A_884, %tanh3A_888 : vector<32x2048xf32>
      %lt3A_890 = vector.broadcast %add3A_833 : i32 to vector<1x2048xi32>
      %lt3A_891 = arith.cmpi slt, %lt3A_890, %get3A_22 : vector<1x2048xi32>
      %broadcast_in_dim3A_892 = vector.shape_cast %lt3A_891 : vector<1x2048xi1> to vector<1x2048xi1>
      %broadcast_in_dim3A_893 = vector.broadcast %broadcast_in_dim3A_892 : vector<1x2048xi1> to vector<32x2048xi1>
      %select_n3A_894 = arith.select %broadcast_in_dim3A_893, %mul3A_889, %select_n3A_767 : vector<32x2048xi1>, vector<32x2048xf32>
      %broadcast_in_dim3A_895 = vector.shape_cast %lt3A_891 : vector<1x2048xi1> to vector<1x2048xi1>
      %broadcast_in_dim3A_896 = vector.broadcast %broadcast_in_dim3A_895 : vector<1x2048xi1> to vector<32x2048xi1>
      %select_n3A_897 = arith.select %broadcast_in_dim3A_896, %add3A_887, %select_n3A_770 : vector<32x2048xi1>, vector<32x2048xf32>
      %get3A_898 = arith.index_cast %sub3A_836 : i32 to index
      %get3A_899 = arith.constant 0 : index
      %get3A_900 = vector.load %arg1[%get3A_898, %get3A_899] : memref<32x2048xi32, #tpu.memory_space<vmem>>, vector<1x2048xi32>
      %eq3A_901 = vector.broadcast %get3A_900 : vector<1x2048xi32> to vector<128x2048xi32>
      %eq3A_902 = arith.cmpi eq, %eq3A_901, %iota3A : vector<128x2048xi32>
      %convert_element_type3A_903 = arith.extui %eq3A_902 : vector<128x2048xi1> to vector<128x2048xi32>
      %convert_element_type3A_904 = arith.sitofp %convert_element_type3A_903 : vector<128x2048xi32> to vector<128x2048xf32>
      %slice3A_905 = vector.extract_strided_slice %concatenate3A {offsets = [128, 0], sizes = [128, 128], strides = [1, 1]} : vector<256x128xf32> to vector<128x128xf32>
      %dot_general3A_906 = arith.constant dense<0.000000e+00> : vector<128x2048xf32>
      %dot_general3A_907 = tpu.matmul %slice3A_905, %convert_element_type3A_904, %dot_general3A_906 {dimension_numbers = #tpu.dot_dimension_numbers<[1], [0], [0], [1], [0, 0, 1, 1], [], []>, transpose_lhs_hint = false} : vector<128x128xf32>, vector<128x2048xf32>, vector<128x2048xf32> -> vector<128x2048xf32>
      %dot_general3A_908 = arith.constant dense<0.000000e+00> : vector<128x2048xf32>
      %dot_general3A_909 = tpu.matmul %get3A_28, %select_n3A_828, %dot_general3A_908 {dimension_numbers = #tpu.dot_dimension_numbers<[1], [0], [0], [1], [0, 0, 1, 1], [], []>, transpose_lhs_hint = false} : vector<128x32xf32>, vector<32x2048xf32>, vector<128x2048xf32> -> vector<128x2048xf32>
      %add3A_910 = arith.addf %dot_general3A_907, %dot_general3A_909 : vector<128x2048xf32>
      %slice3A_911 = vector.extract_strided_slice %add3A_910 {offsets = [0, 0], sizes = [32, 2048], strides = [1, 1]} : vector<128x2048xf32> to vector<32x2048xf32>
      %mul3A_912 = arith.constant 5.000000e-01 : f32
      %mul3A_913 = vector.broadcast %mul3A_912 : f32 to vector<32x2048xf32>
      %mul3A_914 = arith.mulf %mul3A_913, %slice3A_911 : vector<32x2048xf32>
      %tanh3A_915 = math.tanh %mul3A_914 : vector<32x2048xf32>
      %mul3A_916 = arith.constant 5.000000e-01 : f32
      %mul3A_917 = vector.broadcast %mul3A_916 : f32 to vector<32x2048xf32>
      %mul3A_918 = arith.mulf %mul3A_917, %tanh3A_915 : vector<32x2048xf32>
      %add3A_919 = arith.constant 5.000000e-01 : f32
      %add3A_920 = vector.broadcast %add3A_919 : f32 to vector<32x2048xf32>
      %add3A_921 = arith.addf %mul3A_918, %add3A_920 : vector<32x2048xf32>
      %slice3A_922 = vector.extract_strided_slice %add3A_910 {offsets = [32, 0], sizes = [32, 2048], strides = [1, 1]} : vector<128x2048xf32> to vector<32x2048xf32>
      %mul3A_923 = arith.constant 5.000000e-01 : f32
      %mul3A_924 = vector.broadcast %mul3A_923 : f32 to vector<32x2048xf32>
      %mul3A_925 = arith.mulf %mul3A_924, %slice3A_922 : vector<32x2048xf32>
      %tanh3A_926 = math.tanh %mul3A_925 : vector<32x2048xf32>
      %mul3A_927 = arith.constant 5.000000e-01 : f32
      %mul3A_928 = vector.broadcast %mul3A_927 : f32 to vector<32x2048xf32>
      %mul3A_929 = arith.mulf %mul3A_928, %tanh3A_926 : vector<32x2048xf32>
      %add3A_930 = arith.constant 5.000000e-01 : f32
      %add3A_931 = vector.broadcast %add3A_930 : f32 to vector<32x2048xf32>
      %add3A_932 = arith.addf %mul3A_929, %add3A_931 : vector<32x2048xf32>
      %slice3A_933 = vector.extract_strided_slice %add3A_910 {offsets = [64, 0], sizes = [32, 2048], strides = [1, 1]} : vector<128x2048xf32> to vector<32x2048xf32>
      %tanh3A_934 = math.tanh %slice3A_933 : vector<32x2048xf32>
      %slice3A_935 = vector.extract_strided_slice %add3A_910 {offsets = [96, 0], sizes = [32, 2048], strides = [1, 1]} : vector<128x2048xf32> to vector<32x2048xf32>
      %mul3A_936 = arith.constant 5.000000e-01 : f32
      %mul3A_937 = vector.broadcast %mul3A_936 : f32 to vector<32x2048xf32>
      %mul3A_938 = arith.mulf %mul3A_937, %slice3A_935 : vector<32x2048xf32>
      %tanh3A_939 = math.tanh %mul3A_938 : vector<32x2048xf32>
      %mul3A_940 = arith.constant 5.000000e-01 : f32
      %mul3A_941 = vector.broadcast %mul3A_940 : f32 to vector<32x2048xf32>
      %mul3A_942 = arith.mulf %mul3A_941, %tanh3A_939 : vector<32x2048xf32>
      %add3A_943 = arith.constant 5.000000e-01 : f32
      %add3A_944 = vector.broadcast %add3A_943 : f32 to vector<32x2048xf32>
      %add3A_945 = arith.addf %mul3A_942, %add3A_944 : vector<32x2048xf32>
      %mul3A_946 = arith.mulf %add3A_932, %select_n3A_831 : vector<32x2048xf32>
      %mul3A_947 = arith.mulf %add3A_921, %tanh3A_934 : vector<32x2048xf32>
      %add3A_948 = arith.addf %mul3A_946, %mul3A_947 : vector<32x2048xf32>
      %tanh3A_949 = math.tanh %add3A_948 : vector<32x2048xf32>
      %mul3A_950 = arith.mulf %add3A_945, %tanh3A_949 : vector<32x2048xf32>
      %lt3A_951 = vector.broadcast %sub3A_836 : i32 to vector<1x2048xi32>
      %lt3A_952 = arith.cmpi slt, %lt3A_951, %get3A_22 : vector<1x2048xi32>
      %broadcast_in_dim3A_953 = vector.shape_cast %lt3A_952 : vector<1x2048xi1> to vector<1x2048xi1>
      %broadcast_in_dim3A_954 = vector.broadcast %broadcast_in_dim3A_953 : vector<1x2048xi1> to vector<32x2048xi1>
      %select_n3A_955 = arith.select %broadcast_in_dim3A_954, %mul3A_950, %select_n3A_828 : vector<32x2048xi1>, vector<32x2048xf32>
      %broadcast_in_dim3A_956 = vector.shape_cast %lt3A_952 : vector<1x2048xi1> to vector<1x2048xi1>
      %broadcast_in_dim3A_957 = vector.broadcast %broadcast_in_dim3A_956 : vector<1x2048xi1> to vector<32x2048xi1>
      %select_n3A_958 = arith.select %broadcast_in_dim3A_957, %add3A_948, %select_n3A_831 : vector<32x2048xi1>, vector<32x2048xf32>
      %add3A_959 = arith.constant 7 : i32
      %add3A_960 = arith.addi %mul3A_74, %add3A_959 : i32
      %sub3A_961 = arith.constant 1 : i32
      %sub3A_962 = arith.subi %mul3A_53, %sub3A_961 : i32
      %sub3A_963 = arith.subi %sub3A_962, %add3A_960 : i32
      %get3A_964 = arith.index_cast %add3A_960 : i32 to index
      %get3A_965 = arith.constant 0 : index
      %get3A_966 = vector.load %arg1[%get3A_964, %get3A_965] : memref<32x2048xi32, #tpu.memory_space<vmem>>, vector<1x2048xi32>
      %eq3A_967 = vector.broadcast %get3A_966 : vector<1x2048xi32> to vector<128x2048xi32>
      %eq3A_968 = arith.cmpi eq, %eq3A_967, %iota3A : vector<128x2048xi32>
      %convert_element_type3A_969 = arith.extui %eq3A_968 : vector<128x2048xi1> to vector<128x2048xi32>
      %convert_element_type3A_970 = arith.sitofp %convert_element_type3A_969 : vector<128x2048xi32> to vector<128x2048xf32>
      %slice3A_971 = vector.extract_strided_slice %concatenate3A {offsets = [0, 0], sizes = [128, 128], strides = [1, 1]} : vector<256x128xf32> to vector<128x128xf32>
      %dot_general3A_972 = arith.constant dense<0.000000e+00> : vector<128x2048xf32>
      %dot_general3A_973 = tpu.matmul %slice3A_971, %convert_element_type3A_970, %dot_general3A_972 {dimension_numbers = #tpu.dot_dimension_numbers<[1], [0], [0], [1], [0, 0, 1, 1], [], []>, transpose_lhs_hint = false} : vector<128x128xf32>, vector<128x2048xf32>, vector<128x2048xf32> -> vector<128x2048xf32>
      %dot_general3A_974 = arith.constant dense<0.000000e+00> : vector<128x2048xf32>
      %dot_general3A_975 = tpu.matmul %get3A_25, %select_n3A_894, %dot_general3A_974 {dimension_numbers = #tpu.dot_dimension_numbers<[1], [0], [0], [1], [0, 0, 1, 1], [], []>, transpose_lhs_hint = false} : vector<128x32xf32>, vector<32x2048xf32>, vector<128x2048xf32> -> vector<128x2048xf32>
      %add3A_976 = arith.addf %dot_general3A_973, %dot_general3A_975 : vector<128x2048xf32>
      %slice3A_977 = vector.extract_strided_slice %add3A_976 {offsets = [0, 0], sizes = [32, 2048], strides = [1, 1]} : vector<128x2048xf32> to vector<32x2048xf32>
      %mul3A_978 = arith.constant 5.000000e-01 : f32
      %mul3A_979 = vector.broadcast %mul3A_978 : f32 to vector<32x2048xf32>
      %mul3A_980 = arith.mulf %mul3A_979, %slice3A_977 : vector<32x2048xf32>
      %tanh3A_981 = math.tanh %mul3A_980 : vector<32x2048xf32>
      %mul3A_982 = arith.constant 5.000000e-01 : f32
      %mul3A_983 = vector.broadcast %mul3A_982 : f32 to vector<32x2048xf32>
      %mul3A_984 = arith.mulf %mul3A_983, %tanh3A_981 : vector<32x2048xf32>
      %add3A_985 = arith.constant 5.000000e-01 : f32
      %add3A_986 = vector.broadcast %add3A_985 : f32 to vector<32x2048xf32>
      %add3A_987 = arith.addf %mul3A_984, %add3A_986 : vector<32x2048xf32>
      %slice3A_988 = vector.extract_strided_slice %add3A_976 {offsets = [32, 0], sizes = [32, 2048], strides = [1, 1]} : vector<128x2048xf32> to vector<32x2048xf32>
      %mul3A_989 = arith.constant 5.000000e-01 : f32
      %mul3A_990 = vector.broadcast %mul3A_989 : f32 to vector<32x2048xf32>
      %mul3A_991 = arith.mulf %mul3A_990, %slice3A_988 : vector<32x2048xf32>
      %tanh3A_992 = math.tanh %mul3A_991 : vector<32x2048xf32>
      %mul3A_993 = arith.constant 5.000000e-01 : f32
      %mul3A_994 = vector.broadcast %mul3A_993 : f32 to vector<32x2048xf32>
      %mul3A_995 = arith.mulf %mul3A_994, %tanh3A_992 : vector<32x2048xf32>
      %add3A_996 = arith.constant 5.000000e-01 : f32
      %add3A_997 = vector.broadcast %add3A_996 : f32 to vector<32x2048xf32>
      %add3A_998 = arith.addf %mul3A_995, %add3A_997 : vector<32x2048xf32>
      %slice3A_999 = vector.extract_strided_slice %add3A_976 {offsets = [64, 0], sizes = [32, 2048], strides = [1, 1]} : vector<128x2048xf32> to vector<32x2048xf32>
      %tanh3A_1000 = math.tanh %slice3A_999 : vector<32x2048xf32>
      %slice3A_1001 = vector.extract_strided_slice %add3A_976 {offsets = [96, 0], sizes = [32, 2048], strides = [1, 1]} : vector<128x2048xf32> to vector<32x2048xf32>
      %mul3A_1002 = arith.constant 5.000000e-01 : f32
      %mul3A_1003 = vector.broadcast %mul3A_1002 : f32 to vector<32x2048xf32>
      %mul3A_1004 = arith.mulf %mul3A_1003, %slice3A_1001 : vector<32x2048xf32>
      %tanh3A_1005 = math.tanh %mul3A_1004 : vector<32x2048xf32>
      %mul3A_1006 = arith.constant 5.000000e-01 : f32
      %mul3A_1007 = vector.broadcast %mul3A_1006 : f32 to vector<32x2048xf32>
      %mul3A_1008 = arith.mulf %mul3A_1007, %tanh3A_1005 : vector<32x2048xf32>
      %add3A_1009 = arith.constant 5.000000e-01 : f32
      %add3A_1010 = vector.broadcast %add3A_1009 : f32 to vector<32x2048xf32>
      %add3A_1011 = arith.addf %mul3A_1008, %add3A_1010 : vector<32x2048xf32>
      %mul3A_1012 = arith.mulf %add3A_998, %select_n3A_897 : vector<32x2048xf32>
      %mul3A_1013 = arith.mulf %add3A_987, %tanh3A_1000 : vector<32x2048xf32>
      %add3A_1014 = arith.addf %mul3A_1012, %mul3A_1013 : vector<32x2048xf32>
      %tanh3A_1015 = math.tanh %add3A_1014 : vector<32x2048xf32>
      %mul3A_1016 = arith.mulf %add3A_1011, %tanh3A_1015 : vector<32x2048xf32>
      %lt3A_1017 = vector.broadcast %add3A_960 : i32 to vector<1x2048xi32>
      %lt3A_1018 = arith.cmpi slt, %lt3A_1017, %get3A_22 : vector<1x2048xi32>
      %broadcast_in_dim3A_1019 = vector.shape_cast %lt3A_1018 : vector<1x2048xi1> to vector<1x2048xi1>
      %broadcast_in_dim3A_1020 = vector.broadcast %broadcast_in_dim3A_1019 : vector<1x2048xi1> to vector<32x2048xi1>
      %select_n3A_1021 = arith.select %broadcast_in_dim3A_1020, %mul3A_1016, %select_n3A_894 : vector<32x2048xi1>, vector<32x2048xf32>
      %broadcast_in_dim3A_1022 = vector.shape_cast %lt3A_1018 : vector<1x2048xi1> to vector<1x2048xi1>
      %broadcast_in_dim3A_1023 = vector.broadcast %broadcast_in_dim3A_1022 : vector<1x2048xi1> to vector<32x2048xi1>
      %select_n3A_1024 = arith.select %broadcast_in_dim3A_1023, %add3A_1014, %select_n3A_897 : vector<32x2048xi1>, vector<32x2048xf32>
      %get3A_1025 = arith.index_cast %sub3A_963 : i32 to index
      %get3A_1026 = arith.constant 0 : index
      %get3A_1027 = vector.load %arg1[%get3A_1025, %get3A_1026] : memref<32x2048xi32, #tpu.memory_space<vmem>>, vector<1x2048xi32>
      %eq3A_1028 = vector.broadcast %get3A_1027 : vector<1x2048xi32> to vector<128x2048xi32>
      %eq3A_1029 = arith.cmpi eq, %eq3A_1028, %iota3A : vector<128x2048xi32>
      %convert_element_type3A_1030 = arith.extui %eq3A_1029 : vector<128x2048xi1> to vector<128x2048xi32>
      %convert_element_type3A_1031 = arith.sitofp %convert_element_type3A_1030 : vector<128x2048xi32> to vector<128x2048xf32>
      %slice3A_1032 = vector.extract_strided_slice %concatenate3A {offsets = [128, 0], sizes = [128, 128], strides = [1, 1]} : vector<256x128xf32> to vector<128x128xf32>
      %dot_general3A_1033 = arith.constant dense<0.000000e+00> : vector<128x2048xf32>
      %dot_general3A_1034 = tpu.matmul %slice3A_1032, %convert_element_type3A_1031, %dot_general3A_1033 {dimension_numbers = #tpu.dot_dimension_numbers<[1], [0], [0], [1], [0, 0, 1, 1], [], []>, transpose_lhs_hint = false} : vector<128x128xf32>, vector<128x2048xf32>, vector<128x2048xf32> -> vector<128x2048xf32>
      %dot_general3A_1035 = arith.constant dense<0.000000e+00> : vector<128x2048xf32>
      %dot_general3A_1036 = tpu.matmul %get3A_28, %select_n3A_955, %dot_general3A_1035 {dimension_numbers = #tpu.dot_dimension_numbers<[1], [0], [0], [1], [0, 0, 1, 1], [], []>, transpose_lhs_hint = false} : vector<128x32xf32>, vector<32x2048xf32>, vector<128x2048xf32> -> vector<128x2048xf32>
      %add3A_1037 = arith.addf %dot_general3A_1034, %dot_general3A_1036 : vector<128x2048xf32>
      %slice3A_1038 = vector.extract_strided_slice %add3A_1037 {offsets = [0, 0], sizes = [32, 2048], strides = [1, 1]} : vector<128x2048xf32> to vector<32x2048xf32>
      %mul3A_1039 = arith.constant 5.000000e-01 : f32
      %mul3A_1040 = vector.broadcast %mul3A_1039 : f32 to vector<32x2048xf32>
      %mul3A_1041 = arith.mulf %mul3A_1040, %slice3A_1038 : vector<32x2048xf32>
      %tanh3A_1042 = math.tanh %mul3A_1041 : vector<32x2048xf32>
      %mul3A_1043 = arith.constant 5.000000e-01 : f32
      %mul3A_1044 = vector.broadcast %mul3A_1043 : f32 to vector<32x2048xf32>
      %mul3A_1045 = arith.mulf %mul3A_1044, %tanh3A_1042 : vector<32x2048xf32>
      %add3A_1046 = arith.constant 5.000000e-01 : f32
      %add3A_1047 = vector.broadcast %add3A_1046 : f32 to vector<32x2048xf32>
      %add3A_1048 = arith.addf %mul3A_1045, %add3A_1047 : vector<32x2048xf32>
      %slice3A_1049 = vector.extract_strided_slice %add3A_1037 {offsets = [32, 0], sizes = [32, 2048], strides = [1, 1]} : vector<128x2048xf32> to vector<32x2048xf32>
      %mul3A_1050 = arith.constant 5.000000e-01 : f32
      %mul3A_1051 = vector.broadcast %mul3A_1050 : f32 to vector<32x2048xf32>
      %mul3A_1052 = arith.mulf %mul3A_1051, %slice3A_1049 : vector<32x2048xf32>
      %tanh3A_1053 = math.tanh %mul3A_1052 : vector<32x2048xf32>
      %mul3A_1054 = arith.constant 5.000000e-01 : f32
      %mul3A_1055 = vector.broadcast %mul3A_1054 : f32 to vector<32x2048xf32>
      %mul3A_1056 = arith.mulf %mul3A_1055, %tanh3A_1053 : vector<32x2048xf32>
      %add3A_1057 = arith.constant 5.000000e-01 : f32
      %add3A_1058 = vector.broadcast %add3A_1057 : f32 to vector<32x2048xf32>
      %add3A_1059 = arith.addf %mul3A_1056, %add3A_1058 : vector<32x2048xf32>
      %slice3A_1060 = vector.extract_strided_slice %add3A_1037 {offsets = [64, 0], sizes = [32, 2048], strides = [1, 1]} : vector<128x2048xf32> to vector<32x2048xf32>
      %tanh3A_1061 = math.tanh %slice3A_1060 : vector<32x2048xf32>
      %slice3A_1062 = vector.extract_strided_slice %add3A_1037 {offsets = [96, 0], sizes = [32, 2048], strides = [1, 1]} : vector<128x2048xf32> to vector<32x2048xf32>
      %mul3A_1063 = arith.constant 5.000000e-01 : f32
      %mul3A_1064 = vector.broadcast %mul3A_1063 : f32 to vector<32x2048xf32>
      %mul3A_1065 = arith.mulf %mul3A_1064, %slice3A_1062 : vector<32x2048xf32>
      %tanh3A_1066 = math.tanh %mul3A_1065 : vector<32x2048xf32>
      %mul3A_1067 = arith.constant 5.000000e-01 : f32
      %mul3A_1068 = vector.broadcast %mul3A_1067 : f32 to vector<32x2048xf32>
      %mul3A_1069 = arith.mulf %mul3A_1068, %tanh3A_1066 : vector<32x2048xf32>
      %add3A_1070 = arith.constant 5.000000e-01 : f32
      %add3A_1071 = vector.broadcast %add3A_1070 : f32 to vector<32x2048xf32>
      %add3A_1072 = arith.addf %mul3A_1069, %add3A_1071 : vector<32x2048xf32>
      %mul3A_1073 = arith.mulf %add3A_1059, %select_n3A_958 : vector<32x2048xf32>
      %mul3A_1074 = arith.mulf %add3A_1048, %tanh3A_1061 : vector<32x2048xf32>
      %add3A_1075 = arith.addf %mul3A_1073, %mul3A_1074 : vector<32x2048xf32>
      %tanh3A_1076 = math.tanh %add3A_1075 : vector<32x2048xf32>
      %mul3A_1077 = arith.mulf %add3A_1072, %tanh3A_1076 : vector<32x2048xf32>
      %lt3A_1078 = vector.broadcast %sub3A_963 : i32 to vector<1x2048xi32>
      %lt3A_1079 = arith.cmpi slt, %lt3A_1078, %get3A_22 : vector<1x2048xi32>
      %broadcast_in_dim3A_1080 = vector.shape_cast %lt3A_1079 : vector<1x2048xi1> to vector<1x2048xi1>
      %broadcast_in_dim3A_1081 = vector.broadcast %broadcast_in_dim3A_1080 : vector<1x2048xi1> to vector<32x2048xi1>
      %select_n3A_1082 = arith.select %broadcast_in_dim3A_1081, %mul3A_1077, %select_n3A_955 : vector<32x2048xi1>, vector<32x2048xf32>
      %broadcast_in_dim3A_1083 = vector.shape_cast %lt3A_1079 : vector<1x2048xi1> to vector<1x2048xi1>
      %broadcast_in_dim3A_1084 = vector.broadcast %broadcast_in_dim3A_1083 : vector<1x2048xi1> to vector<32x2048xi1>
      %select_n3A_1085 = arith.select %broadcast_in_dim3A_1084, %add3A_1075, %select_n3A_958 : vector<32x2048xi1>, vector<32x2048xf32>
      scf.yield %select_n3A_1021, %select_n3A_1024, %select_n3A_1082, %select_n3A_1085 : vector<32x2048xf32>, vector<32x2048xf32>, vector<32x2048xf32>, vector<32x2048xf32>
    }
    %while3A_63 = arith.constant 1 : i32
    %while3A_64:4 = scf.for %while3A_68 = %while3A_60 to %while3A_56 step %while3A_63 iter_args(%while3A_69 = %while3A_62#0, %while3A_70 = %while3A_62#1, %while3A_71 = %while3A_62#2, %while3A_72 = %while3A_62#3) -> (vector<32x2048xf32>, vector<32x2048xf32>, vector<32x2048xf32>, vector<32x2048xf32>)  : i32 {
      %mul3A_73 = arith.constant 8 : i32
      %mul3A_74 = arith.muli %while3A_68, %mul3A_73 : i32
      %add3A_75 = arith.constant 0 : i32
      %add3A_76 = arith.addi %mul3A_74, %add3A_75 : i32
      %sub3A_77 = arith.constant 1 : i32
      %sub3A_78 = arith.subi %mul3A_53, %sub3A_77 : i32
      %sub3A_79 = arith.subi %sub3A_78, %add3A_76 : i32
      %get3A_80 = arith.index_cast %add3A_76 : i32 to index
      %get3A_81 = arith.constant 0 : index
      %get3A_82 = vector.load %arg1[%get3A_80, %get3A_81] : memref<32x2048xi32, #tpu.memory_space<vmem>>, vector<1x2048xi32>
      %eq3A = vector.broadcast %get3A_82 : vector<1x2048xi32> to vector<128x2048xi32>
      %eq3A_83 = arith.cmpi eq, %eq3A, %iota3A : vector<128x2048xi32>
      %convert_element_type3A = arith.extui %eq3A_83 : vector<128x2048xi1> to vector<128x2048xi32>
      %convert_element_type3A_84 = arith.sitofp %convert_element_type3A : vector<128x2048xi32> to vector<128x2048xf32>
      %slice3A = vector.extract_strided_slice %concatenate3A {offsets = [0, 0], sizes = [128, 128], strides = [1, 1]} : vector<256x128xf32> to vector<128x128xf32>
      %dot_general3A_85 = arith.constant dense<0.000000e+00> : vector<128x2048xf32>
      %dot_general3A_86 = tpu.matmul %slice3A, %convert_element_type3A_84, %dot_general3A_85 {dimension_numbers = #tpu.dot_dimension_numbers<[1], [0], [0], [1], [0, 0, 1, 1], [], []>, transpose_lhs_hint = false} : vector<128x128xf32>, vector<128x2048xf32>, vector<128x2048xf32> -> vector<128x2048xf32>
      %dot_general3A_87 = arith.constant dense<0.000000e+00> : vector<128x2048xf32>
      %dot_general3A_88 = tpu.matmul %get3A_25, %while3A_69, %dot_general3A_87 {dimension_numbers = #tpu.dot_dimension_numbers<[1], [0], [0], [1], [0, 0, 1, 1], [], []>, transpose_lhs_hint = false} : vector<128x32xf32>, vector<32x2048xf32>, vector<128x2048xf32> -> vector<128x2048xf32>
      %add3A_89 = arith.addf %dot_general3A_86, %dot_general3A_88 : vector<128x2048xf32>
      %slice3A_90 = vector.extract_strided_slice %add3A_89 {offsets = [0, 0], sizes = [32, 2048], strides = [1, 1]} : vector<128x2048xf32> to vector<32x2048xf32>
      %mul3A_91 = arith.constant 5.000000e-01 : f32
      %mul3A_92 = vector.broadcast %mul3A_91 : f32 to vector<32x2048xf32>
      %mul3A_93 = arith.mulf %mul3A_92, %slice3A_90 : vector<32x2048xf32>
      %tanh3A = math.tanh %mul3A_93 : vector<32x2048xf32>
      %mul3A_94 = arith.constant 5.000000e-01 : f32
      %mul3A_95 = vector.broadcast %mul3A_94 : f32 to vector<32x2048xf32>
      %mul3A_96 = arith.mulf %mul3A_95, %tanh3A : vector<32x2048xf32>
      %add3A_97 = arith.constant 5.000000e-01 : f32
      %add3A_98 = vector.broadcast %add3A_97 : f32 to vector<32x2048xf32>
      %add3A_99 = arith.addf %mul3A_96, %add3A_98 : vector<32x2048xf32>
      %slice3A_100 = vector.extract_strided_slice %add3A_89 {offsets = [32, 0], sizes = [32, 2048], strides = [1, 1]} : vector<128x2048xf32> to vector<32x2048xf32>
      %mul3A_101 = arith.constant 5.000000e-01 : f32
      %mul3A_102 = vector.broadcast %mul3A_101 : f32 to vector<32x2048xf32>
      %mul3A_103 = arith.mulf %mul3A_102, %slice3A_100 : vector<32x2048xf32>
      %tanh3A_104 = math.tanh %mul3A_103 : vector<32x2048xf32>
      %mul3A_105 = arith.constant 5.000000e-01 : f32
      %mul3A_106 = vector.broadcast %mul3A_105 : f32 to vector<32x2048xf32>
      %mul3A_107 = arith.mulf %mul3A_106, %tanh3A_104 : vector<32x2048xf32>
      %add3A_108 = arith.constant 5.000000e-01 : f32
      %add3A_109 = vector.broadcast %add3A_108 : f32 to vector<32x2048xf32>
      %add3A_110 = arith.addf %mul3A_107, %add3A_109 : vector<32x2048xf32>
      %slice3A_111 = vector.extract_strided_slice %add3A_89 {offsets = [64, 0], sizes = [32, 2048], strides = [1, 1]} : vector<128x2048xf32> to vector<32x2048xf32>
      %tanh3A_112 = math.tanh %slice3A_111 : vector<32x2048xf32>
      %slice3A_113 = vector.extract_strided_slice %add3A_89 {offsets = [96, 0], sizes = [32, 2048], strides = [1, 1]} : vector<128x2048xf32> to vector<32x2048xf32>
      %mul3A_114 = arith.constant 5.000000e-01 : f32
      %mul3A_115 = vector.broadcast %mul3A_114 : f32 to vector<32x2048xf32>
      %mul3A_116 = arith.mulf %mul3A_115, %slice3A_113 : vector<32x2048xf32>
      %tanh3A_117 = math.tanh %mul3A_116 : vector<32x2048xf32>
      %mul3A_118 = arith.constant 5.000000e-01 : f32
      %mul3A_119 = vector.broadcast %mul3A_118 : f32 to vector<32x2048xf32>
      %mul3A_120 = arith.mulf %mul3A_119, %tanh3A_117 : vector<32x2048xf32>
      %add3A_121 = arith.constant 5.000000e-01 : f32
      %add3A_122 = vector.broadcast %add3A_121 : f32 to vector<32x2048xf32>
      %add3A_123 = arith.addf %mul3A_120, %add3A_122 : vector<32x2048xf32>
      %mul3A_124 = arith.mulf %add3A_110, %while3A_70 : vector<32x2048xf32>
      %mul3A_125 = arith.mulf %add3A_99, %tanh3A_112 : vector<32x2048xf32>
      %add3A_126 = arith.addf %mul3A_124, %mul3A_125 : vector<32x2048xf32>
      %tanh3A_127 = math.tanh %add3A_126 : vector<32x2048xf32>
      %mul3A_128 = arith.mulf %add3A_123, %tanh3A_127 : vector<32x2048xf32>
      %lt3A = vector.broadcast %add3A_76 : i32 to vector<1x2048xi32>
      %lt3A_129 = arith.cmpi slt, %lt3A, %get3A_22 : vector<1x2048xi32>
      %broadcast_in_dim3A_130 = vector.shape_cast %lt3A_129 : vector<1x2048xi1> to vector<1x2048xi1>
      %broadcast_in_dim3A_131 = vector.broadcast %broadcast_in_dim3A_130 : vector<1x2048xi1> to vector<32x2048xi1>
      %select_n3A_132 = arith.select %broadcast_in_dim3A_131, %mul3A_128, %while3A_69 : vector<32x2048xi1>, vector<32x2048xf32>
      %broadcast_in_dim3A_133 = vector.shape_cast %lt3A_129 : vector<1x2048xi1> to vector<1x2048xi1>
      %broadcast_in_dim3A_134 = vector.broadcast %broadcast_in_dim3A_133 : vector<1x2048xi1> to vector<32x2048xi1>
      %select_n3A_135 = arith.select %broadcast_in_dim3A_134, %add3A_126, %while3A_70 : vector<32x2048xi1>, vector<32x2048xf32>
      %get3A_136 = arith.index_cast %sub3A_79 : i32 to index
      %get3A_137 = arith.constant 0 : index
      %get3A_138 = vector.load %arg1[%get3A_136, %get3A_137] : memref<32x2048xi32, #tpu.memory_space<vmem>>, vector<1x2048xi32>
      %eq3A_139 = vector.broadcast %get3A_138 : vector<1x2048xi32> to vector<128x2048xi32>
      %eq3A_140 = arith.cmpi eq, %eq3A_139, %iota3A : vector<128x2048xi32>
      %convert_element_type3A_141 = arith.extui %eq3A_140 : vector<128x2048xi1> to vector<128x2048xi32>
      %convert_element_type3A_142 = arith.sitofp %convert_element_type3A_141 : vector<128x2048xi32> to vector<128x2048xf32>
      %slice3A_143 = vector.extract_strided_slice %concatenate3A {offsets = [128, 0], sizes = [128, 128], strides = [1, 1]} : vector<256x128xf32> to vector<128x128xf32>
      %dot_general3A_144 = arith.constant dense<0.000000e+00> : vector<128x2048xf32>
      %dot_general3A_145 = tpu.matmul %slice3A_143, %convert_element_type3A_142, %dot_general3A_144 {dimension_numbers = #tpu.dot_dimension_numbers<[1], [0], [0], [1], [0, 0, 1, 1], [], []>, transpose_lhs_hint = false} : vector<128x128xf32>, vector<128x2048xf32>, vector<128x2048xf32> -> vector<128x2048xf32>
      %dot_general3A_146 = arith.constant dense<0.000000e+00> : vector<128x2048xf32>
      %dot_general3A_147 = tpu.matmul %get3A_28, %while3A_71, %dot_general3A_146 {dimension_numbers = #tpu.dot_dimension_numbers<[1], [0], [0], [1], [0, 0, 1, 1], [], []>, transpose_lhs_hint = false} : vector<128x32xf32>, vector<32x2048xf32>, vector<128x2048xf32> -> vector<128x2048xf32>
      %add3A_148 = arith.addf %dot_general3A_145, %dot_general3A_147 : vector<128x2048xf32>
      %slice3A_149 = vector.extract_strided_slice %add3A_148 {offsets = [0, 0], sizes = [32, 2048], strides = [1, 1]} : vector<128x2048xf32> to vector<32x2048xf32>
      %mul3A_150 = arith.constant 5.000000e-01 : f32
      %mul3A_151 = vector.broadcast %mul3A_150 : f32 to vector<32x2048xf32>
      %mul3A_152 = arith.mulf %mul3A_151, %slice3A_149 : vector<32x2048xf32>
      %tanh3A_153 = math.tanh %mul3A_152 : vector<32x2048xf32>
      %mul3A_154 = arith.constant 5.000000e-01 : f32
      %mul3A_155 = vector.broadcast %mul3A_154 : f32 to vector<32x2048xf32>
      %mul3A_156 = arith.mulf %mul3A_155, %tanh3A_153 : vector<32x2048xf32>
      %add3A_157 = arith.constant 5.000000e-01 : f32
      %add3A_158 = vector.broadcast %add3A_157 : f32 to vector<32x2048xf32>
      %add3A_159 = arith.addf %mul3A_156, %add3A_158 : vector<32x2048xf32>
      %slice3A_160 = vector.extract_strided_slice %add3A_148 {offsets = [32, 0], sizes = [32, 2048], strides = [1, 1]} : vector<128x2048xf32> to vector<32x2048xf32>
      %mul3A_161 = arith.constant 5.000000e-01 : f32
      %mul3A_162 = vector.broadcast %mul3A_161 : f32 to vector<32x2048xf32>
      %mul3A_163 = arith.mulf %mul3A_162, %slice3A_160 : vector<32x2048xf32>
      %tanh3A_164 = math.tanh %mul3A_163 : vector<32x2048xf32>
      %mul3A_165 = arith.constant 5.000000e-01 : f32
      %mul3A_166 = vector.broadcast %mul3A_165 : f32 to vector<32x2048xf32>
      %mul3A_167 = arith.mulf %mul3A_166, %tanh3A_164 : vector<32x2048xf32>
      %add3A_168 = arith.constant 5.000000e-01 : f32
      %add3A_169 = vector.broadcast %add3A_168 : f32 to vector<32x2048xf32>
      %add3A_170 = arith.addf %mul3A_167, %add3A_169 : vector<32x2048xf32>
      %slice3A_171 = vector.extract_strided_slice %add3A_148 {offsets = [64, 0], sizes = [32, 2048], strides = [1, 1]} : vector<128x2048xf32> to vector<32x2048xf32>
      %tanh3A_172 = math.tanh %slice3A_171 : vector<32x2048xf32>
      %slice3A_173 = vector.extract_strided_slice %add3A_148 {offsets = [96, 0], sizes = [32, 2048], strides = [1, 1]} : vector<128x2048xf32> to vector<32x2048xf32>
      %mul3A_174 = arith.constant 5.000000e-01 : f32
      %mul3A_175 = vector.broadcast %mul3A_174 : f32 to vector<32x2048xf32>
      %mul3A_176 = arith.mulf %mul3A_175, %slice3A_173 : vector<32x2048xf32>
      %tanh3A_177 = math.tanh %mul3A_176 : vector<32x2048xf32>
      %mul3A_178 = arith.constant 5.000000e-01 : f32
      %mul3A_179 = vector.broadcast %mul3A_178 : f32 to vector<32x2048xf32>
      %mul3A_180 = arith.mulf %mul3A_179, %tanh3A_177 : vector<32x2048xf32>
      %add3A_181 = arith.constant 5.000000e-01 : f32
      %add3A_182 = vector.broadcast %add3A_181 : f32 to vector<32x2048xf32>
      %add3A_183 = arith.addf %mul3A_180, %add3A_182 : vector<32x2048xf32>
      %mul3A_184 = arith.mulf %add3A_170, %while3A_72 : vector<32x2048xf32>
      %mul3A_185 = arith.mulf %add3A_159, %tanh3A_172 : vector<32x2048xf32>
      %add3A_186 = arith.addf %mul3A_184, %mul3A_185 : vector<32x2048xf32>
      %tanh3A_187 = math.tanh %add3A_186 : vector<32x2048xf32>
      %mul3A_188 = arith.mulf %add3A_183, %tanh3A_187 : vector<32x2048xf32>
      %lt3A_189 = vector.broadcast %sub3A_79 : i32 to vector<1x2048xi32>
      %lt3A_190 = arith.cmpi slt, %lt3A_189, %get3A_22 : vector<1x2048xi32>
      %broadcast_in_dim3A_191 = vector.shape_cast %lt3A_190 : vector<1x2048xi1> to vector<1x2048xi1>
      %broadcast_in_dim3A_192 = vector.broadcast %broadcast_in_dim3A_191 : vector<1x2048xi1> to vector<32x2048xi1>
      %select_n3A_193 = arith.select %broadcast_in_dim3A_192, %mul3A_188, %while3A_71 : vector<32x2048xi1>, vector<32x2048xf32>
      %broadcast_in_dim3A_194 = vector.shape_cast %lt3A_190 : vector<1x2048xi1> to vector<1x2048xi1>
      %broadcast_in_dim3A_195 = vector.broadcast %broadcast_in_dim3A_194 : vector<1x2048xi1> to vector<32x2048xi1>
      %select_n3A_196 = arith.select %broadcast_in_dim3A_195, %add3A_186, %while3A_72 : vector<32x2048xi1>, vector<32x2048xf32>
      %add3A_197 = arith.constant 1 : i32
      %add3A_198 = arith.addi %mul3A_74, %add3A_197 : i32
      %sub3A_199 = arith.constant 1 : i32
      %sub3A_200 = arith.subi %mul3A_53, %sub3A_199 : i32
      %sub3A_201 = arith.subi %sub3A_200, %add3A_198 : i32
      %get3A_202 = arith.index_cast %add3A_198 : i32 to index
      %get3A_203 = arith.constant 0 : index
      %get3A_204 = vector.load %arg1[%get3A_202, %get3A_203] : memref<32x2048xi32, #tpu.memory_space<vmem>>, vector<1x2048xi32>
      %eq3A_205 = vector.broadcast %get3A_204 : vector<1x2048xi32> to vector<128x2048xi32>
      %eq3A_206 = arith.cmpi eq, %eq3A_205, %iota3A : vector<128x2048xi32>
      %convert_element_type3A_207 = arith.extui %eq3A_206 : vector<128x2048xi1> to vector<128x2048xi32>
      %convert_element_type3A_208 = arith.sitofp %convert_element_type3A_207 : vector<128x2048xi32> to vector<128x2048xf32>
      %slice3A_209 = vector.extract_strided_slice %concatenate3A {offsets = [0, 0], sizes = [128, 128], strides = [1, 1]} : vector<256x128xf32> to vector<128x128xf32>
      %dot_general3A_210 = arith.constant dense<0.000000e+00> : vector<128x2048xf32>
      %dot_general3A_211 = tpu.matmul %slice3A_209, %convert_element_type3A_208, %dot_general3A_210 {dimension_numbers = #tpu.dot_dimension_numbers<[1], [0], [0], [1], [0, 0, 1, 1], [], []>, transpose_lhs_hint = false} : vector<128x128xf32>, vector<128x2048xf32>, vector<128x2048xf32> -> vector<128x2048xf32>
      %dot_general3A_212 = arith.constant dense<0.000000e+00> : vector<128x2048xf32>
      %dot_general3A_213 = tpu.matmul %get3A_25, %select_n3A_132, %dot_general3A_212 {dimension_numbers = #tpu.dot_dimension_numbers<[1], [0], [0], [1], [0, 0, 1, 1], [], []>, transpose_lhs_hint = false} : vector<128x32xf32>, vector<32x2048xf32>, vector<128x2048xf32> -> vector<128x2048xf32>
      %add3A_214 = arith.addf %dot_general3A_211, %dot_general3A_213 : vector<128x2048xf32>
      %slice3A_215 = vector.extract_strided_slice %add3A_214 {offsets = [0, 0], sizes = [32, 2048], strides = [1, 1]} : vector<128x2048xf32> to vector<32x2048xf32>
      %mul3A_216 = arith.constant 5.000000e-01 : f32
      %mul3A_217 = vector.broadcast %mul3A_216 : f32 to vector<32x2048xf32>
      %mul3A_218 = arith.mulf %mul3A_217, %slice3A_215 : vector<32x2048xf32>
      %tanh3A_219 = math.tanh %mul3A_218 : vector<32x2048xf32>
      %mul3A_220 = arith.constant 5.000000e-01 : f32
      %mul3A_221 = vector.broadcast %mul3A_220 : f32 to vector<32x2048xf32>
      %mul3A_222 = arith.mulf %mul3A_221, %tanh3A_219 : vector<32x2048xf32>
      %add3A_223 = arith.constant 5.000000e-01 : f32
      %add3A_224 = vector.broadcast %add3A_223 : f32 to vector<32x2048xf32>
      %add3A_225 = arith.addf %mul3A_222, %add3A_224 : vector<32x2048xf32>
      %slice3A_226 = vector.extract_strided_slice %add3A_214 {offsets = [32, 0], sizes = [32, 2048], strides = [1, 1]} : vector<128x2048xf32> to vector<32x2048xf32>
      %mul3A_227 = arith.constant 5.000000e-01 : f32
      %mul3A_228 = vector.broadcast %mul3A_227 : f32 to vector<32x2048xf32>
      %mul3A_229 = arith.mulf %mul3A_228, %slice3A_226 : vector<32x2048xf32>
      %tanh3A_230 = math.tanh %mul3A_229 : vector<32x2048xf32>
      %mul3A_231 = arith.constant 5.000000e-01 : f32
      %mul3A_232 = vector.broadcast %mul3A_231 : f32 to vector<32x2048xf32>
      %mul3A_233 = arith.mulf %mul3A_232, %tanh3A_230 : vector<32x2048xf32>
      %add3A_234 = arith.constant 5.000000e-01 : f32
      %add3A_235 = vector.broadcast %add3A_234 : f32 to vector<32x2048xf32>
      %add3A_236 = arith.addf %mul3A_233, %add3A_235 : vector<32x2048xf32>
      %slice3A_237 = vector.extract_strided_slice %add3A_214 {offsets = [64, 0], sizes = [32, 2048], strides = [1, 1]} : vector<128x2048xf32> to vector<32x2048xf32>
      %tanh3A_238 = math.tanh %slice3A_237 : vector<32x2048xf32>
      %slice3A_239 = vector.extract_strided_slice %add3A_214 {offsets = [96, 0], sizes = [32, 2048], strides = [1, 1]} : vector<128x2048xf32> to vector<32x2048xf32>
      %mul3A_240 = arith.constant 5.000000e-01 : f32
      %mul3A_241 = vector.broadcast %mul3A_240 : f32 to vector<32x2048xf32>
      %mul3A_242 = arith.mulf %mul3A_241, %slice3A_239 : vector<32x2048xf32>
      %tanh3A_243 = math.tanh %mul3A_242 : vector<32x2048xf32>
      %mul3A_244 = arith.constant 5.000000e-01 : f32
      %mul3A_245 = vector.broadcast %mul3A_244 : f32 to vector<32x2048xf32>
      %mul3A_246 = arith.mulf %mul3A_245, %tanh3A_243 : vector<32x2048xf32>
      %add3A_247 = arith.constant 5.000000e-01 : f32
      %add3A_248 = vector.broadcast %add3A_247 : f32 to vector<32x2048xf32>
      %add3A_249 = arith.addf %mul3A_246, %add3A_248 : vector<32x2048xf32>
      %mul3A_250 = arith.mulf %add3A_236, %select_n3A_135 : vector<32x2048xf32>
      %mul3A_251 = arith.mulf %add3A_225, %tanh3A_238 : vector<32x2048xf32>
      %add3A_252 = arith.addf %mul3A_250, %mul3A_251 : vector<32x2048xf32>
      %tanh3A_253 = math.tanh %add3A_252 : vector<32x2048xf32>
      %mul3A_254 = arith.mulf %add3A_249, %tanh3A_253 : vector<32x2048xf32>
      %lt3A_255 = vector.broadcast %add3A_198 : i32 to vector<1x2048xi32>
      %lt3A_256 = arith.cmpi slt, %lt3A_255, %get3A_22 : vector<1x2048xi32>
      %broadcast_in_dim3A_257 = vector.shape_cast %lt3A_256 : vector<1x2048xi1> to vector<1x2048xi1>
      %broadcast_in_dim3A_258 = vector.broadcast %broadcast_in_dim3A_257 : vector<1x2048xi1> to vector<32x2048xi1>
      %select_n3A_259 = arith.select %broadcast_in_dim3A_258, %mul3A_254, %select_n3A_132 : vector<32x2048xi1>, vector<32x2048xf32>
      %broadcast_in_dim3A_260 = vector.shape_cast %lt3A_256 : vector<1x2048xi1> to vector<1x2048xi1>
      %broadcast_in_dim3A_261 = vector.broadcast %broadcast_in_dim3A_260 : vector<1x2048xi1> to vector<32x2048xi1>
      %select_n3A_262 = arith.select %broadcast_in_dim3A_261, %add3A_252, %select_n3A_135 : vector<32x2048xi1>, vector<32x2048xf32>
      %get3A_263 = arith.index_cast %sub3A_201 : i32 to index
      %get3A_264 = arith.constant 0 : index
      %get3A_265 = vector.load %arg1[%get3A_263, %get3A_264] : memref<32x2048xi32, #tpu.memory_space<vmem>>, vector<1x2048xi32>
      %eq3A_266 = vector.broadcast %get3A_265 : vector<1x2048xi32> to vector<128x2048xi32>
      %eq3A_267 = arith.cmpi eq, %eq3A_266, %iota3A : vector<128x2048xi32>
      %convert_element_type3A_268 = arith.extui %eq3A_267 : vector<128x2048xi1> to vector<128x2048xi32>
      %convert_element_type3A_269 = arith.sitofp %convert_element_type3A_268 : vector<128x2048xi32> to vector<128x2048xf32>
      %slice3A_270 = vector.extract_strided_slice %concatenate3A {offsets = [128, 0], sizes = [128, 128], strides = [1, 1]} : vector<256x128xf32> to vector<128x128xf32>
      %dot_general3A_271 = arith.constant dense<0.000000e+00> : vector<128x2048xf32>
      %dot_general3A_272 = tpu.matmul %slice3A_270, %convert_element_type3A_269, %dot_general3A_271 {dimension_numbers = #tpu.dot_dimension_numbers<[1], [0], [0], [1], [0, 0, 1, 1], [], []>, transpose_lhs_hint = false} : vector<128x128xf32>, vector<128x2048xf32>, vector<128x2048xf32> -> vector<128x2048xf32>
      %dot_general3A_273 = arith.constant dense<0.000000e+00> : vector<128x2048xf32>
      %dot_general3A_274 = tpu.matmul %get3A_28, %select_n3A_193, %dot_general3A_273 {dimension_numbers = #tpu.dot_dimension_numbers<[1], [0], [0], [1], [0, 0, 1, 1], [], []>, transpose_lhs_hint = false} : vector<128x32xf32>, vector<32x2048xf32>, vector<128x2048xf32> -> vector<128x2048xf32>
      %add3A_275 = arith.addf %dot_general3A_272, %dot_general3A_274 : vector<128x2048xf32>
      %slice3A_276 = vector.extract_strided_slice %add3A_275 {offsets = [0, 0], sizes = [32, 2048], strides = [1, 1]} : vector<128x2048xf32> to vector<32x2048xf32>
      %mul3A_277 = arith.constant 5.000000e-01 : f32
      %mul3A_278 = vector.broadcast %mul3A_277 : f32 to vector<32x2048xf32>
      %mul3A_279 = arith.mulf %mul3A_278, %slice3A_276 : vector<32x2048xf32>
      %tanh3A_280 = math.tanh %mul3A_279 : vector<32x2048xf32>
      %mul3A_281 = arith.constant 5.000000e-01 : f32
      %mul3A_282 = vector.broadcast %mul3A_281 : f32 to vector<32x2048xf32>
      %mul3A_283 = arith.mulf %mul3A_282, %tanh3A_280 : vector<32x2048xf32>
      %add3A_284 = arith.constant 5.000000e-01 : f32
      %add3A_285 = vector.broadcast %add3A_284 : f32 to vector<32x2048xf32>
      %add3A_286 = arith.addf %mul3A_283, %add3A_285 : vector<32x2048xf32>
      %slice3A_287 = vector.extract_strided_slice %add3A_275 {offsets = [32, 0], sizes = [32, 2048], strides = [1, 1]} : vector<128x2048xf32> to vector<32x2048xf32>
      %mul3A_288 = arith.constant 5.000000e-01 : f32
      %mul3A_289 = vector.broadcast %mul3A_288 : f32 to vector<32x2048xf32>
      %mul3A_290 = arith.mulf %mul3A_289, %slice3A_287 : vector<32x2048xf32>
      %tanh3A_291 = math.tanh %mul3A_290 : vector<32x2048xf32>
      %mul3A_292 = arith.constant 5.000000e-01 : f32
      %mul3A_293 = vector.broadcast %mul3A_292 : f32 to vector<32x2048xf32>
      %mul3A_294 = arith.mulf %mul3A_293, %tanh3A_291 : vector<32x2048xf32>
      %add3A_295 = arith.constant 5.000000e-01 : f32
      %add3A_296 = vector.broadcast %add3A_295 : f32 to vector<32x2048xf32>
      %add3A_297 = arith.addf %mul3A_294, %add3A_296 : vector<32x2048xf32>
      %slice3A_298 = vector.extract_strided_slice %add3A_275 {offsets = [64, 0], sizes = [32, 2048], strides = [1, 1]} : vector<128x2048xf32> to vector<32x2048xf32>
      %tanh3A_299 = math.tanh %slice3A_298 : vector<32x2048xf32>
      %slice3A_300 = vector.extract_strided_slice %add3A_275 {offsets = [96, 0], sizes = [32, 2048], strides = [1, 1]} : vector<128x2048xf32> to vector<32x2048xf32>
      %mul3A_301 = arith.constant 5.000000e-01 : f32
      %mul3A_302 = vector.broadcast %mul3A_301 : f32 to vector<32x2048xf32>
      %mul3A_303 = arith.mulf %mul3A_302, %slice3A_300 : vector<32x2048xf32>
      %tanh3A_304 = math.tanh %mul3A_303 : vector<32x2048xf32>
      %mul3A_305 = arith.constant 5.000000e-01 : f32
      %mul3A_306 = vector.broadcast %mul3A_305 : f32 to vector<32x2048xf32>
      %mul3A_307 = arith.mulf %mul3A_306, %tanh3A_304 : vector<32x2048xf32>
      %add3A_308 = arith.constant 5.000000e-01 : f32
      %add3A_309 = vector.broadcast %add3A_308 : f32 to vector<32x2048xf32>
      %add3A_310 = arith.addf %mul3A_307, %add3A_309 : vector<32x2048xf32>
      %mul3A_311 = arith.mulf %add3A_297, %select_n3A_196 : vector<32x2048xf32>
      %mul3A_312 = arith.mulf %add3A_286, %tanh3A_299 : vector<32x2048xf32>
      %add3A_313 = arith.addf %mul3A_311, %mul3A_312 : vector<32x2048xf32>
      %tanh3A_314 = math.tanh %add3A_313 : vector<32x2048xf32>
      %mul3A_315 = arith.mulf %add3A_310, %tanh3A_314 : vector<32x2048xf32>
      %lt3A_316 = vector.broadcast %sub3A_201 : i32 to vector<1x2048xi32>
      %lt3A_317 = arith.cmpi slt, %lt3A_316, %get3A_22 : vector<1x2048xi32>
      %broadcast_in_dim3A_318 = vector.shape_cast %lt3A_317 : vector<1x2048xi1> to vector<1x2048xi1>
      %broadcast_in_dim3A_319 = vector.broadcast %broadcast_in_dim3A_318 : vector<1x2048xi1> to vector<32x2048xi1>
      %select_n3A_320 = arith.select %broadcast_in_dim3A_319, %mul3A_315, %select_n3A_193 : vector<32x2048xi1>, vector<32x2048xf32>
      %broadcast_in_dim3A_321 = vector.shape_cast %lt3A_317 : vector<1x2048xi1> to vector<1x2048xi1>
      %broadcast_in_dim3A_322 = vector.broadcast %broadcast_in_dim3A_321 : vector<1x2048xi1> to vector<32x2048xi1>
      %select_n3A_323 = arith.select %broadcast_in_dim3A_322, %add3A_313, %select_n3A_196 : vector<32x2048xi1>, vector<32x2048xf32>
      %add3A_324 = arith.constant 2 : i32
      %add3A_325 = arith.addi %mul3A_74, %add3A_324 : i32
      %sub3A_326 = arith.constant 1 : i32
      %sub3A_327 = arith.subi %mul3A_53, %sub3A_326 : i32
      %sub3A_328 = arith.subi %sub3A_327, %add3A_325 : i32
      %get3A_329 = arith.index_cast %add3A_325 : i32 to index
      %get3A_330 = arith.constant 0 : index
      %get3A_331 = vector.load %arg1[%get3A_329, %get3A_330] : memref<32x2048xi32, #tpu.memory_space<vmem>>, vector<1x2048xi32>
      %eq3A_332 = vector.broadcast %get3A_331 : vector<1x2048xi32> to vector<128x2048xi32>
      %eq3A_333 = arith.cmpi eq, %eq3A_332, %iota3A : vector<128x2048xi32>
      %convert_element_type3A_334 = arith.extui %eq3A_333 : vector<128x2048xi1> to vector<128x2048xi32>
      %convert_element_type3A_335 = arith.sitofp %convert_element_type3A_334 : vector<128x2048xi32> to vector<128x2048xf32>
      %slice3A_336 = vector.extract_strided_slice %concatenate3A {offsets = [0, 0], sizes = [128, 128], strides = [1, 1]} : vector<256x128xf32> to vector<128x128xf32>
      %dot_general3A_337 = arith.constant dense<0.000000e+00> : vector<128x2048xf32>
      %dot_general3A_338 = tpu.matmul %slice3A_336, %convert_element_type3A_335, %dot_general3A_337 {dimension_numbers = #tpu.dot_dimension_numbers<[1], [0], [0], [1], [0, 0, 1, 1], [], []>, transpose_lhs_hint = false} : vector<128x128xf32>, vector<128x2048xf32>, vector<128x2048xf32> -> vector<128x2048xf32>
      %dot_general3A_339 = arith.constant dense<0.000000e+00> : vector<128x2048xf32>
      %dot_general3A_340 = tpu.matmul %get3A_25, %select_n3A_259, %dot_general3A_339 {dimension_numbers = #tpu.dot_dimension_numbers<[1], [0], [0], [1], [0, 0, 1, 1], [], []>, transpose_lhs_hint = false} : vector<128x32xf32>, vector<32x2048xf32>, vector<128x2048xf32> -> vector<128x2048xf32>
      %add3A_341 = arith.addf %dot_general3A_338, %dot_general3A_340 : vector<128x2048xf32>
      %slice3A_342 = vector.extract_strided_slice %add3A_341 {offsets = [0, 0], sizes = [32, 2048], strides = [1, 1]} : vector<128x2048xf32> to vector<32x2048xf32>
      %mul3A_343 = arith.constant 5.000000e-01 : f32
      %mul3A_344 = vector.broadcast %mul3A_343 : f32 to vector<32x2048xf32>
      %mul3A_345 = arith.mulf %mul3A_344, %slice3A_342 : vector<32x2048xf32>
      %tanh3A_346 = math.tanh %mul3A_345 : vector<32x2048xf32>
      %mul3A_347 = arith.constant 5.000000e-01 : f32
      %mul3A_348 = vector.broadcast %mul3A_347 : f32 to vector<32x2048xf32>
      %mul3A_349 = arith.mulf %mul3A_348, %tanh3A_346 : vector<32x2048xf32>
      %add3A_350 = arith.constant 5.000000e-01 : f32
      %add3A_351 = vector.broadcast %add3A_350 : f32 to vector<32x2048xf32>
      %add3A_352 = arith.addf %mul3A_349, %add3A_351 : vector<32x2048xf32>
      %slice3A_353 = vector.extract_strided_slice %add3A_341 {offsets = [32, 0], sizes = [32, 2048], strides = [1, 1]} : vector<128x2048xf32> to vector<32x2048xf32>
      %mul3A_354 = arith.constant 5.000000e-01 : f32
      %mul3A_355 = vector.broadcast %mul3A_354 : f32 to vector<32x2048xf32>
      %mul3A_356 = arith.mulf %mul3A_355, %slice3A_353 : vector<32x2048xf32>
      %tanh3A_357 = math.tanh %mul3A_356 : vector<32x2048xf32>
      %mul3A_358 = arith.constant 5.000000e-01 : f32
      %mul3A_359 = vector.broadcast %mul3A_358 : f32 to vector<32x2048xf32>
      %mul3A_360 = arith.mulf %mul3A_359, %tanh3A_357 : vector<32x2048xf32>
      %add3A_361 = arith.constant 5.000000e-01 : f32
      %add3A_362 = vector.broadcast %add3A_361 : f32 to vector<32x2048xf32>
      %add3A_363 = arith.addf %mul3A_360, %add3A_362 : vector<32x2048xf32>
      %slice3A_364 = vector.extract_strided_slice %add3A_341 {offsets = [64, 0], sizes = [32, 2048], strides = [1, 1]} : vector<128x2048xf32> to vector<32x2048xf32>
      %tanh3A_365 = math.tanh %slice3A_364 : vector<32x2048xf32>
      %slice3A_366 = vector.extract_strided_slice %add3A_341 {offsets = [96, 0], sizes = [32, 2048], strides = [1, 1]} : vector<128x2048xf32> to vector<32x2048xf32>
      %mul3A_367 = arith.constant 5.000000e-01 : f32
      %mul3A_368 = vector.broadcast %mul3A_367 : f32 to vector<32x2048xf32>
      %mul3A_369 = arith.mulf %mul3A_368, %slice3A_366 : vector<32x2048xf32>
      %tanh3A_370 = math.tanh %mul3A_369 : vector<32x2048xf32>
      %mul3A_371 = arith.constant 5.000000e-01 : f32
      %mul3A_372 = vector.broadcast %mul3A_371 : f32 to vector<32x2048xf32>
      %mul3A_373 = arith.mulf %mul3A_372, %tanh3A_370 : vector<32x2048xf32>
      %add3A_374 = arith.constant 5.000000e-01 : f32
      %add3A_375 = vector.broadcast %add3A_374 : f32 to vector<32x2048xf32>
      %add3A_376 = arith.addf %mul3A_373, %add3A_375 : vector<32x2048xf32>
      %mul3A_377 = arith.mulf %add3A_363, %select_n3A_262 : vector<32x2048xf32>
      %mul3A_378 = arith.mulf %add3A_352, %tanh3A_365 : vector<32x2048xf32>
      %add3A_379 = arith.addf %mul3A_377, %mul3A_378 : vector<32x2048xf32>
      %tanh3A_380 = math.tanh %add3A_379 : vector<32x2048xf32>
      %mul3A_381 = arith.mulf %add3A_376, %tanh3A_380 : vector<32x2048xf32>
      %lt3A_382 = vector.broadcast %add3A_325 : i32 to vector<1x2048xi32>
      %lt3A_383 = arith.cmpi slt, %lt3A_382, %get3A_22 : vector<1x2048xi32>
      %broadcast_in_dim3A_384 = vector.shape_cast %lt3A_383 : vector<1x2048xi1> to vector<1x2048xi1>
      %broadcast_in_dim3A_385 = vector.broadcast %broadcast_in_dim3A_384 : vector<1x2048xi1> to vector<32x2048xi1>
      %select_n3A_386 = arith.select %broadcast_in_dim3A_385, %mul3A_381, %select_n3A_259 : vector<32x2048xi1>, vector<32x2048xf32>
      %broadcast_in_dim3A_387 = vector.shape_cast %lt3A_383 : vector<1x2048xi1> to vector<1x2048xi1>
      %broadcast_in_dim3A_388 = vector.broadcast %broadcast_in_dim3A_387 : vector<1x2048xi1> to vector<32x2048xi1>
      %select_n3A_389 = arith.select %broadcast_in_dim3A_388, %add3A_379, %select_n3A_262 : vector<32x2048xi1>, vector<32x2048xf32>
      %get3A_390 = arith.index_cast %sub3A_328 : i32 to index
      %get3A_391 = arith.constant 0 : index
      %get3A_392 = vector.load %arg1[%get3A_390, %get3A_391] : memref<32x2048xi32, #tpu.memory_space<vmem>>, vector<1x2048xi32>
      %eq3A_393 = vector.broadcast %get3A_392 : vector<1x2048xi32> to vector<128x2048xi32>
      %eq3A_394 = arith.cmpi eq, %eq3A_393, %iota3A : vector<128x2048xi32>
      %convert_element_type3A_395 = arith.extui %eq3A_394 : vector<128x2048xi1> to vector<128x2048xi32>
      %convert_element_type3A_396 = arith.sitofp %convert_element_type3A_395 : vector<128x2048xi32> to vector<128x2048xf32>
      %slice3A_397 = vector.extract_strided_slice %concatenate3A {offsets = [128, 0], sizes = [128, 128], strides = [1, 1]} : vector<256x128xf32> to vector<128x128xf32>
      %dot_general3A_398 = arith.constant dense<0.000000e+00> : vector<128x2048xf32>
      %dot_general3A_399 = tpu.matmul %slice3A_397, %convert_element_type3A_396, %dot_general3A_398 {dimension_numbers = #tpu.dot_dimension_numbers<[1], [0], [0], [1], [0, 0, 1, 1], [], []>, transpose_lhs_hint = false} : vector<128x128xf32>, vector<128x2048xf32>, vector<128x2048xf32> -> vector<128x2048xf32>
      %dot_general3A_400 = arith.constant dense<0.000000e+00> : vector<128x2048xf32>
      %dot_general3A_401 = tpu.matmul %get3A_28, %select_n3A_320, %dot_general3A_400 {dimension_numbers = #tpu.dot_dimension_numbers<[1], [0], [0], [1], [0, 0, 1, 1], [], []>, transpose_lhs_hint = false} : vector<128x32xf32>, vector<32x2048xf32>, vector<128x2048xf32> -> vector<128x2048xf32>
      %add3A_402 = arith.addf %dot_general3A_399, %dot_general3A_401 : vector<128x2048xf32>
      %slice3A_403 = vector.extract_strided_slice %add3A_402 {offsets = [0, 0], sizes = [32, 2048], strides = [1, 1]} : vector<128x2048xf32> to vector<32x2048xf32>
      %mul3A_404 = arith.constant 5.000000e-01 : f32
      %mul3A_405 = vector.broadcast %mul3A_404 : f32 to vector<32x2048xf32>
      %mul3A_406 = arith.mulf %mul3A_405, %slice3A_403 : vector<32x2048xf32>
      %tanh3A_407 = math.tanh %mul3A_406 : vector<32x2048xf32>
      %mul3A_408 = arith.constant 5.000000e-01 : f32
      %mul3A_409 = vector.broadcast %mul3A_408 : f32 to vector<32x2048xf32>
      %mul3A_410 = arith.mulf %mul3A_409, %tanh3A_407 : vector<32x2048xf32>
      %add3A_411 = arith.constant 5.000000e-01 : f32
      %add3A_412 = vector.broadcast %add3A_411 : f32 to vector<32x2048xf32>
      %add3A_413 = arith.addf %mul3A_410, %add3A_412 : vector<32x2048xf32>
      %slice3A_414 = vector.extract_strided_slice %add3A_402 {offsets = [32, 0], sizes = [32, 2048], strides = [1, 1]} : vector<128x2048xf32> to vector<32x2048xf32>
      %mul3A_415 = arith.constant 5.000000e-01 : f32
      %mul3A_416 = vector.broadcast %mul3A_415 : f32 to vector<32x2048xf32>
      %mul3A_417 = arith.mulf %mul3A_416, %slice3A_414 : vector<32x2048xf32>
      %tanh3A_418 = math.tanh %mul3A_417 : vector<32x2048xf32>
      %mul3A_419 = arith.constant 5.000000e-01 : f32
      %mul3A_420 = vector.broadcast %mul3A_419 : f32 to vector<32x2048xf32>
      %mul3A_421 = arith.mulf %mul3A_420, %tanh3A_418 : vector<32x2048xf32>
      %add3A_422 = arith.constant 5.000000e-01 : f32
      %add3A_423 = vector.broadcast %add3A_422 : f32 to vector<32x2048xf32>
      %add3A_424 = arith.addf %mul3A_421, %add3A_423 : vector<32x2048xf32>
      %slice3A_425 = vector.extract_strided_slice %add3A_402 {offsets = [64, 0], sizes = [32, 2048], strides = [1, 1]} : vector<128x2048xf32> to vector<32x2048xf32>
      %tanh3A_426 = math.tanh %slice3A_425 : vector<32x2048xf32>
      %slice3A_427 = vector.extract_strided_slice %add3A_402 {offsets = [96, 0], sizes = [32, 2048], strides = [1, 1]} : vector<128x2048xf32> to vector<32x2048xf32>
      %mul3A_428 = arith.constant 5.000000e-01 : f32
      %mul3A_429 = vector.broadcast %mul3A_428 : f32 to vector<32x2048xf32>
      %mul3A_430 = arith.mulf %mul3A_429, %slice3A_427 : vector<32x2048xf32>
      %tanh3A_431 = math.tanh %mul3A_430 : vector<32x2048xf32>
      %mul3A_432 = arith.constant 5.000000e-01 : f32
      %mul3A_433 = vector.broadcast %mul3A_432 : f32 to vector<32x2048xf32>
      %mul3A_434 = arith.mulf %mul3A_433, %tanh3A_431 : vector<32x2048xf32>
      %add3A_435 = arith.constant 5.000000e-01 : f32
      %add3A_436 = vector.broadcast %add3A_435 : f32 to vector<32x2048xf32>
      %add3A_437 = arith.addf %mul3A_434, %add3A_436 : vector<32x2048xf32>
      %mul3A_438 = arith.mulf %add3A_424, %select_n3A_323 : vector<32x2048xf32>
      %mul3A_439 = arith.mulf %add3A_413, %tanh3A_426 : vector<32x2048xf32>
      %add3A_440 = arith.addf %mul3A_438, %mul3A_439 : vector<32x2048xf32>
      %tanh3A_441 = math.tanh %add3A_440 : vector<32x2048xf32>
      %mul3A_442 = arith.mulf %add3A_437, %tanh3A_441 : vector<32x2048xf32>
      %lt3A_443 = vector.broadcast %sub3A_328 : i32 to vector<1x2048xi32>
      %lt3A_444 = arith.cmpi slt, %lt3A_443, %get3A_22 : vector<1x2048xi32>
      %broadcast_in_dim3A_445 = vector.shape_cast %lt3A_444 : vector<1x2048xi1> to vector<1x2048xi1>
      %broadcast_in_dim3A_446 = vector.broadcast %broadcast_in_dim3A_445 : vector<1x2048xi1> to vector<32x2048xi1>
      %select_n3A_447 = arith.select %broadcast_in_dim3A_446, %mul3A_442, %select_n3A_320 : vector<32x2048xi1>, vector<32x2048xf32>
      %broadcast_in_dim3A_448 = vector.shape_cast %lt3A_444 : vector<1x2048xi1> to vector<1x2048xi1>
      %broadcast_in_dim3A_449 = vector.broadcast %broadcast_in_dim3A_448 : vector<1x2048xi1> to vector<32x2048xi1>
      %select_n3A_450 = arith.select %broadcast_in_dim3A_449, %add3A_440, %select_n3A_323 : vector<32x2048xi1>, vector<32x2048xf32>
      %add3A_451 = arith.constant 3 : i32
      %add3A_452 = arith.addi %mul3A_74, %add3A_451 : i32
      %sub3A_453 = arith.constant 1 : i32
      %sub3A_454 = arith.subi %mul3A_53, %sub3A_453 : i32
      %sub3A_455 = arith.subi %sub3A_454, %add3A_452 : i32
      %get3A_456 = arith.index_cast %add3A_452 : i32 to index
      %get3A_457 = arith.constant 0 : index
      %get3A_458 = vector.load %arg1[%get3A_456, %get3A_457] : memref<32x2048xi32, #tpu.memory_space<vmem>>, vector<1x2048xi32>
      %eq3A_459 = vector.broadcast %get3A_458 : vector<1x2048xi32> to vector<128x2048xi32>
      %eq3A_460 = arith.cmpi eq, %eq3A_459, %iota3A : vector<128x2048xi32>
      %convert_element_type3A_461 = arith.extui %eq3A_460 : vector<128x2048xi1> to vector<128x2048xi32>
      %convert_element_type3A_462 = arith.sitofp %convert_element_type3A_461 : vector<128x2048xi32> to vector<128x2048xf32>
      %slice3A_463 = vector.extract_strided_slice %concatenate3A {offsets = [0, 0], sizes = [128, 128], strides = [1, 1]} : vector<256x128xf32> to vector<128x128xf32>
      %dot_general3A_464 = arith.constant dense<0.000000e+00> : vector<128x2048xf32>
      %dot_general3A_465 = tpu.matmul %slice3A_463, %convert_element_type3A_462, %dot_general3A_464 {dimension_numbers = #tpu.dot_dimension_numbers<[1], [0], [0], [1], [0, 0, 1, 1], [], []>, transpose_lhs_hint = false} : vector<128x128xf32>, vector<128x2048xf32>, vector<128x2048xf32> -> vector<128x2048xf32>
      %dot_general3A_466 = arith.constant dense<0.000000e+00> : vector<128x2048xf32>
      %dot_general3A_467 = tpu.matmul %get3A_25, %select_n3A_386, %dot_general3A_466 {dimension_numbers = #tpu.dot_dimension_numbers<[1], [0], [0], [1], [0, 0, 1, 1], [], []>, transpose_lhs_hint = false} : vector<128x32xf32>, vector<32x2048xf32>, vector<128x2048xf32> -> vector<128x2048xf32>
      %add3A_468 = arith.addf %dot_general3A_465, %dot_general3A_467 : vector<128x2048xf32>
      %slice3A_469 = vector.extract_strided_slice %add3A_468 {offsets = [0, 0], sizes = [32, 2048], strides = [1, 1]} : vector<128x2048xf32> to vector<32x2048xf32>
      %mul3A_470 = arith.constant 5.000000e-01 : f32
      %mul3A_471 = vector.broadcast %mul3A_470 : f32 to vector<32x2048xf32>
      %mul3A_472 = arith.mulf %mul3A_471, %slice3A_469 : vector<32x2048xf32>
      %tanh3A_473 = math.tanh %mul3A_472 : vector<32x2048xf32>
      %mul3A_474 = arith.constant 5.000000e-01 : f32
      %mul3A_475 = vector.broadcast %mul3A_474 : f32 to vector<32x2048xf32>
      %mul3A_476 = arith.mulf %mul3A_475, %tanh3A_473 : vector<32x2048xf32>
      %add3A_477 = arith.constant 5.000000e-01 : f32
      %add3A_478 = vector.broadcast %add3A_477 : f32 to vector<32x2048xf32>
      %add3A_479 = arith.addf %mul3A_476, %add3A_478 : vector<32x2048xf32>
      %slice3A_480 = vector.extract_strided_slice %add3A_468 {offsets = [32, 0], sizes = [32, 2048], strides = [1, 1]} : vector<128x2048xf32> to vector<32x2048xf32>
      %mul3A_481 = arith.constant 5.000000e-01 : f32
      %mul3A_482 = vector.broadcast %mul3A_481 : f32 to vector<32x2048xf32>
      %mul3A_483 = arith.mulf %mul3A_482, %slice3A_480 : vector<32x2048xf32>
      %tanh3A_484 = math.tanh %mul3A_483 : vector<32x2048xf32>
      %mul3A_485 = arith.constant 5.000000e-01 : f32
      %mul3A_486 = vector.broadcast %mul3A_485 : f32 to vector<32x2048xf32>
      %mul3A_487 = arith.mulf %mul3A_486, %tanh3A_484 : vector<32x2048xf32>
      %add3A_488 = arith.constant 5.000000e-01 : f32
      %add3A_489 = vector.broadcast %add3A_488 : f32 to vector<32x2048xf32>
      %add3A_490 = arith.addf %mul3A_487, %add3A_489 : vector<32x2048xf32>
      %slice3A_491 = vector.extract_strided_slice %add3A_468 {offsets = [64, 0], sizes = [32, 2048], strides = [1, 1]} : vector<128x2048xf32> to vector<32x2048xf32>
      %tanh3A_492 = math.tanh %slice3A_491 : vector<32x2048xf32>
      %slice3A_493 = vector.extract_strided_slice %add3A_468 {offsets = [96, 0], sizes = [32, 2048], strides = [1, 1]} : vector<128x2048xf32> to vector<32x2048xf32>
      %mul3A_494 = arith.constant 5.000000e-01 : f32
      %mul3A_495 = vector.broadcast %mul3A_494 : f32 to vector<32x2048xf32>
      %mul3A_496 = arith.mulf %mul3A_495, %slice3A_493 : vector<32x2048xf32>
      %tanh3A_497 = math.tanh %mul3A_496 : vector<32x2048xf32>
      %mul3A_498 = arith.constant 5.000000e-01 : f32
      %mul3A_499 = vector.broadcast %mul3A_498 : f32 to vector<32x2048xf32>
      %mul3A_500 = arith.mulf %mul3A_499, %tanh3A_497 : vector<32x2048xf32>
      %add3A_501 = arith.constant 5.000000e-01 : f32
      %add3A_502 = vector.broadcast %add3A_501 : f32 to vector<32x2048xf32>
      %add3A_503 = arith.addf %mul3A_500, %add3A_502 : vector<32x2048xf32>
      %mul3A_504 = arith.mulf %add3A_490, %select_n3A_389 : vector<32x2048xf32>
      %mul3A_505 = arith.mulf %add3A_479, %tanh3A_492 : vector<32x2048xf32>
      %add3A_506 = arith.addf %mul3A_504, %mul3A_505 : vector<32x2048xf32>
      %tanh3A_507 = math.tanh %add3A_506 : vector<32x2048xf32>
      %mul3A_508 = arith.mulf %add3A_503, %tanh3A_507 : vector<32x2048xf32>
      %lt3A_509 = vector.broadcast %add3A_452 : i32 to vector<1x2048xi32>
      %lt3A_510 = arith.cmpi slt, %lt3A_509, %get3A_22 : vector<1x2048xi32>
      %broadcast_in_dim3A_511 = vector.shape_cast %lt3A_510 : vector<1x2048xi1> to vector<1x2048xi1>
      %broadcast_in_dim3A_512 = vector.broadcast %broadcast_in_dim3A_511 : vector<1x2048xi1> to vector<32x2048xi1>
      %select_n3A_513 = arith.select %broadcast_in_dim3A_512, %mul3A_508, %select_n3A_386 : vector<32x2048xi1>, vector<32x2048xf32>
      %broadcast_in_dim3A_514 = vector.shape_cast %lt3A_510 : vector<1x2048xi1> to vector<1x2048xi1>
      %broadcast_in_dim3A_515 = vector.broadcast %broadcast_in_dim3A_514 : vector<1x2048xi1> to vector<32x2048xi1>
      %select_n3A_516 = arith.select %broadcast_in_dim3A_515, %add3A_506, %select_n3A_389 : vector<32x2048xi1>, vector<32x2048xf32>
      %get3A_517 = arith.index_cast %sub3A_455 : i32 to index
      %get3A_518 = arith.constant 0 : index
      %get3A_519 = vector.load %arg1[%get3A_517, %get3A_518] : memref<32x2048xi32, #tpu.memory_space<vmem>>, vector<1x2048xi32>
      %eq3A_520 = vector.broadcast %get3A_519 : vector<1x2048xi32> to vector<128x2048xi32>
      %eq3A_521 = arith.cmpi eq, %eq3A_520, %iota3A : vector<128x2048xi32>
      %convert_element_type3A_522 = arith.extui %eq3A_521 : vector<128x2048xi1> to vector<128x2048xi32>
      %convert_element_type3A_523 = arith.sitofp %convert_element_type3A_522 : vector<128x2048xi32> to vector<128x2048xf32>
      %slice3A_524 = vector.extract_strided_slice %concatenate3A {offsets = [128, 0], sizes = [128, 128], strides = [1, 1]} : vector<256x128xf32> to vector<128x128xf32>
      %dot_general3A_525 = arith.constant dense<0.000000e+00> : vector<128x2048xf32>
      %dot_general3A_526 = tpu.matmul %slice3A_524, %convert_element_type3A_523, %dot_general3A_525 {dimension_numbers = #tpu.dot_dimension_numbers<[1], [0], [0], [1], [0, 0, 1, 1], [], []>, transpose_lhs_hint = false} : vector<128x128xf32>, vector<128x2048xf32>, vector<128x2048xf32> -> vector<128x2048xf32>
      %dot_general3A_527 = arith.constant dense<0.000000e+00> : vector<128x2048xf32>
      %dot_general3A_528 = tpu.matmul %get3A_28, %select_n3A_447, %dot_general3A_527 {dimension_numbers = #tpu.dot_dimension_numbers<[1], [0], [0], [1], [0, 0, 1, 1], [], []>, transpose_lhs_hint = false} : vector<128x32xf32>, vector<32x2048xf32>, vector<128x2048xf32> -> vector<128x2048xf32>
      %add3A_529 = arith.addf %dot_general3A_526, %dot_general3A_528 : vector<128x2048xf32>
      %slice3A_530 = vector.extract_strided_slice %add3A_529 {offsets = [0, 0], sizes = [32, 2048], strides = [1, 1]} : vector<128x2048xf32> to vector<32x2048xf32>
      %mul3A_531 = arith.constant 5.000000e-01 : f32
      %mul3A_532 = vector.broadcast %mul3A_531 : f32 to vector<32x2048xf32>
      %mul3A_533 = arith.mulf %mul3A_532, %slice3A_530 : vector<32x2048xf32>
      %tanh3A_534 = math.tanh %mul3A_533 : vector<32x2048xf32>
      %mul3A_535 = arith.constant 5.000000e-01 : f32
      %mul3A_536 = vector.broadcast %mul3A_535 : f32 to vector<32x2048xf32>
      %mul3A_537 = arith.mulf %mul3A_536, %tanh3A_534 : vector<32x2048xf32>
      %add3A_538 = arith.constant 5.000000e-01 : f32
      %add3A_539 = vector.broadcast %add3A_538 : f32 to vector<32x2048xf32>
      %add3A_540 = arith.addf %mul3A_537, %add3A_539 : vector<32x2048xf32>
      %slice3A_541 = vector.extract_strided_slice %add3A_529 {offsets = [32, 0], sizes = [32, 2048], strides = [1, 1]} : vector<128x2048xf32> to vector<32x2048xf32>
      %mul3A_542 = arith.constant 5.000000e-01 : f32
      %mul3A_543 = vector.broadcast %mul3A_542 : f32 to vector<32x2048xf32>
      %mul3A_544 = arith.mulf %mul3A_543, %slice3A_541 : vector<32x2048xf32>
      %tanh3A_545 = math.tanh %mul3A_544 : vector<32x2048xf32>
      %mul3A_546 = arith.constant 5.000000e-01 : f32
      %mul3A_547 = vector.broadcast %mul3A_546 : f32 to vector<32x2048xf32>
      %mul3A_548 = arith.mulf %mul3A_547, %tanh3A_545 : vector<32x2048xf32>
      %add3A_549 = arith.constant 5.000000e-01 : f32
      %add3A_550 = vector.broadcast %add3A_549 : f32 to vector<32x2048xf32>
      %add3A_551 = arith.addf %mul3A_548, %add3A_550 : vector<32x2048xf32>
      %slice3A_552 = vector.extract_strided_slice %add3A_529 {offsets = [64, 0], sizes = [32, 2048], strides = [1, 1]} : vector<128x2048xf32> to vector<32x2048xf32>
      %tanh3A_553 = math.tanh %slice3A_552 : vector<32x2048xf32>
      %slice3A_554 = vector.extract_strided_slice %add3A_529 {offsets = [96, 0], sizes = [32, 2048], strides = [1, 1]} : vector<128x2048xf32> to vector<32x2048xf32>
      %mul3A_555 = arith.constant 5.000000e-01 : f32
      %mul3A_556 = vector.broadcast %mul3A_555 : f32 to vector<32x2048xf32>
      %mul3A_557 = arith.mulf %mul3A_556, %slice3A_554 : vector<32x2048xf32>
      %tanh3A_558 = math.tanh %mul3A_557 : vector<32x2048xf32>
      %mul3A_559 = arith.constant 5.000000e-01 : f32
      %mul3A_560 = vector.broadcast %mul3A_559 : f32 to vector<32x2048xf32>
      %mul3A_561 = arith.mulf %mul3A_560, %tanh3A_558 : vector<32x2048xf32>
      %add3A_562 = arith.constant 5.000000e-01 : f32
      %add3A_563 = vector.broadcast %add3A_562 : f32 to vector<32x2048xf32>
      %add3A_564 = arith.addf %mul3A_561, %add3A_563 : vector<32x2048xf32>
      %mul3A_565 = arith.mulf %add3A_551, %select_n3A_450 : vector<32x2048xf32>
      %mul3A_566 = arith.mulf %add3A_540, %tanh3A_553 : vector<32x2048xf32>
      %add3A_567 = arith.addf %mul3A_565, %mul3A_566 : vector<32x2048xf32>
      %tanh3A_568 = math.tanh %add3A_567 : vector<32x2048xf32>
      %mul3A_569 = arith.mulf %add3A_564, %tanh3A_568 : vector<32x2048xf32>
      %lt3A_570 = vector.broadcast %sub3A_455 : i32 to vector<1x2048xi32>
      %lt3A_571 = arith.cmpi slt, %lt3A_570, %get3A_22 : vector<1x2048xi32>
      %broadcast_in_dim3A_572 = vector.shape_cast %lt3A_571 : vector<1x2048xi1> to vector<1x2048xi1>
      %broadcast_in_dim3A_573 = vector.broadcast %broadcast_in_dim3A_572 : vector<1x2048xi1> to vector<32x2048xi1>
      %select_n3A_574 = arith.select %broadcast_in_dim3A_573, %mul3A_569, %select_n3A_447 : vector<32x2048xi1>, vector<32x2048xf32>
      %broadcast_in_dim3A_575 = vector.shape_cast %lt3A_571 : vector<1x2048xi1> to vector<1x2048xi1>
      %broadcast_in_dim3A_576 = vector.broadcast %broadcast_in_dim3A_575 : vector<1x2048xi1> to vector<32x2048xi1>
      %select_n3A_577 = arith.select %broadcast_in_dim3A_576, %add3A_567, %select_n3A_450 : vector<32x2048xi1>, vector<32x2048xf32>
      %add3A_578 = arith.constant 4 : i32
      %add3A_579 = arith.addi %mul3A_74, %add3A_578 : i32
      %sub3A_580 = arith.constant 1 : i32
      %sub3A_581 = arith.subi %mul3A_53, %sub3A_580 : i32
      %sub3A_582 = arith.subi %sub3A_581, %add3A_579 : i32
      %get3A_583 = arith.index_cast %add3A_579 : i32 to index
      %get3A_584 = arith.constant 0 : index
      %get3A_585 = vector.load %arg1[%get3A_583, %get3A_584] : memref<32x2048xi32, #tpu.memory_space<vmem>>, vector<1x2048xi32>
      %eq3A_586 = vector.broadcast %get3A_585 : vector<1x2048xi32> to vector<128x2048xi32>
      %eq3A_587 = arith.cmpi eq, %eq3A_586, %iota3A : vector<128x2048xi32>
      %convert_element_type3A_588 = arith.extui %eq3A_587 : vector<128x2048xi1> to vector<128x2048xi32>
      %convert_element_type3A_589 = arith.sitofp %convert_element_type3A_588 : vector<128x2048xi32> to vector<128x2048xf32>
      %slice3A_590 = vector.extract_strided_slice %concatenate3A {offsets = [0, 0], sizes = [128, 128], strides = [1, 1]} : vector<256x128xf32> to vector<128x128xf32>
      %dot_general3A_591 = arith.constant dense<0.000000e+00> : vector<128x2048xf32>
      %dot_general3A_592 = tpu.matmul %slice3A_590, %convert_element_type3A_589, %dot_general3A_591 {dimension_numbers = #tpu.dot_dimension_numbers<[1], [0], [0], [1], [0, 0, 1, 1], [], []>, transpose_lhs_hint = false} : vector<128x128xf32>, vector<128x2048xf32>, vector<128x2048xf32> -> vector<128x2048xf32>
      %dot_general3A_593 = arith.constant dense<0.000000e+00> : vector<128x2048xf32>
      %dot_general3A_594 = tpu.matmul %get3A_25, %select_n3A_513, %dot_general3A_593 {dimension_numbers = #tpu.dot_dimension_numbers<[1], [0], [0], [1], [0, 0, 1, 1], [], []>, transpose_lhs_hint = false} : vector<128x32xf32>, vector<32x2048xf32>, vector<128x2048xf32> -> vector<128x2048xf32>
      %add3A_595 = arith.addf %dot_general3A_592, %dot_general3A_594 : vector<128x2048xf32>
      %slice3A_596 = vector.extract_strided_slice %add3A_595 {offsets = [0, 0], sizes = [32, 2048], strides = [1, 1]} : vector<128x2048xf32> to vector<32x2048xf32>
      %mul3A_597 = arith.constant 5.000000e-01 : f32
      %mul3A_598 = vector.broadcast %mul3A_597 : f32 to vector<32x2048xf32>
      %mul3A_599 = arith.mulf %mul3A_598, %slice3A_596 : vector<32x2048xf32>
      %tanh3A_600 = math.tanh %mul3A_599 : vector<32x2048xf32>
      %mul3A_601 = arith.constant 5.000000e-01 : f32
      %mul3A_602 = vector.broadcast %mul3A_601 : f32 to vector<32x2048xf32>
      %mul3A_603 = arith.mulf %mul3A_602, %tanh3A_600 : vector<32x2048xf32>
      %add3A_604 = arith.constant 5.000000e-01 : f32
      %add3A_605 = vector.broadcast %add3A_604 : f32 to vector<32x2048xf32>
      %add3A_606 = arith.addf %mul3A_603, %add3A_605 : vector<32x2048xf32>
      %slice3A_607 = vector.extract_strided_slice %add3A_595 {offsets = [32, 0], sizes = [32, 2048], strides = [1, 1]} : vector<128x2048xf32> to vector<32x2048xf32>
      %mul3A_608 = arith.constant 5.000000e-01 : f32
      %mul3A_609 = vector.broadcast %mul3A_608 : f32 to vector<32x2048xf32>
      %mul3A_610 = arith.mulf %mul3A_609, %slice3A_607 : vector<32x2048xf32>
      %tanh3A_611 = math.tanh %mul3A_610 : vector<32x2048xf32>
      %mul3A_612 = arith.constant 5.000000e-01 : f32
      %mul3A_613 = vector.broadcast %mul3A_612 : f32 to vector<32x2048xf32>
      %mul3A_614 = arith.mulf %mul3A_613, %tanh3A_611 : vector<32x2048xf32>
      %add3A_615 = arith.constant 5.000000e-01 : f32
      %add3A_616 = vector.broadcast %add3A_615 : f32 to vector<32x2048xf32>
      %add3A_617 = arith.addf %mul3A_614, %add3A_616 : vector<32x2048xf32>
      %slice3A_618 = vector.extract_strided_slice %add3A_595 {offsets = [64, 0], sizes = [32, 2048], strides = [1, 1]} : vector<128x2048xf32> to vector<32x2048xf32>
      %tanh3A_619 = math.tanh %slice3A_618 : vector<32x2048xf32>
      %slice3A_620 = vector.extract_strided_slice %add3A_595 {offsets = [96, 0], sizes = [32, 2048], strides = [1, 1]} : vector<128x2048xf32> to vector<32x2048xf32>
      %mul3A_621 = arith.constant 5.000000e-01 : f32
      %mul3A_622 = vector.broadcast %mul3A_621 : f32 to vector<32x2048xf32>
      %mul3A_623 = arith.mulf %mul3A_622, %slice3A_620 : vector<32x2048xf32>
      %tanh3A_624 = math.tanh %mul3A_623 : vector<32x2048xf32>
      %mul3A_625 = arith.constant 5.000000e-01 : f32
      %mul3A_626 = vector.broadcast %mul3A_625 : f32 to vector<32x2048xf32>
      %mul3A_627 = arith.mulf %mul3A_626, %tanh3A_624 : vector<32x2048xf32>
      %add3A_628 = arith.constant 5.000000e-01 : f32
      %add3A_629 = vector.broadcast %add3A_628 : f32 to vector<32x2048xf32>
      %add3A_630 = arith.addf %mul3A_627, %add3A_629 : vector<32x2048xf32>
      %mul3A_631 = arith.mulf %add3A_617, %select_n3A_516 : vector<32x2048xf32>
      %mul3A_632 = arith.mulf %add3A_606, %tanh3A_619 : vector<32x2048xf32>
      %add3A_633 = arith.addf %mul3A_631, %mul3A_632 : vector<32x2048xf32>
      %tanh3A_634 = math.tanh %add3A_633 : vector<32x2048xf32>
      %mul3A_635 = arith.mulf %add3A_630, %tanh3A_634 : vector<32x2048xf32>
      %lt3A_636 = vector.broadcast %add3A_579 : i32 to vector<1x2048xi32>
      %lt3A_637 = arith.cmpi slt, %lt3A_636, %get3A_22 : vector<1x2048xi32>
      %broadcast_in_dim3A_638 = vector.shape_cast %lt3A_637 : vector<1x2048xi1> to vector<1x2048xi1>
      %broadcast_in_dim3A_639 = vector.broadcast %broadcast_in_dim3A_638 : vector<1x2048xi1> to vector<32x2048xi1>
      %select_n3A_640 = arith.select %broadcast_in_dim3A_639, %mul3A_635, %select_n3A_513 : vector<32x2048xi1>, vector<32x2048xf32>
      %broadcast_in_dim3A_641 = vector.shape_cast %lt3A_637 : vector<1x2048xi1> to vector<1x2048xi1>
      %broadcast_in_dim3A_642 = vector.broadcast %broadcast_in_dim3A_641 : vector<1x2048xi1> to vector<32x2048xi1>
      %select_n3A_643 = arith.select %broadcast_in_dim3A_642, %add3A_633, %select_n3A_516 : vector<32x2048xi1>, vector<32x2048xf32>
      %get3A_644 = arith.index_cast %sub3A_582 : i32 to index
      %get3A_645 = arith.constant 0 : index
      %get3A_646 = vector.load %arg1[%get3A_644, %get3A_645] : memref<32x2048xi32, #tpu.memory_space<vmem>>, vector<1x2048xi32>
      %eq3A_647 = vector.broadcast %get3A_646 : vector<1x2048xi32> to vector<128x2048xi32>
      %eq3A_648 = arith.cmpi eq, %eq3A_647, %iota3A : vector<128x2048xi32>
      %convert_element_type3A_649 = arith.extui %eq3A_648 : vector<128x2048xi1> to vector<128x2048xi32>
      %convert_element_type3A_650 = arith.sitofp %convert_element_type3A_649 : vector<128x2048xi32> to vector<128x2048xf32>
      %slice3A_651 = vector.extract_strided_slice %concatenate3A {offsets = [128, 0], sizes = [128, 128], strides = [1, 1]} : vector<256x128xf32> to vector<128x128xf32>
      %dot_general3A_652 = arith.constant dense<0.000000e+00> : vector<128x2048xf32>
      %dot_general3A_653 = tpu.matmul %slice3A_651, %convert_element_type3A_650, %dot_general3A_652 {dimension_numbers = #tpu.dot_dimension_numbers<[1], [0], [0], [1], [0, 0, 1, 1], [], []>, transpose_lhs_hint = false} : vector<128x128xf32>, vector<128x2048xf32>, vector<128x2048xf32> -> vector<128x2048xf32>
      %dot_general3A_654 = arith.constant dense<0.000000e+00> : vector<128x2048xf32>
      %dot_general3A_655 = tpu.matmul %get3A_28, %select_n3A_574, %dot_general3A_654 {dimension_numbers = #tpu.dot_dimension_numbers<[1], [0], [0], [1], [0, 0, 1, 1], [], []>, transpose_lhs_hint = false} : vector<128x32xf32>, vector<32x2048xf32>, vector<128x2048xf32> -> vector<128x2048xf32>
      %add3A_656 = arith.addf %dot_general3A_653, %dot_general3A_655 : vector<128x2048xf32>
      %slice3A_657 = vector.extract_strided_slice %add3A_656 {offsets = [0, 0], sizes = [32, 2048], strides = [1, 1]} : vector<128x2048xf32> to vector<32x2048xf32>
      %mul3A_658 = arith.constant 5.000000e-01 : f32
      %mul3A_659 = vector.broadcast %mul3A_658 : f32 to vector<32x2048xf32>
      %mul3A_660 = arith.mulf %mul3A_659, %slice3A_657 : vector<32x2048xf32>
      %tanh3A_661 = math.tanh %mul3A_660 : vector<32x2048xf32>
      %mul3A_662 = arith.constant 5.000000e-01 : f32
      %mul3A_663 = vector.broadcast %mul3A_662 : f32 to vector<32x2048xf32>
      %mul3A_664 = arith.mulf %mul3A_663, %tanh3A_661 : vector<32x2048xf32>
      %add3A_665 = arith.constant 5.000000e-01 : f32
      %add3A_666 = vector.broadcast %add3A_665 : f32 to vector<32x2048xf32>
      %add3A_667 = arith.addf %mul3A_664, %add3A_666 : vector<32x2048xf32>
      %slice3A_668 = vector.extract_strided_slice %add3A_656 {offsets = [32, 0], sizes = [32, 2048], strides = [1, 1]} : vector<128x2048xf32> to vector<32x2048xf32>
      %mul3A_669 = arith.constant 5.000000e-01 : f32
      %mul3A_670 = vector.broadcast %mul3A_669 : f32 to vector<32x2048xf32>
      %mul3A_671 = arith.mulf %mul3A_670, %slice3A_668 : vector<32x2048xf32>
      %tanh3A_672 = math.tanh %mul3A_671 : vector<32x2048xf32>
      %mul3A_673 = arith.constant 5.000000e-01 : f32
      %mul3A_674 = vector.broadcast %mul3A_673 : f32 to vector<32x2048xf32>
      %mul3A_675 = arith.mulf %mul3A_674, %tanh3A_672 : vector<32x2048xf32>
      %add3A_676 = arith.constant 5.000000e-01 : f32
      %add3A_677 = vector.broadcast %add3A_676 : f32 to vector<32x2048xf32>
      %add3A_678 = arith.addf %mul3A_675, %add3A_677 : vector<32x2048xf32>
      %slice3A_679 = vector.extract_strided_slice %add3A_656 {offsets = [64, 0], sizes = [32, 2048], strides = [1, 1]} : vector<128x2048xf32> to vector<32x2048xf32>
      %tanh3A_680 = math.tanh %slice3A_679 : vector<32x2048xf32>
      %slice3A_681 = vector.extract_strided_slice %add3A_656 {offsets = [96, 0], sizes = [32, 2048], strides = [1, 1]} : vector<128x2048xf32> to vector<32x2048xf32>
      %mul3A_682 = arith.constant 5.000000e-01 : f32
      %mul3A_683 = vector.broadcast %mul3A_682 : f32 to vector<32x2048xf32>
      %mul3A_684 = arith.mulf %mul3A_683, %slice3A_681 : vector<32x2048xf32>
      %tanh3A_685 = math.tanh %mul3A_684 : vector<32x2048xf32>
      %mul3A_686 = arith.constant 5.000000e-01 : f32
      %mul3A_687 = vector.broadcast %mul3A_686 : f32 to vector<32x2048xf32>
      %mul3A_688 = arith.mulf %mul3A_687, %tanh3A_685 : vector<32x2048xf32>
      %add3A_689 = arith.constant 5.000000e-01 : f32
      %add3A_690 = vector.broadcast %add3A_689 : f32 to vector<32x2048xf32>
      %add3A_691 = arith.addf %mul3A_688, %add3A_690 : vector<32x2048xf32>
      %mul3A_692 = arith.mulf %add3A_678, %select_n3A_577 : vector<32x2048xf32>
      %mul3A_693 = arith.mulf %add3A_667, %tanh3A_680 : vector<32x2048xf32>
      %add3A_694 = arith.addf %mul3A_692, %mul3A_693 : vector<32x2048xf32>
      %tanh3A_695 = math.tanh %add3A_694 : vector<32x2048xf32>
      %mul3A_696 = arith.mulf %add3A_691, %tanh3A_695 : vector<32x2048xf32>
      %lt3A_697 = vector.broadcast %sub3A_582 : i32 to vector<1x2048xi32>
      %lt3A_698 = arith.cmpi slt, %lt3A_697, %get3A_22 : vector<1x2048xi32>
      %broadcast_in_dim3A_699 = vector.shape_cast %lt3A_698 : vector<1x2048xi1> to vector<1x2048xi1>
      %broadcast_in_dim3A_700 = vector.broadcast %broadcast_in_dim3A_699 : vector<1x2048xi1> to vector<32x2048xi1>
      %select_n3A_701 = arith.select %broadcast_in_dim3A_700, %mul3A_696, %select_n3A_574 : vector<32x2048xi1>, vector<32x2048xf32>
      %broadcast_in_dim3A_702 = vector.shape_cast %lt3A_698 : vector<1x2048xi1> to vector<1x2048xi1>
      %broadcast_in_dim3A_703 = vector.broadcast %broadcast_in_dim3A_702 : vector<1x2048xi1> to vector<32x2048xi1>
      %select_n3A_704 = arith.select %broadcast_in_dim3A_703, %add3A_694, %select_n3A_577 : vector<32x2048xi1>, vector<32x2048xf32>
      %add3A_705 = arith.constant 5 : i32
      %add3A_706 = arith.addi %mul3A_74, %add3A_705 : i32
      %sub3A_707 = arith.constant 1 : i32
      %sub3A_708 = arith.subi %mul3A_53, %sub3A_707 : i32
      %sub3A_709 = arith.subi %sub3A_708, %add3A_706 : i32
      %get3A_710 = arith.index_cast %add3A_706 : i32 to index
      %get3A_711 = arith.constant 0 : index
      %get3A_712 = vector.load %arg1[%get3A_710, %get3A_711] : memref<32x2048xi32, #tpu.memory_space<vmem>>, vector<1x2048xi32>
      %eq3A_713 = vector.broadcast %get3A_712 : vector<1x2048xi32> to vector<128x2048xi32>
      %eq3A_714 = arith.cmpi eq, %eq3A_713, %iota3A : vector<128x2048xi32>
      %convert_element_type3A_715 = arith.extui %eq3A_714 : vector<128x2048xi1> to vector<128x2048xi32>
      %convert_element_type3A_716 = arith.sitofp %convert_element_type3A_715 : vector<128x2048xi32> to vector<128x2048xf32>
      %slice3A_717 = vector.extract_strided_slice %concatenate3A {offsets = [0, 0], sizes = [128, 128], strides = [1, 1]} : vector<256x128xf32> to vector<128x128xf32>
      %dot_general3A_718 = arith.constant dense<0.000000e+00> : vector<128x2048xf32>
      %dot_general3A_719 = tpu.matmul %slice3A_717, %convert_element_type3A_716, %dot_general3A_718 {dimension_numbers = #tpu.dot_dimension_numbers<[1], [0], [0], [1], [0, 0, 1, 1], [], []>, transpose_lhs_hint = false} : vector<128x128xf32>, vector<128x2048xf32>, vector<128x2048xf32> -> vector<128x2048xf32>
      %dot_general3A_720 = arith.constant dense<0.000000e+00> : vector<128x2048xf32>
      %dot_general3A_721 = tpu.matmul %get3A_25, %select_n3A_640, %dot_general3A_720 {dimension_numbers = #tpu.dot_dimension_numbers<[1], [0], [0], [1], [0, 0, 1, 1], [], []>, transpose_lhs_hint = false} : vector<128x32xf32>, vector<32x2048xf32>, vector<128x2048xf32> -> vector<128x2048xf32>
      %add3A_722 = arith.addf %dot_general3A_719, %dot_general3A_721 : vector<128x2048xf32>
      %slice3A_723 = vector.extract_strided_slice %add3A_722 {offsets = [0, 0], sizes = [32, 2048], strides = [1, 1]} : vector<128x2048xf32> to vector<32x2048xf32>
      %mul3A_724 = arith.constant 5.000000e-01 : f32
      %mul3A_725 = vector.broadcast %mul3A_724 : f32 to vector<32x2048xf32>
      %mul3A_726 = arith.mulf %mul3A_725, %slice3A_723 : vector<32x2048xf32>
      %tanh3A_727 = math.tanh %mul3A_726 : vector<32x2048xf32>
      %mul3A_728 = arith.constant 5.000000e-01 : f32
      %mul3A_729 = vector.broadcast %mul3A_728 : f32 to vector<32x2048xf32>
      %mul3A_730 = arith.mulf %mul3A_729, %tanh3A_727 : vector<32x2048xf32>
      %add3A_731 = arith.constant 5.000000e-01 : f32
      %add3A_732 = vector.broadcast %add3A_731 : f32 to vector<32x2048xf32>
      %add3A_733 = arith.addf %mul3A_730, %add3A_732 : vector<32x2048xf32>
      %slice3A_734 = vector.extract_strided_slice %add3A_722 {offsets = [32, 0], sizes = [32, 2048], strides = [1, 1]} : vector<128x2048xf32> to vector<32x2048xf32>
      %mul3A_735 = arith.constant 5.000000e-01 : f32
      %mul3A_736 = vector.broadcast %mul3A_735 : f32 to vector<32x2048xf32>
      %mul3A_737 = arith.mulf %mul3A_736, %slice3A_734 : vector<32x2048xf32>
      %tanh3A_738 = math.tanh %mul3A_737 : vector<32x2048xf32>
      %mul3A_739 = arith.constant 5.000000e-01 : f32
      %mul3A_740 = vector.broadcast %mul3A_739 : f32 to vector<32x2048xf32>
      %mul3A_741 = arith.mulf %mul3A_740, %tanh3A_738 : vector<32x2048xf32>
      %add3A_742 = arith.constant 5.000000e-01 : f32
      %add3A_743 = vector.broadcast %add3A_742 : f32 to vector<32x2048xf32>
      %add3A_744 = arith.addf %mul3A_741, %add3A_743 : vector<32x2048xf32>
      %slice3A_745 = vector.extract_strided_slice %add3A_722 {offsets = [64, 0], sizes = [32, 2048], strides = [1, 1]} : vector<128x2048xf32> to vector<32x2048xf32>
      %tanh3A_746 = math.tanh %slice3A_745 : vector<32x2048xf32>
      %slice3A_747 = vector.extract_strided_slice %add3A_722 {offsets = [96, 0], sizes = [32, 2048], strides = [1, 1]} : vector<128x2048xf32> to vector<32x2048xf32>
      %mul3A_748 = arith.constant 5.000000e-01 : f32
      %mul3A_749 = vector.broadcast %mul3A_748 : f32 to vector<32x2048xf32>
      %mul3A_750 = arith.mulf %mul3A_749, %slice3A_747 : vector<32x2048xf32>
      %tanh3A_751 = math.tanh %mul3A_750 : vector<32x2048xf32>
      %mul3A_752 = arith.constant 5.000000e-01 : f32
      %mul3A_753 = vector.broadcast %mul3A_752 : f32 to vector<32x2048xf32>
      %mul3A_754 = arith.mulf %mul3A_753, %tanh3A_751 : vector<32x2048xf32>
      %add3A_755 = arith.constant 5.000000e-01 : f32
      %add3A_756 = vector.broadcast %add3A_755 : f32 to vector<32x2048xf32>
      %add3A_757 = arith.addf %mul3A_754, %add3A_756 : vector<32x2048xf32>
      %mul3A_758 = arith.mulf %add3A_744, %select_n3A_643 : vector<32x2048xf32>
      %mul3A_759 = arith.mulf %add3A_733, %tanh3A_746 : vector<32x2048xf32>
      %add3A_760 = arith.addf %mul3A_758, %mul3A_759 : vector<32x2048xf32>
      %tanh3A_761 = math.tanh %add3A_760 : vector<32x2048xf32>
      %mul3A_762 = arith.mulf %add3A_757, %tanh3A_761 : vector<32x2048xf32>
      %lt3A_763 = vector.broadcast %add3A_706 : i32 to vector<1x2048xi32>
      %lt3A_764 = arith.cmpi slt, %lt3A_763, %get3A_22 : vector<1x2048xi32>
      %broadcast_in_dim3A_765 = vector.shape_cast %lt3A_764 : vector<1x2048xi1> to vector<1x2048xi1>
      %broadcast_in_dim3A_766 = vector.broadcast %broadcast_in_dim3A_765 : vector<1x2048xi1> to vector<32x2048xi1>
      %select_n3A_767 = arith.select %broadcast_in_dim3A_766, %mul3A_762, %select_n3A_640 : vector<32x2048xi1>, vector<32x2048xf32>
      %broadcast_in_dim3A_768 = vector.shape_cast %lt3A_764 : vector<1x2048xi1> to vector<1x2048xi1>
      %broadcast_in_dim3A_769 = vector.broadcast %broadcast_in_dim3A_768 : vector<1x2048xi1> to vector<32x2048xi1>
      %select_n3A_770 = arith.select %broadcast_in_dim3A_769, %add3A_760, %select_n3A_643 : vector<32x2048xi1>, vector<32x2048xf32>
      %get3A_771 = arith.index_cast %sub3A_709 : i32 to index
      %get3A_772 = arith.constant 0 : index
      %get3A_773 = vector.load %arg1[%get3A_771, %get3A_772] : memref<32x2048xi32, #tpu.memory_space<vmem>>, vector<1x2048xi32>
      %eq3A_774 = vector.broadcast %get3A_773 : vector<1x2048xi32> to vector<128x2048xi32>
      %eq3A_775 = arith.cmpi eq, %eq3A_774, %iota3A : vector<128x2048xi32>
      %convert_element_type3A_776 = arith.extui %eq3A_775 : vector<128x2048xi1> to vector<128x2048xi32>
      %convert_element_type3A_777 = arith.sitofp %convert_element_type3A_776 : vector<128x2048xi32> to vector<128x2048xf32>
      %slice3A_778 = vector.extract_strided_slice %concatenate3A {offsets = [128, 0], sizes = [128, 128], strides = [1, 1]} : vector<256x128xf32> to vector<128x128xf32>
      %dot_general3A_779 = arith.constant dense<0.000000e+00> : vector<128x2048xf32>
      %dot_general3A_780 = tpu.matmul %slice3A_778, %convert_element_type3A_777, %dot_general3A_779 {dimension_numbers = #tpu.dot_dimension_numbers<[1], [0], [0], [1], [0, 0, 1, 1], [], []>, transpose_lhs_hint = false} : vector<128x128xf32>, vector<128x2048xf32>, vector<128x2048xf32> -> vector<128x2048xf32>
      %dot_general3A_781 = arith.constant dense<0.000000e+00> : vector<128x2048xf32>
      %dot_general3A_782 = tpu.matmul %get3A_28, %select_n3A_701, %dot_general3A_781 {dimension_numbers = #tpu.dot_dimension_numbers<[1], [0], [0], [1], [0, 0, 1, 1], [], []>, transpose_lhs_hint = false} : vector<128x32xf32>, vector<32x2048xf32>, vector<128x2048xf32> -> vector<128x2048xf32>
      %add3A_783 = arith.addf %dot_general3A_780, %dot_general3A_782 : vector<128x2048xf32>
      %slice3A_784 = vector.extract_strided_slice %add3A_783 {offsets = [0, 0], sizes = [32, 2048], strides = [1, 1]} : vector<128x2048xf32> to vector<32x2048xf32>
      %mul3A_785 = arith.constant 5.000000e-01 : f32
      %mul3A_786 = vector.broadcast %mul3A_785 : f32 to vector<32x2048xf32>
      %mul3A_787 = arith.mulf %mul3A_786, %slice3A_784 : vector<32x2048xf32>
      %tanh3A_788 = math.tanh %mul3A_787 : vector<32x2048xf32>
      %mul3A_789 = arith.constant 5.000000e-01 : f32
      %mul3A_790 = vector.broadcast %mul3A_789 : f32 to vector<32x2048xf32>
      %mul3A_791 = arith.mulf %mul3A_790, %tanh3A_788 : vector<32x2048xf32>
      %add3A_792 = arith.constant 5.000000e-01 : f32
      %add3A_793 = vector.broadcast %add3A_792 : f32 to vector<32x2048xf32>
      %add3A_794 = arith.addf %mul3A_791, %add3A_793 : vector<32x2048xf32>
      %slice3A_795 = vector.extract_strided_slice %add3A_783 {offsets = [32, 0], sizes = [32, 2048], strides = [1, 1]} : vector<128x2048xf32> to vector<32x2048xf32>
      %mul3A_796 = arith.constant 5.000000e-01 : f32
      %mul3A_797 = vector.broadcast %mul3A_796 : f32 to vector<32x2048xf32>
      %mul3A_798 = arith.mulf %mul3A_797, %slice3A_795 : vector<32x2048xf32>
      %tanh3A_799 = math.tanh %mul3A_798 : vector<32x2048xf32>
      %mul3A_800 = arith.constant 5.000000e-01 : f32
      %mul3A_801 = vector.broadcast %mul3A_800 : f32 to vector<32x2048xf32>
      %mul3A_802 = arith.mulf %mul3A_801, %tanh3A_799 : vector<32x2048xf32>
      %add3A_803 = arith.constant 5.000000e-01 : f32
      %add3A_804 = vector.broadcast %add3A_803 : f32 to vector<32x2048xf32>
      %add3A_805 = arith.addf %mul3A_802, %add3A_804 : vector<32x2048xf32>
      %slice3A_806 = vector.extract_strided_slice %add3A_783 {offsets = [64, 0], sizes = [32, 2048], strides = [1, 1]} : vector<128x2048xf32> to vector<32x2048xf32>
      %tanh3A_807 = math.tanh %slice3A_806 : vector<32x2048xf32>
      %slice3A_808 = vector.extract_strided_slice %add3A_783 {offsets = [96, 0], sizes = [32, 2048], strides = [1, 1]} : vector<128x2048xf32> to vector<32x2048xf32>
      %mul3A_809 = arith.constant 5.000000e-01 : f32
      %mul3A_810 = vector.broadcast %mul3A_809 : f32 to vector<32x2048xf32>
      %mul3A_811 = arith.mulf %mul3A_810, %slice3A_808 : vector<32x2048xf32>
      %tanh3A_812 = math.tanh %mul3A_811 : vector<32x2048xf32>
      %mul3A_813 = arith.constant 5.000000e-01 : f32
      %mul3A_814 = vector.broadcast %mul3A_813 : f32 to vector<32x2048xf32>
      %mul3A_815 = arith.mulf %mul3A_814, %tanh3A_812 : vector<32x2048xf32>
      %add3A_816 = arith.constant 5.000000e-01 : f32
      %add3A_817 = vector.broadcast %add3A_816 : f32 to vector<32x2048xf32>
      %add3A_818 = arith.addf %mul3A_815, %add3A_817 : vector<32x2048xf32>
      %mul3A_819 = arith.mulf %add3A_805, %select_n3A_704 : vector<32x2048xf32>
      %mul3A_820 = arith.mulf %add3A_794, %tanh3A_807 : vector<32x2048xf32>
      %add3A_821 = arith.addf %mul3A_819, %mul3A_820 : vector<32x2048xf32>
      %tanh3A_822 = math.tanh %add3A_821 : vector<32x2048xf32>
      %mul3A_823 = arith.mulf %add3A_818, %tanh3A_822 : vector<32x2048xf32>
      %lt3A_824 = vector.broadcast %sub3A_709 : i32 to vector<1x2048xi32>
      %lt3A_825 = arith.cmpi slt, %lt3A_824, %get3A_22 : vector<1x2048xi32>
      %broadcast_in_dim3A_826 = vector.shape_cast %lt3A_825 : vector<1x2048xi1> to vector<1x2048xi1>
      %broadcast_in_dim3A_827 = vector.broadcast %broadcast_in_dim3A_826 : vector<1x2048xi1> to vector<32x2048xi1>
      %select_n3A_828 = arith.select %broadcast_in_dim3A_827, %mul3A_823, %select_n3A_701 : vector<32x2048xi1>, vector<32x2048xf32>
      %broadcast_in_dim3A_829 = vector.shape_cast %lt3A_825 : vector<1x2048xi1> to vector<1x2048xi1>
      %broadcast_in_dim3A_830 = vector.broadcast %broadcast_in_dim3A_829 : vector<1x2048xi1> to vector<32x2048xi1>
      %select_n3A_831 = arith.select %broadcast_in_dim3A_830, %add3A_821, %select_n3A_704 : vector<32x2048xi1>, vector<32x2048xf32>
      %add3A_832 = arith.constant 6 : i32
      %add3A_833 = arith.addi %mul3A_74, %add3A_832 : i32
      %sub3A_834 = arith.constant 1 : i32
      %sub3A_835 = arith.subi %mul3A_53, %sub3A_834 : i32
      %sub3A_836 = arith.subi %sub3A_835, %add3A_833 : i32
      %get3A_837 = arith.index_cast %add3A_833 : i32 to index
      %get3A_838 = arith.constant 0 : index
      %get3A_839 = vector.load %arg1[%get3A_837, %get3A_838] : memref<32x2048xi32, #tpu.memory_space<vmem>>, vector<1x2048xi32>
      %eq3A_840 = vector.broadcast %get3A_839 : vector<1x2048xi32> to vector<128x2048xi32>
      %eq3A_841 = arith.cmpi eq, %eq3A_840, %iota3A : vector<128x2048xi32>
      %convert_element_type3A_842 = arith.extui %eq3A_841 : vector<128x2048xi1> to vector<128x2048xi32>
      %convert_element_type3A_843 = arith.sitofp %convert_element_type3A_842 : vector<128x2048xi32> to vector<128x2048xf32>
      %slice3A_844 = vector.extract_strided_slice %concatenate3A {offsets = [0, 0], sizes = [128, 128], strides = [1, 1]} : vector<256x128xf32> to vector<128x128xf32>
      %dot_general3A_845 = arith.constant dense<0.000000e+00> : vector<128x2048xf32>
      %dot_general3A_846 = tpu.matmul %slice3A_844, %convert_element_type3A_843, %dot_general3A_845 {dimension_numbers = #tpu.dot_dimension_numbers<[1], [0], [0], [1], [0, 0, 1, 1], [], []>, transpose_lhs_hint = false} : vector<128x128xf32>, vector<128x2048xf32>, vector<128x2048xf32> -> vector<128x2048xf32>
      %dot_general3A_847 = arith.constant dense<0.000000e+00> : vector<128x2048xf32>
      %dot_general3A_848 = tpu.matmul %get3A_25, %select_n3A_767, %dot_general3A_847 {dimension_numbers = #tpu.dot_dimension_numbers<[1], [0], [0], [1], [0, 0, 1, 1], [], []>, transpose_lhs_hint = false} : vector<128x32xf32>, vector<32x2048xf32>, vector<128x2048xf32> -> vector<128x2048xf32>
      %add3A_849 = arith.addf %dot_general3A_846, %dot_general3A_848 : vector<128x2048xf32>
      %slice3A_850 = vector.extract_strided_slice %add3A_849 {offsets = [0, 0], sizes = [32, 2048], strides = [1, 1]} : vector<128x2048xf32> to vector<32x2048xf32>
      %mul3A_851 = arith.constant 5.000000e-01 : f32
      %mul3A_852 = vector.broadcast %mul3A_851 : f32 to vector<32x2048xf32>
      %mul3A_853 = arith.mulf %mul3A_852, %slice3A_850 : vector<32x2048xf32>
      %tanh3A_854 = math.tanh %mul3A_853 : vector<32x2048xf32>
      %mul3A_855 = arith.constant 5.000000e-01 : f32
      %mul3A_856 = vector.broadcast %mul3A_855 : f32 to vector<32x2048xf32>
      %mul3A_857 = arith.mulf %mul3A_856, %tanh3A_854 : vector<32x2048xf32>
      %add3A_858 = arith.constant 5.000000e-01 : f32
      %add3A_859 = vector.broadcast %add3A_858 : f32 to vector<32x2048xf32>
      %add3A_860 = arith.addf %mul3A_857, %add3A_859 : vector<32x2048xf32>
      %slice3A_861 = vector.extract_strided_slice %add3A_849 {offsets = [32, 0], sizes = [32, 2048], strides = [1, 1]} : vector<128x2048xf32> to vector<32x2048xf32>
      %mul3A_862 = arith.constant 5.000000e-01 : f32
      %mul3A_863 = vector.broadcast %mul3A_862 : f32 to vector<32x2048xf32>
      %mul3A_864 = arith.mulf %mul3A_863, %slice3A_861 : vector<32x2048xf32>
      %tanh3A_865 = math.tanh %mul3A_864 : vector<32x2048xf32>
      %mul3A_866 = arith.constant 5.000000e-01 : f32
      %mul3A_867 = vector.broadcast %mul3A_866 : f32 to vector<32x2048xf32>
      %mul3A_868 = arith.mulf %mul3A_867, %tanh3A_865 : vector<32x2048xf32>
      %add3A_869 = arith.constant 5.000000e-01 : f32
      %add3A_870 = vector.broadcast %add3A_869 : f32 to vector<32x2048xf32>
      %add3A_871 = arith.addf %mul3A_868, %add3A_870 : vector<32x2048xf32>
      %slice3A_872 = vector.extract_strided_slice %add3A_849 {offsets = [64, 0], sizes = [32, 2048], strides = [1, 1]} : vector<128x2048xf32> to vector<32x2048xf32>
      %tanh3A_873 = math.tanh %slice3A_872 : vector<32x2048xf32>
      %slice3A_874 = vector.extract_strided_slice %add3A_849 {offsets = [96, 0], sizes = [32, 2048], strides = [1, 1]} : vector<128x2048xf32> to vector<32x2048xf32>
      %mul3A_875 = arith.constant 5.000000e-01 : f32
      %mul3A_876 = vector.broadcast %mul3A_875 : f32 to vector<32x2048xf32>
      %mul3A_877 = arith.mulf %mul3A_876, %slice3A_874 : vector<32x2048xf32>
      %tanh3A_878 = math.tanh %mul3A_877 : vector<32x2048xf32>
      %mul3A_879 = arith.constant 5.000000e-01 : f32
      %mul3A_880 = vector.broadcast %mul3A_879 : f32 to vector<32x2048xf32>
      %mul3A_881 = arith.mulf %mul3A_880, %tanh3A_878 : vector<32x2048xf32>
      %add3A_882 = arith.constant 5.000000e-01 : f32
      %add3A_883 = vector.broadcast %add3A_882 : f32 to vector<32x2048xf32>
      %add3A_884 = arith.addf %mul3A_881, %add3A_883 : vector<32x2048xf32>
      %mul3A_885 = arith.mulf %add3A_871, %select_n3A_770 : vector<32x2048xf32>
      %mul3A_886 = arith.mulf %add3A_860, %tanh3A_873 : vector<32x2048xf32>
      %add3A_887 = arith.addf %mul3A_885, %mul3A_886 : vector<32x2048xf32>
      %tanh3A_888 = math.tanh %add3A_887 : vector<32x2048xf32>
      %mul3A_889 = arith.mulf %add3A_884, %tanh3A_888 : vector<32x2048xf32>
      %lt3A_890 = vector.broadcast %add3A_833 : i32 to vector<1x2048xi32>
      %lt3A_891 = arith.cmpi slt, %lt3A_890, %get3A_22 : vector<1x2048xi32>
      %broadcast_in_dim3A_892 = vector.shape_cast %lt3A_891 : vector<1x2048xi1> to vector<1x2048xi1>
      %broadcast_in_dim3A_893 = vector.broadcast %broadcast_in_dim3A_892 : vector<1x2048xi1> to vector<32x2048xi1>
      %select_n3A_894 = arith.select %broadcast_in_dim3A_893, %mul3A_889, %select_n3A_767 : vector<32x2048xi1>, vector<32x2048xf32>
      %broadcast_in_dim3A_895 = vector.shape_cast %lt3A_891 : vector<1x2048xi1> to vector<1x2048xi1>
      %broadcast_in_dim3A_896 = vector.broadcast %broadcast_in_dim3A_895 : vector<1x2048xi1> to vector<32x2048xi1>
      %select_n3A_897 = arith.select %broadcast_in_dim3A_896, %add3A_887, %select_n3A_770 : vector<32x2048xi1>, vector<32x2048xf32>
      %get3A_898 = arith.index_cast %sub3A_836 : i32 to index
      %get3A_899 = arith.constant 0 : index
      %get3A_900 = vector.load %arg1[%get3A_898, %get3A_899] : memref<32x2048xi32, #tpu.memory_space<vmem>>, vector<1x2048xi32>
      %eq3A_901 = vector.broadcast %get3A_900 : vector<1x2048xi32> to vector<128x2048xi32>
      %eq3A_902 = arith.cmpi eq, %eq3A_901, %iota3A : vector<128x2048xi32>
      %convert_element_type3A_903 = arith.extui %eq3A_902 : vector<128x2048xi1> to vector<128x2048xi32>
      %convert_element_type3A_904 = arith.sitofp %convert_element_type3A_903 : vector<128x2048xi32> to vector<128x2048xf32>
      %slice3A_905 = vector.extract_strided_slice %concatenate3A {offsets = [128, 0], sizes = [128, 128], strides = [1, 1]} : vector<256x128xf32> to vector<128x128xf32>
      %dot_general3A_906 = arith.constant dense<0.000000e+00> : vector<128x2048xf32>
      %dot_general3A_907 = tpu.matmul %slice3A_905, %convert_element_type3A_904, %dot_general3A_906 {dimension_numbers = #tpu.dot_dimension_numbers<[1], [0], [0], [1], [0, 0, 1, 1], [], []>, transpose_lhs_hint = false} : vector<128x128xf32>, vector<128x2048xf32>, vector<128x2048xf32> -> vector<128x2048xf32>
      %dot_general3A_908 = arith.constant dense<0.000000e+00> : vector<128x2048xf32>
      %dot_general3A_909 = tpu.matmul %get3A_28, %select_n3A_828, %dot_general3A_908 {dimension_numbers = #tpu.dot_dimension_numbers<[1], [0], [0], [1], [0, 0, 1, 1], [], []>, transpose_lhs_hint = false} : vector<128x32xf32>, vector<32x2048xf32>, vector<128x2048xf32> -> vector<128x2048xf32>
      %add3A_910 = arith.addf %dot_general3A_907, %dot_general3A_909 : vector<128x2048xf32>
      %slice3A_911 = vector.extract_strided_slice %add3A_910 {offsets = [0, 0], sizes = [32, 2048], strides = [1, 1]} : vector<128x2048xf32> to vector<32x2048xf32>
      %mul3A_912 = arith.constant 5.000000e-01 : f32
      %mul3A_913 = vector.broadcast %mul3A_912 : f32 to vector<32x2048xf32>
      %mul3A_914 = arith.mulf %mul3A_913, %slice3A_911 : vector<32x2048xf32>
      %tanh3A_915 = math.tanh %mul3A_914 : vector<32x2048xf32>
      %mul3A_916 = arith.constant 5.000000e-01 : f32
      %mul3A_917 = vector.broadcast %mul3A_916 : f32 to vector<32x2048xf32>
      %mul3A_918 = arith.mulf %mul3A_917, %tanh3A_915 : vector<32x2048xf32>
      %add3A_919 = arith.constant 5.000000e-01 : f32
      %add3A_920 = vector.broadcast %add3A_919 : f32 to vector<32x2048xf32>
      %add3A_921 = arith.addf %mul3A_918, %add3A_920 : vector<32x2048xf32>
      %slice3A_922 = vector.extract_strided_slice %add3A_910 {offsets = [32, 0], sizes = [32, 2048], strides = [1, 1]} : vector<128x2048xf32> to vector<32x2048xf32>
      %mul3A_923 = arith.constant 5.000000e-01 : f32
      %mul3A_924 = vector.broadcast %mul3A_923 : f32 to vector<32x2048xf32>
      %mul3A_925 = arith.mulf %mul3A_924, %slice3A_922 : vector<32x2048xf32>
      %tanh3A_926 = math.tanh %mul3A_925 : vector<32x2048xf32>
      %mul3A_927 = arith.constant 5.000000e-01 : f32
      %mul3A_928 = vector.broadcast %mul3A_927 : f32 to vector<32x2048xf32>
      %mul3A_929 = arith.mulf %mul3A_928, %tanh3A_926 : vector<32x2048xf32>
      %add3A_930 = arith.constant 5.000000e-01 : f32
      %add3A_931 = vector.broadcast %add3A_930 : f32 to vector<32x2048xf32>
      %add3A_932 = arith.addf %mul3A_929, %add3A_931 : vector<32x2048xf32>
      %slice3A_933 = vector.extract_strided_slice %add3A_910 {offsets = [64, 0], sizes = [32, 2048], strides = [1, 1]} : vector<128x2048xf32> to vector<32x2048xf32>
      %tanh3A_934 = math.tanh %slice3A_933 : vector<32x2048xf32>
      %slice3A_935 = vector.extract_strided_slice %add3A_910 {offsets = [96, 0], sizes = [32, 2048], strides = [1, 1]} : vector<128x2048xf32> to vector<32x2048xf32>
      %mul3A_936 = arith.constant 5.000000e-01 : f32
      %mul3A_937 = vector.broadcast %mul3A_936 : f32 to vector<32x2048xf32>
      %mul3A_938 = arith.mulf %mul3A_937, %slice3A_935 : vector<32x2048xf32>
      %tanh3A_939 = math.tanh %mul3A_938 : vector<32x2048xf32>
      %mul3A_940 = arith.constant 5.000000e-01 : f32
      %mul3A_941 = vector.broadcast %mul3A_940 : f32 to vector<32x2048xf32>
      %mul3A_942 = arith.mulf %mul3A_941, %tanh3A_939 : vector<32x2048xf32>
      %add3A_943 = arith.constant 5.000000e-01 : f32
      %add3A_944 = vector.broadcast %add3A_943 : f32 to vector<32x2048xf32>
      %add3A_945 = arith.addf %mul3A_942, %add3A_944 : vector<32x2048xf32>
      %mul3A_946 = arith.mulf %add3A_932, %select_n3A_831 : vector<32x2048xf32>
      %mul3A_947 = arith.mulf %add3A_921, %tanh3A_934 : vector<32x2048xf32>
      %add3A_948 = arith.addf %mul3A_946, %mul3A_947 : vector<32x2048xf32>
      %tanh3A_949 = math.tanh %add3A_948 : vector<32x2048xf32>
      %mul3A_950 = arith.mulf %add3A_945, %tanh3A_949 : vector<32x2048xf32>
      %lt3A_951 = vector.broadcast %sub3A_836 : i32 to vector<1x2048xi32>
      %lt3A_952 = arith.cmpi slt, %lt3A_951, %get3A_22 : vector<1x2048xi32>
      %broadcast_in_dim3A_953 = vector.shape_cast %lt3A_952 : vector<1x2048xi1> to vector<1x2048xi1>
      %broadcast_in_dim3A_954 = vector.broadcast %broadcast_in_dim3A_953 : vector<1x2048xi1> to vector<32x2048xi1>
      %select_n3A_955 = arith.select %broadcast_in_dim3A_954, %mul3A_950, %select_n3A_828 : vector<32x2048xi1>, vector<32x2048xf32>
      %broadcast_in_dim3A_956 = vector.shape_cast %lt3A_952 : vector<1x2048xi1> to vector<1x2048xi1>
      %broadcast_in_dim3A_957 = vector.broadcast %broadcast_in_dim3A_956 : vector<1x2048xi1> to vector<32x2048xi1>
      %select_n3A_958 = arith.select %broadcast_in_dim3A_957, %add3A_948, %select_n3A_831 : vector<32x2048xi1>, vector<32x2048xf32>
      %add3A_959 = arith.constant 7 : i32
      %add3A_960 = arith.addi %mul3A_74, %add3A_959 : i32
      %sub3A_961 = arith.constant 1 : i32
      %sub3A_962 = arith.subi %mul3A_53, %sub3A_961 : i32
      %sub3A_963 = arith.subi %sub3A_962, %add3A_960 : i32
      %get3A_964 = arith.index_cast %add3A_960 : i32 to index
      %get3A_965 = arith.constant 0 : index
      %get3A_966 = vector.load %arg1[%get3A_964, %get3A_965] : memref<32x2048xi32, #tpu.memory_space<vmem>>, vector<1x2048xi32>
      %eq3A_967 = vector.broadcast %get3A_966 : vector<1x2048xi32> to vector<128x2048xi32>
      %eq3A_968 = arith.cmpi eq, %eq3A_967, %iota3A : vector<128x2048xi32>
      %convert_element_type3A_969 = arith.extui %eq3A_968 : vector<128x2048xi1> to vector<128x2048xi32>
      %convert_element_type3A_970 = arith.sitofp %convert_element_type3A_969 : vector<128x2048xi32> to vector<128x2048xf32>
      %slice3A_971 = vector.extract_strided_slice %concatenate3A {offsets = [0, 0], sizes = [128, 128], strides = [1, 1]} : vector<256x128xf32> to vector<128x128xf32>
      %dot_general3A_972 = arith.constant dense<0.000000e+00> : vector<128x2048xf32>
      %dot_general3A_973 = tpu.matmul %slice3A_971, %convert_element_type3A_970, %dot_general3A_972 {dimension_numbers = #tpu.dot_dimension_numbers<[1], [0], [0], [1], [0, 0, 1, 1], [], []>, transpose_lhs_hint = false} : vector<128x128xf32>, vector<128x2048xf32>, vector<128x2048xf32> -> vector<128x2048xf32>
      %dot_general3A_974 = arith.constant dense<0.000000e+00> : vector<128x2048xf32>
      %dot_general3A_975 = tpu.matmul %get3A_25, %select_n3A_894, %dot_general3A_974 {dimension_numbers = #tpu.dot_dimension_numbers<[1], [0], [0], [1], [0, 0, 1, 1], [], []>, transpose_lhs_hint = false} : vector<128x32xf32>, vector<32x2048xf32>, vector<128x2048xf32> -> vector<128x2048xf32>
      %add3A_976 = arith.addf %dot_general3A_973, %dot_general3A_975 : vector<128x2048xf32>
      %slice3A_977 = vector.extract_strided_slice %add3A_976 {offsets = [0, 0], sizes = [32, 2048], strides = [1, 1]} : vector<128x2048xf32> to vector<32x2048xf32>
      %mul3A_978 = arith.constant 5.000000e-01 : f32
      %mul3A_979 = vector.broadcast %mul3A_978 : f32 to vector<32x2048xf32>
      %mul3A_980 = arith.mulf %mul3A_979, %slice3A_977 : vector<32x2048xf32>
      %tanh3A_981 = math.tanh %mul3A_980 : vector<32x2048xf32>
      %mul3A_982 = arith.constant 5.000000e-01 : f32
      %mul3A_983 = vector.broadcast %mul3A_982 : f32 to vector<32x2048xf32>
      %mul3A_984 = arith.mulf %mul3A_983, %tanh3A_981 : vector<32x2048xf32>
      %add3A_985 = arith.constant 5.000000e-01 : f32
      %add3A_986 = vector.broadcast %add3A_985 : f32 to vector<32x2048xf32>
      %add3A_987 = arith.addf %mul3A_984, %add3A_986 : vector<32x2048xf32>
      %slice3A_988 = vector.extract_strided_slice %add3A_976 {offsets = [32, 0], sizes = [32, 2048], strides = [1, 1]} : vector<128x2048xf32> to vector<32x2048xf32>
      %mul3A_989 = arith.constant 5.000000e-01 : f32
      %mul3A_990 = vector.broadcast %mul3A_989 : f32 to vector<32x2048xf32>
      %mul3A_991 = arith.mulf %mul3A_990, %slice3A_988 : vector<32x2048xf32>
      %tanh3A_992 = math.tanh %mul3A_991 : vector<32x2048xf32>
      %mul3A_993 = arith.constant 5.000000e-01 : f32
      %mul3A_994 = vector.broadcast %mul3A_993 : f32 to vector<32x2048xf32>
      %mul3A_995 = arith.mulf %mul3A_994, %tanh3A_992 : vector<32x2048xf32>
      %add3A_996 = arith.constant 5.000000e-01 : f32
      %add3A_997 = vector.broadcast %add3A_996 : f32 to vector<32x2048xf32>
      %add3A_998 = arith.addf %mul3A_995, %add3A_997 : vector<32x2048xf32>
      %slice3A_999 = vector.extract_strided_slice %add3A_976 {offsets = [64, 0], sizes = [32, 2048], strides = [1, 1]} : vector<128x2048xf32> to vector<32x2048xf32>
      %tanh3A_1000 = math.tanh %slice3A_999 : vector<32x2048xf32>
      %slice3A_1001 = vector.extract_strided_slice %add3A_976 {offsets = [96, 0], sizes = [32, 2048], strides = [1, 1]} : vector<128x2048xf32> to vector<32x2048xf32>
      %mul3A_1002 = arith.constant 5.000000e-01 : f32
      %mul3A_1003 = vector.broadcast %mul3A_1002 : f32 to vector<32x2048xf32>
      %mul3A_1004 = arith.mulf %mul3A_1003, %slice3A_1001 : vector<32x2048xf32>
      %tanh3A_1005 = math.tanh %mul3A_1004 : vector<32x2048xf32>
      %mul3A_1006 = arith.constant 5.000000e-01 : f32
      %mul3A_1007 = vector.broadcast %mul3A_1006 : f32 to vector<32x2048xf32>
      %mul3A_1008 = arith.mulf %mul3A_1007, %tanh3A_1005 : vector<32x2048xf32>
      %add3A_1009 = arith.constant 5.000000e-01 : f32
      %add3A_1010 = vector.broadcast %add3A_1009 : f32 to vector<32x2048xf32>
      %add3A_1011 = arith.addf %mul3A_1008, %add3A_1010 : vector<32x2048xf32>
      %mul3A_1012 = arith.mulf %add3A_998, %select_n3A_897 : vector<32x2048xf32>
      %mul3A_1013 = arith.mulf %add3A_987, %tanh3A_1000 : vector<32x2048xf32>
      %add3A_1014 = arith.addf %mul3A_1012, %mul3A_1013 : vector<32x2048xf32>
      %tanh3A_1015 = math.tanh %add3A_1014 : vector<32x2048xf32>
      %mul3A_1016 = arith.mulf %add3A_1011, %tanh3A_1015 : vector<32x2048xf32>
      %lt3A_1017 = vector.broadcast %add3A_960 : i32 to vector<1x2048xi32>
      %lt3A_1018 = arith.cmpi slt, %lt3A_1017, %get3A_22 : vector<1x2048xi32>
      %broadcast_in_dim3A_1019 = vector.shape_cast %lt3A_1018 : vector<1x2048xi1> to vector<1x2048xi1>
      %broadcast_in_dim3A_1020 = vector.broadcast %broadcast_in_dim3A_1019 : vector<1x2048xi1> to vector<32x2048xi1>
      %select_n3A_1021 = arith.select %broadcast_in_dim3A_1020, %mul3A_1016, %select_n3A_894 : vector<32x2048xi1>, vector<32x2048xf32>
      %broadcast_in_dim3A_1022 = vector.shape_cast %lt3A_1018 : vector<1x2048xi1> to vector<1x2048xi1>
      %broadcast_in_dim3A_1023 = vector.broadcast %broadcast_in_dim3A_1022 : vector<1x2048xi1> to vector<32x2048xi1>
      %select_n3A_1024 = arith.select %broadcast_in_dim3A_1023, %add3A_1014, %select_n3A_897 : vector<32x2048xi1>, vector<32x2048xf32>
      %get3A_1025 = arith.index_cast %sub3A_963 : i32 to index
      %get3A_1026 = arith.constant 0 : index
      %get3A_1027 = vector.load %arg1[%get3A_1025, %get3A_1026] : memref<32x2048xi32, #tpu.memory_space<vmem>>, vector<1x2048xi32>
      %eq3A_1028 = vector.broadcast %get3A_1027 : vector<1x2048xi32> to vector<128x2048xi32>
      %eq3A_1029 = arith.cmpi eq, %eq3A_1028, %iota3A : vector<128x2048xi32>
      %convert_element_type3A_1030 = arith.extui %eq3A_1029 : vector<128x2048xi1> to vector<128x2048xi32>
      %convert_element_type3A_1031 = arith.sitofp %convert_element_type3A_1030 : vector<128x2048xi32> to vector<128x2048xf32>
      %slice3A_1032 = vector.extract_strided_slice %concatenate3A {offsets = [128, 0], sizes = [128, 128], strides = [1, 1]} : vector<256x128xf32> to vector<128x128xf32>
      %dot_general3A_1033 = arith.constant dense<0.000000e+00> : vector<128x2048xf32>
      %dot_general3A_1034 = tpu.matmul %slice3A_1032, %convert_element_type3A_1031, %dot_general3A_1033 {dimension_numbers = #tpu.dot_dimension_numbers<[1], [0], [0], [1], [0, 0, 1, 1], [], []>, transpose_lhs_hint = false} : vector<128x128xf32>, vector<128x2048xf32>, vector<128x2048xf32> -> vector<128x2048xf32>
      %dot_general3A_1035 = arith.constant dense<0.000000e+00> : vector<128x2048xf32>
      %dot_general3A_1036 = tpu.matmul %get3A_28, %select_n3A_955, %dot_general3A_1035 {dimension_numbers = #tpu.dot_dimension_numbers<[1], [0], [0], [1], [0, 0, 1, 1], [], []>, transpose_lhs_hint = false} : vector<128x32xf32>, vector<32x2048xf32>, vector<128x2048xf32> -> vector<128x2048xf32>
      %add3A_1037 = arith.addf %dot_general3A_1034, %dot_general3A_1036 : vector<128x2048xf32>
      %slice3A_1038 = vector.extract_strided_slice %add3A_1037 {offsets = [0, 0], sizes = [32, 2048], strides = [1, 1]} : vector<128x2048xf32> to vector<32x2048xf32>
      %mul3A_1039 = arith.constant 5.000000e-01 : f32
      %mul3A_1040 = vector.broadcast %mul3A_1039 : f32 to vector<32x2048xf32>
      %mul3A_1041 = arith.mulf %mul3A_1040, %slice3A_1038 : vector<32x2048xf32>
      %tanh3A_1042 = math.tanh %mul3A_1041 : vector<32x2048xf32>
      %mul3A_1043 = arith.constant 5.000000e-01 : f32
      %mul3A_1044 = vector.broadcast %mul3A_1043 : f32 to vector<32x2048xf32>
      %mul3A_1045 = arith.mulf %mul3A_1044, %tanh3A_1042 : vector<32x2048xf32>
      %add3A_1046 = arith.constant 5.000000e-01 : f32
      %add3A_1047 = vector.broadcast %add3A_1046 : f32 to vector<32x2048xf32>
      %add3A_1048 = arith.addf %mul3A_1045, %add3A_1047 : vector<32x2048xf32>
      %slice3A_1049 = vector.extract_strided_slice %add3A_1037 {offsets = [32, 0], sizes = [32, 2048], strides = [1, 1]} : vector<128x2048xf32> to vector<32x2048xf32>
      %mul3A_1050 = arith.constant 5.000000e-01 : f32
      %mul3A_1051 = vector.broadcast %mul3A_1050 : f32 to vector<32x2048xf32>
      %mul3A_1052 = arith.mulf %mul3A_1051, %slice3A_1049 : vector<32x2048xf32>
      %tanh3A_1053 = math.tanh %mul3A_1052 : vector<32x2048xf32>
      %mul3A_1054 = arith.constant 5.000000e-01 : f32
      %mul3A_1055 = vector.broadcast %mul3A_1054 : f32 to vector<32x2048xf32>
      %mul3A_1056 = arith.mulf %mul3A_1055, %tanh3A_1053 : vector<32x2048xf32>
      %add3A_1057 = arith.constant 5.000000e-01 : f32
      %add3A_1058 = vector.broadcast %add3A_1057 : f32 to vector<32x2048xf32>
      %add3A_1059 = arith.addf %mul3A_1056, %add3A_1058 : vector<32x2048xf32>
      %slice3A_1060 = vector.extract_strided_slice %add3A_1037 {offsets = [64, 0], sizes = [32, 2048], strides = [1, 1]} : vector<128x2048xf32> to vector<32x2048xf32>
      %tanh3A_1061 = math.tanh %slice3A_1060 : vector<32x2048xf32>
      %slice3A_1062 = vector.extract_strided_slice %add3A_1037 {offsets = [96, 0], sizes = [32, 2048], strides = [1, 1]} : vector<128x2048xf32> to vector<32x2048xf32>
      %mul3A_1063 = arith.constant 5.000000e-01 : f32
      %mul3A_1064 = vector.broadcast %mul3A_1063 : f32 to vector<32x2048xf32>
      %mul3A_1065 = arith.mulf %mul3A_1064, %slice3A_1062 : vector<32x2048xf32>
      %tanh3A_1066 = math.tanh %mul3A_1065 : vector<32x2048xf32>
      %mul3A_1067 = arith.constant 5.000000e-01 : f32
      %mul3A_1068 = vector.broadcast %mul3A_1067 : f32 to vector<32x2048xf32>
      %mul3A_1069 = arith.mulf %mul3A_1068, %tanh3A_1066 : vector<32x2048xf32>
      %add3A_1070 = arith.constant 5.000000e-01 : f32
      %add3A_1071 = vector.broadcast %add3A_1070 : f32 to vector<32x2048xf32>
      %add3A_1072 = arith.addf %mul3A_1069, %add3A_1071 : vector<32x2048xf32>
      %mul3A_1073 = arith.mulf %add3A_1059, %select_n3A_958 : vector<32x2048xf32>
      %mul3A_1074 = arith.mulf %add3A_1048, %tanh3A_1061 : vector<32x2048xf32>
      %add3A_1075 = arith.addf %mul3A_1073, %mul3A_1074 : vector<32x2048xf32>
      %tanh3A_1076 = math.tanh %add3A_1075 : vector<32x2048xf32>
      %mul3A_1077 = arith.mulf %add3A_1072, %tanh3A_1076 : vector<32x2048xf32>
      %lt3A_1078 = vector.broadcast %sub3A_963 : i32 to vector<1x2048xi32>
      %lt3A_1079 = arith.cmpi slt, %lt3A_1078, %get3A_22 : vector<1x2048xi32>
      %broadcast_in_dim3A_1080 = vector.shape_cast %lt3A_1079 : vector<1x2048xi1> to vector<1x2048xi1>
      %broadcast_in_dim3A_1081 = vector.broadcast %broadcast_in_dim3A_1080 : vector<1x2048xi1> to vector<32x2048xi1>
      %select_n3A_1082 = arith.select %broadcast_in_dim3A_1081, %mul3A_1077, %select_n3A_955 : vector<32x2048xi1>, vector<32x2048xf32>
      %broadcast_in_dim3A_1083 = vector.shape_cast %lt3A_1079 : vector<1x2048xi1> to vector<1x2048xi1>
      %broadcast_in_dim3A_1084 = vector.broadcast %broadcast_in_dim3A_1083 : vector<1x2048xi1> to vector<32x2048xi1>
      %select_n3A_1085 = arith.select %broadcast_in_dim3A_1084, %add3A_1075, %select_n3A_958 : vector<32x2048xi1>, vector<32x2048xf32>
      scf.yield %select_n3A_1021, %select_n3A_1024, %select_n3A_1082, %select_n3A_1085 : vector<32x2048xf32>, vector<32x2048xf32>, vector<32x2048xf32>, vector<32x2048xf32>
    }
    %concatenate3A_65 = tpu.concatenate %while3A_64#0, %while3A_64#2 in 0 : vector<32x2048xf32>, vector<32x2048xf32> -> vector<64x2048xf32>
    %transpose3A = tpu.transpose %concatenate3A_65, [1, 0] : vector<64x2048xf32> -> vector<2048x64xf32>
    %swap3A = arith.constant 0 : index
    %swap3A_66 = arith.constant 0 : index
    %swap3A_67 = vector.load %arg10[%swap3A, %swap3A_66] : memref<2048x64xf32, #tpu.memory_space<vmem>>, vector<2048x64xf32>
    tpu.vector_store %arg10[%swap3A, %swap3A_66], %transpose3A {strides = array<i32>} : memref<2048x64xf32, #tpu.memory_space<vmem>>, vector<2048x64xf32>,
    return
  }
  func.func @transform_0(%arg0: i32) -> (i32, i32) {
    %c0_i32 = arith.constant 0 : i32
    %c0_i32_0 = arith.constant 0 : i32
    return %c0_i32, %arg0 : i32, i32
  }
  func.func @transform_1(%arg0: i32) -> (i32, i32) {
    %c0_i32 = arith.constant 0 : i32
    %c0_i32_0 = arith.constant 0 : i32
    return %c0_i32, %arg0 : i32, i32
  }
  func.func @transform_2(%arg0: i32) -> (i32, i32) {
    %c0_i32 = arith.constant 0 : i32
    %c0_i32_0 = arith.constant 0 : i32
    %c0_i32_1 = arith.constant 0 : i32
    return %c0_i32, %c0_i32_0 : i32, i32
  }
  func.func @transform_3(%arg0: i32) -> (i32, i32) {
    %c0_i32 = arith.constant 0 : i32
    %c0_i32_0 = arith.constant 0 : i32
    %c0_i32_1 = arith.constant 0 : i32
    return %c0_i32, %c0_i32_0 : i32, i32
  }
  func.func @transform_4(%arg0: i32) -> (i32, i32) {
    %c0_i32 = arith.constant 0 : i32
    %c0_i32_0 = arith.constant 0 : i32
    %c0_i32_1 = arith.constant 0 : i32
    return %c0_i32, %c0_i32_0 : i32, i32
  }
  func.func @transform_5(%arg0: i32) -> (i32, i32) {
    %c0_i32 = arith.constant 0 : i32
    %c0_i32_0 = arith.constant 0 : i32
    %c0_i32_1 = arith.constant 0 : i32
    return %c0_i32, %c0_i32_0 : i32, i32
  }
  func.func @transform_6(%arg0: i32) -> (i32, i32) {
    %c0_i32 = arith.constant 0 : i32
    %c0_i32_0 = arith.constant 0 : i32
    %c0_i32_1 = arith.constant 0 : i32
    return %c0_i32, %c0_i32_0 : i32, i32
  }
  func.func @transform_7(%arg0: i32) -> (i32, i32) {
    %c0_i32 = arith.constant 0 : i32
    %c0_i32_0 = arith.constant 0 : i32
    %c0_i32_1 = arith.constant 0 : i32
    return %c0_i32, %c0_i32_0 : i32, i32
  }
  func.func @transform_8(%arg0: i32) -> (i32, i32) {
    %c0_i32 = arith.constant 0 : i32
    %c0_i32_0 = arith.constant 0 : i32
    %c0_i32_1 = arith.constant 0 : i32
    return %c0_i32, %c0_i32_0 : i32, i32
  }
  func.func @transform_9(%arg0: i32) -> (i32, i32) {
    %c0_i32 = arith.constant 0 : i32
    %c0_i32_0 = arith.constant 0 : i32
    return %arg0, %c0_i32 : i32, i32
  }
}

</mosaic_0001>

<sc_bundles>
// kernel: gather_offload_async_start.1
scs
__scs_entry_jumppad:
0x0: {  	(pc) =	sbr.rel $0x88, $3  }
0x1: {  	(tag) =	ssettag $0x0;
	lr =	simm.s32 $0x1  }
0x2: {  	[smem:$0x3F96] =	sst lr;
	_ =	strace $0xD0000000  }
0x3: {  	_ = 	snop  }
0x4: {  	_ = 	snop  }
0x5: {  	_ = 	snop  }
0x6: {  	_ = 	snop  }
0x7: {  	_ = 	snop  }
__scs_overlays_trampoline_lowered:
0x8: {  	[smem:$0x3FA5] =	sst s0  }
0x9: {  	[smem:$0x3FA6] =	sst s1  }
0xa: {  	[smem:$0x3FA7] =	sst s2  }
0xb: {  	[smem:$0x3FA8] =	sst s3  }
0xc: {  	[smem:$0x3FA9] =	sst s4  }
0xd: {  	[smem:$0x3FAA] =	sst s5  }
0xe: {  	[smem:$0x3FAB] =	sst s6  }
0xf: {  	[smem:$0x3FAC] =	sst s7  }
0x10: {  	[smem:$0x3FAD] =	sst s8  }
0x11: {  	[smem:$0x3FAE] =	sst s9;
	s0 =	simm.s32 @!p0 $0x0  }
0x12: {  	s1 =	sld [smem:$0x3F94];
	s0 =	simm.s32 @p0 $0x1  }
0x13: {  	[smem:$0x3FAF] =	sst s0;
	s0 =	simm.s32 @!p1 $0x0  }
0x14: {  	s2 =	sld [smem:$0x3F93];
	s0 =	simm.s32 @p1 $0x1  }
0x15: {  	[smem:$0x3FB0] =	sst s0;
	s0 =	simm.s32 @!p2 $0x0  }
0x16: {  	s3 =	sld [smem:$0x3FDB];
	s0 =	simm.s32 @p2 $0x1  }
0x17: {  	s4 =	simm.s32 $0x1BF5;
	[smem:$0x3FB2] =	sst s0  }
0x18: {  	s0 =	sld [smem:$0x3F95];
	_ =	swait.ge [sflag:s4], $0x0  }
0x19: {  	s7 =	sld [smem:$0x3F96]  }
0x1a: {  	s8 =	sadd.s32 $0xFFFFE003, lr  }
0x1b: {  	s9 =	sadd.s32 $0xFFFFFEF7, lr;
	s5 =	simm.s32 $0xFFFFFFFF;
	p2 =	slt.u32 s8, $0xFFFFF086  }
0x1c: {  	p1 =	slt.u32 s9, $0xF7A;
	s5 =	simm.s32 @!p2 $0x0  }
0x1d: {  	s5 =	simm.s32 @p1 $0x1;
	p0 =	seq.s32 s7, s2  }
0x1e: {  	s7 =	smul.u32 @!p0 $0xF7A, s2;
	p2 =	seq.s32 @!p0 s5, $0x0  }
0x1f: {  	s9 =	smul.u32 $0xF7A, s1;
	s8 =	simm.s32 @!p0 $0x1BF5;
	p2 =	por !p2, p0  }
0x20: {  	[sflag:s8] =	ssyncset.s32 @!p0 $0xFFFFF086;
	s6 =	sadd.s32 @!p0 s3, s7;
	s7 =	simm.s32 @!p0 $0x108  }
0x21: {  	s3 =	sadd.s32 s3, s9;
	s6 =	sadd.s32 @!p0 $0x88, s6;
	s7 =	simm.s32 @p2 $0x1082  }
0x22: {  	[simem:s7], [sflag:s8] =	dma.local @!p0 [hbm:s6], $0xF7A  }
0x23: {  	s9 =	sor.u32 $0xD0000000, s2;
	s6 =	simm.s32 $0x108;
	_ =	swait.ge @!p0 [sflag:s8], $0x0  }
0x24: {  	s3 =	sadd.s32 $0x88, s3;
	s6 =	simm.s32 @!p1 $0x1082;
	[sflag:s4] =	ssyncset.s32 $0xFFFFF086  }
0x25: {  	[simem:s6], [sflag:s4] =	dma.local [hbm:s3], $0xF7A  }
0x26: {  	[smem:$0x3F96] =	sst s1;
	(tag) =	ssettag s2;
	_ =	strace s9  }
0x27: {  	s1 =	sld [smem:$0x3FA6]  }
0x28: {  	s2 =	sld [smem:$0x3FA7]  }
0x29: {  	s4 =	sld [smem:$0x3FA9]  }
0x2a: {  	p0 =	seq.s32 s5, $0x0;
	s5 =	sld [smem:$0x3FAA]  }
0x2b: {  	s6 =	sld [smem:$0x3FAB]  }
0x2c: {  	s7 =	sld [smem:$0x3FAC]  }
0x2d: {  	s3 =	simm.s32 $0x108;
	s8 =	sld [smem:$0x3FAD]  }
0x2e: {  	s3 =	simm.s32 @!p0 $0x1082;
	s9 =	sld [smem:$0x3FAE]  }
0x2f: {  	lr =	sadd.s32 s0, s3;
	s0 =	sld [smem:$0x3FA5]  }
0x30: {  	s3 =	sld [smem:$0x3FA8]  }
0x31: {  	[smem:$0x3FB1] =	sst s10  }
0x32: {  	s10 =	sld [smem:$0x3FAF];
	_ =	sdelay $0x3  }
0x33: {  	p0 =	seq.s32 s10, $0x1;
	s10 =	sld [smem:$0x3FB1];
	_ =	sdelay $0x3  }
0x34: {  	[smem:$0x3FB1] =	sst s10  }
0x35: {  	s10 =	sld [smem:$0x3FB0];
	_ =	sdelay $0x3  }
0x36: {  	p1 =	seq.s32 s10, $0x1;
	s10 =	sld [smem:$0x3FB1];
	_ =	sdelay $0x3  }
0x37: {  	[smem:$0x3FB1] =	sst s10  }
0x38: {  	s10 =	sld [smem:$0x3FB2]  }
0x39: {  	_ = 	snop;
	(pc) =	sbr.ind lr, $3  }
0x3a: {  	_ = 	snop  }
0x3b: {  	_ = 	snop  }
0x3c: {  	p2 =	seq.s32 s10, $0x1;
	s10 =	sld [smem:$0x3FB1]  }
0x3d: {  	_ =	shalt  }
0x3e: {  	_ =	shalt  }
0x3f: {  	_ =	shalt  }
0x40: {  	_ =	shalt  }
0x41: {  	_ =	shalt  }
0x42: {  	_ =	shalt  }
0x43: {  	_ =	shalt  }
0x44: {  	_ =	shalt  }
0x45: {  	_ =	shalt  }
0x46: {  	_ =	shalt  }
0x47: {  	_ =	shalt  }
0x48: {  	_ =	shalt  }
0x49: {  	_ =	shalt  }
0x4a: {  	_ =	shalt  }
0x4b: {  	_ =	shalt  }
0x4c: {  	_ =	shalt  }
0x4d: {  	_ =	shalt  }
0x4e: {  	_ =	shalt  }
0x4f: {  	_ =	shalt  }
0x50: {  	_ =	shalt  }
0x51: {  	_ =	shalt  }
0x52: {  	_ =	shalt  }
0x53: {  	_ =	shalt  }
0x54: {  	_ =	shalt  }
0x55: {  	_ =	shalt  }
0x56: {  	_ =	shalt  }
0x57: {  	_ =	shalt  }
0x58: {  	_ =	shalt  }
0x59: {  	_ =	shalt  }
0x5a: {  	_ =	shalt  }
0x5b: {  	_ =	shalt  }
0x5c: {  	_ =	shalt  }
0x5d: {  	_ =	shalt  }
0x5e: {  	_ =	shalt  }
0x5f: {  	_ =	shalt  }
0x60: {  	_ =	shalt  }
0x61: {  	_ =	shalt  }
0x62: {  	_ =	shalt  }
0x63: {  	_ =	shalt  }
0x64: {  	_ =	shalt  }
0x65: {  	_ =	shalt  }
0x66: {  	_ =	shalt  }
0x67: {  	_ =	shalt  }
0x68: {  	_ =	shalt  }
0x69: {  	_ =	shalt  }
0x6a: {  	_ =	shalt  }
0x6b: {  	_ =	shalt  }
0x6c: {  	_ =	shalt  }
0x6d: {  	_ =	shalt  }
0x6e: {  	_ =	shalt  }
0x6f: {  	_ =	shalt  }
0x70: {  	_ =	shalt  }
0x71: {  	_ =	shalt  }
0x72: {  	_ =	shalt  }
0x73: {  	_ =	shalt  }
0x74: {  	_ =	shalt  }
0x75: {  	_ =	shalt  }
0x76: {  	_ =	shalt  }
0x77: {  	_ =	shalt  }
0x78: {  	_ =	shalt  }
0x79: {  	_ =	shalt  }
0x7a: {  	_ =	shalt  }
0x7b: {  	_ =	shalt  }
0x7c: {  	_ =	shalt  }
0x7d: {  	_ =	shalt  }
0x7e: {  	_ =	shalt  }
0x7f: {  	_ =	shalt  }
0x80: {  	_ =	shalt  }
0x81: {  	_ =	shalt  }
0x82: {  	_ =	shalt  }
0x83: {  	_ =	shalt  }
0x84: {  	_ =	shalt  }
0x85: {  	_ =	shalt  }
0x86: {  	_ =	shalt  }
0x87: {  	_ =	shalt  }
.Lfunc_end0:
.L_simem_size_0:
called_computation.1_lowered:
.L_overlay_start_0:
0x88: {  	s2 =	sld [smem:$0x3FD9]  }
0x89: {  	s3 =	sld [smem:$0x3FFE];
	_ =	sdelay $0x1  }
0x8a: {  	s1 =	srdreg.scid  }
0x8b: {  	s0 =	sand.u32 $0x1, s1  }
0x8c: {  	s17 =	sshll.u32 s0, $0xA;
	s2 =	sadd.s32 s3, s2  }
0x8d: {  	s2 =	sadd.s32 s2, s17  }
0x8e: {  	[smem:$0x3FBD] =	sst s2  }
0x8f: {  	_ = 	snop  }
0x90: {  	s18 =	sld [smem:$0x3FC8]  }
0x91: {  	s4 =	sld [smem:$0x3FD0];
	(tm) =	ssettm $0x1  }
0x92: {  	s19 =	sld [smem:$0x3FFB];
	_ =	sdelay $0x3  }
0x93: {  	_ =	strace s19  }
0x94: {  	s2 =	sld [smem:$0x3FFC];
	_ =	sdelay $0x3  }
0x95: {  	_ =	strace s2  }
0x96: {  	s2 =	sld [smem:$0x3FFD];
	_ =	sdelay $0x3  }
0x97: {  	_ =	strace s2  }
0x98: {  	_ =	strace $0x8FFFFFFF  }
0x99: {  	s20 =	sld [smem:$0x3FDB];
	_ =	sdelay $0x1  }
0x9a: {  	s5 =	simm.s32 $_scs_section_size  }
0x9b: {  	s6 =	simm.s32 $_size__tile_overlayer_lowered;
	s7 =	simm.s32 $_tile_overlayer_lowered  }
0x9c: {  	s8 =	simm.s32 $0x1BFF;
	s21 =	sshll.u32 s7, $0x1;
	s5 =	sadd.s32 s5, s20  }
0x9d: {  	s22 =	simm.s32 $0x0;
	s6 =	sshll.u32 s6, $0x1;
	s7 =	sadd.s32 s21, s5  }
0x9e: {  	[timem:s22], [sflag:s8] =	dma.local [hbm:s7], s6  }
0x9f: {  	_ =	swait.ge [sflag:s8], s6  }
0xa0: {  	s6 =	ssub.s32 $0x0, s6;
	[sflag:s8] =	ssyncset.done $0x0  }
0xa1: {  	[sflag:s8] =	ssyncadd.s32 s6;
	_ =	sdelay $0x1  }
0xa2: {  	s23 =	simm.s32 $0x1B8B  }
0xa3: {  	_ =	swait.ge [sflag:s23], $0x1  }
0xa4: {  	[sflag:s23] =	ssyncset.done $0x0  }
0xa5: {  	[sflag:s23] =	ssyncadd.s32 $0xFFFFFFFF  }
0xa6: {  	s6 =	sld [smem:$0x0]  }
0xa7: {  	s7 =	sand.u32 $0xFFFFFFFE, s1  }
0xa8: {  	p0 =	sne.s32 s1, s7  }
0xa9: {  	s7 =	sshll.u32 @p0 s7, $0xE  }
0xaa: {  	s7 =	sadd.s32 @p0 $0x11B8D, s7;
	s8 =	sshll.u32 @p0 s6, $0x11  }
0xab: {  	s7 =	sor.u32 @p0 s8, s7  }
0xac: {  	[sflag:s7] =	ssyncadd.remote.s32 @p0 $0x1;
	_ =	sdelay $0x1  }
0xad: {  	s7 =	simm.s32 @p0 $0x1B8D  }
0xae: {  	_ =	swait.eq @p0 [sflag:s7], $0x1  }
0xaf: {  	[sflag:s7] =	ssyncadd.s32 @p0 $0xFFFFFFFF  }
0xb0: {  	s8 =	sshll.u32 @!p0 s1, $0xE  }
0xb1: {  	s8 =	sor.u32 @!p0 $0x4000, s8;
	s7 =	simm.s32 @!p0 $0x1B8D  }
0xb2: {  	s6 =	sshll.u32 @!p0 s6, $0x11;
	s8 =	sadd.s32 @!p0 $0x11B8D, s8;
	_ =	swait.eq @!p0 [sflag:s7], $0x1  }
0xb3: {  	s6 =	sor.u32 @!p0 s6, s8;
	[sflag:s7] =	ssyncadd.s32 @!p0 $0xFFFFFFFF  }
0xb4: {  	s25 =	simm.s32 $0x1B8E;
	s24 =	sld [smem:$0x3FFE];
	[sflag:s6] =	ssyncadd.remote.s32 @!p0 $0x1  }
0xb5: {  	s26 =	simm.s32 $execute0_lowered;
	[smem:$0x3FD2] =	sst s25  }
0xb6: {  	s7 =	sshll.u32 s26, $0x1;
	_ =	strace $0x8000004C;
	[dreg:$0x1] =	wrdreg $0xFFFFFFFF  }
0xb7: {  	s28 =	simm.s32 $_size_execute0_lowered;
	s5 =	sadd.s32 s5, s7;
	[dreg:$0x0] =	wrdreg $0x0  }
0xb8: {  	s7 =	sshll.u32 s28, $0x1;
	[dreg:$0x2] =	wrdreg s5  }
0xb9: {  	[dreg:$0x3] =	wrdreg s7  }
0xba: {  	[dreg:$0x4] =	wrdreg $0xC0  }
0xbb: {  	_ =	task [dreg:s22], $0x5FFFF  }
0xbc: {  	[dreg:$0x1] =	wrdreg $0xFFFFFFFF  }
0xbd: {  	[dreg:$0x0] =	wrdreg $0x60  }
0xbe: {  	[dreg:$0x2] =	wrdreg s18  }
0xbf: {  	[dreg:$0x3] =	wrdreg s4  }
0xc0: {  	[dreg:$0x4] =	wrdreg s24  }
0xc1: {  	[dreg:$0x5] =	wrdreg $0xA  }
0xc2: {  	_ =	task.clear_ibuf [dreg:s22], $0x6FFFF;
	_ =	strace $0x9000004C  }
0xc3: {  	s29 =	simm.s32 $0xA;
	_ =	strace $0x8000004E  }
0xc4: {  	_ =	swait.ge [sflag:s29], $0x1  }
0xc5: {  	[sflag:s29] =	ssyncadd.s32 $0xFFFFFFFF  }
0xc6: {  	_ =	strace $0x9000004E  }
0xc7: {  	_ =	sfence  }
0xc8: {  	s30 =	sld [smem:$0x0];
	_ =	sdelay $0x2  }
0xc9: {  	s31 =	sshll.u32 s1, $0xD;
	s1 =	sshrl.u32 s1, $0x2  }
0xca: {  	s4 =	sand.u32 $0x4000, s31;
	s1 =	sadd.s32 s1, s30  }
0xcb: {  	s0 =	sor.u32 s4, s0;
	s1 =	sshll.u32 s1, $0x11  }
0xcc: {  	s0 =	sor.u32 s1, s0  }
0xcd: {  	s0 =	sadd.s32 $0x8F2B, s0  }
0xce: {  	[sflag:s0] =	ssyncadd.remote.s32 $0x1  }
0xcf: {  	_ =	sfence.sel $0xFFFF  }
0xd0: {  	[dreg:$0x0] =	wrdreg $0xFFFFFFFF;
	(pc) =	sbr.abs _section_cstart, $3  }
0xd1: {  	[dreg:$0x1] =	wrdreg $0xFFFFFFFF  }
0xd2: {  	_ =	task.clear_ibuf [dreg:s22], $0x2FFFF;
	_ =	strace $0x9FFFFFFF  }
0xd3: {  	(tm) =	ssettm $0x7FFFFFFF  }
tec
execute0_lowered:
.L_overlay_start_1:
0x0: {  	(tag) =	ssettag $0x1  }
0x1: {  	s2 =	rddreg [dreg:$0x0]  }
0x2: {  	s1 =	srdreg.scid;
	s3 =	rddreg [dreg:$0x1]  }
0x3: {  	s0 =	stileid.u32;
	s5 =	rddreg [dreg:$0x2]  }
0x4: {  	s9 =	simm.s32 $0x1;
	s10 =	simm.s32 $0x3;
	s1 =	sshll.u32 s1, $0x8  }
0x5: {  	s13 =	simm.s32 $0x0;
	s4 =	sshll.u32 s0, $0x9;
	s6 =	sand.u32 $0x100, s1  }
0x6: {  	s12 =	simm.s32 $0x0;
	s5 =	sadd.s32 $0x88400, s5;
	s4 =	sor.u32 s4, s6  }
0x7: {  	s1 =	rddreg [dreg:$0x3];
	_ =	strace $0x8000004D;
	s8 =	ssub.s32 $0x4000, s4  }
.Ltmp0:
0x8: {  	s6 =	simm.s32 $0x1;
	s7 =	sand.u32 $0x1F00, s8;
	(pc) =	sbr.rel .LBB2_1-.Ltmp0, $4  }
0x9: {  	[sflag:s6] =	ssyncpa.u1 $0x0;
	s11 =	smov.u32 s4;
	p0 =	sne.s32 s7, $0x0  }
0xa: {  	s8 =	sshrl.u32 s8, $0xD;
	s7 =	simm.s32 $0x2;
	s9 =	simm.s32 @!p0 $0x0  }
0xb: {  	[sflag:s7] =	ssyncpa.u1 $0x0;
	p0 =	por $0x0, $0x0;
	s8 =	sadd.s32 s9, s8  }
0xc: {  	vm0 =	vmmov $0xffff;
	[sflag:s10] =	ssyncpa.u1 $0x0;
	s10 =	simm.s32 $0x0;
	s9 =	sadd.s32 $0x1, s8  }
.LBB2_4:
0xd: {  	v2 =	vnsel vm1, $0x0, v2  }
0xe: {  	vm1 =	vgt.s32 v0, $0x0;
	v2 =	vmin.u32 v2, $0x3FFF  }
0xf: {  	v0 =	vnsel vm1, $0x0, v0  }
0x10: {  	v0 =	vmin.u32 v0, $0x3FFF  }
0x11: {  	[tilespmem:s15], [sflag:$0x1] =	stream.indirect_vreg.gather [hbm4b:s2+s10], $0x1, v1, vm0, $0x4038;
	[tilespmem:$0x400] =	vst v63  }
0x12: {  	(ifvalue) =	ssetifvalue $0x7FFFFFFF  }
0x13: {  	[tilespmem:s16], [sflag:$0x1] =	stream.indirect_vreg.gather [hbm4b:s2+s10], $0x1, v2, vm0, $0x4038;
	[tilespmem:$0x400] =	vst v63  }
0x14: {  	s29 =	sadd.s32 $0x10, s16;
	(ifvalue) =	ssetifvalue $0x7FFFFFFF  }
0x15: {  	[tilespmem:s29], [sflag:$0x1] =	stream.indirect_vreg.gather [hbm4b:s2+s10], $0x1, v0, vm0, $0x4038;
	[tilespmem:$0x400] =	vst v63  }
0x16: {  	_ =	swait.ge [sflag:s6], $0x100  }
0x17: {  	s30 =	sshrl.u32 s13, $0x3;
	[sflag:s6] =	ssyncset.done $0x0  }
0x18: {  	s31 =	sand.u32 $0x7, s13;
	s15 =	sadd.s32 s5, s30;
	[sflag:s6] =	ssyncadd.s32 $0xFFFFFF00  }
0x19: {  	[hbm4b:s15+s31] =	stream.linear.scatter [tilespmem:s14], [sflag:$0x3], $0x100, $0x38;
	[tilespmem:$0x400] =	vst v63  }
.LBB2_5:
0x1a: {  	s15 =	sadd.s32 $0x2000, s11  }
0x1b: {  	p2 =	sgt.s32 s15, $0x3FFF  }
0x1c: {  	s15 =	smov.u32 @p2 s4;
	p2 =	sne.s32 s12, s9  }
.Ltmp1:
0x1d: {  	p1 =	slt.u32 s12, $0x2;
	(pc) =	sbr.rel @!p2 .LBB2_6-.Ltmp1, $4  }
0x1e: {  	s14 =	simm.s32 @!p1 $0x3  }
0x1f: {  	s16 =	sadd.s32 $0x1, s12;
	_ =	swait.ge @!p1 [sflag:s14], $0x100  }
0x20: {  	s13 =	smov.u32 s11;
	p0 =	por !p0, !p0;
	[sflag:s14] =	ssyncset.done @!p1 $0x0  }
0x21: {  	s12 =	smov.u32 s16;
	s11 =	smov.u32 s15;
	[sflag:s14] =	ssyncadd.s32 @!p1 $0xFFFFFF00  }
.LBB2_1:
0x22: {  	p1 =	sge.u32 s12, s8  }
0x23: {  	s14 =	sxor.u32 @!p1 $0xFFFFFFFF, s12  }
0x24: {  	s31 =	sadd.s32 $0xFFFFFFFF, s12;
	s15 =	sshrl.u32 @!p1 s11, $0x3;
	s14 =	sshll.u32 @!p1 s14, $0x8  }
0x25: {  	s16 =	sand.u32 @!p1 $0x7, s11;
	s15 =	sadd.s32 @!p1 s3, s15;
	s14 =	sand.u32 @!p1 $0x100, s14  }
0x26: {  	[tilespmem:s14], [sflag:$0x2] =	stream.linear.gather @!p1 [hbm4b:s15+s16], $0x100, $0x38;
	[tilespmem:$0x400] =	vst v63  }
0x27: {  	p1 =	sge.u32 s31, s8  }
.Ltmp2:
0x28: {  	_ = 	snop;
	(pc) =	sbr.rel @p1 .LBB2_5-.Ltmp2, $1  }
0x29: {  	_ =	sdelay $0x3  }
0x2a: {  	s14 =	simm.s32 $0x1  }
0x2b: {  	_ =	swait.ge [sflag:s7], $0x100;
	s14 =	simm.s32 @!p0 $0x0  }
0x2c: {  	[sflag:s7] =	ssyncset.done $0x0;
	s14 =	sshll.u32 s14, $0x8  }
0x2d: {  	[sflag:s7] =	ssyncadd.s32 $0xFFFFFF00;
	(ifvalue) =	ssetifvalue $0x7FFFFFFF;
	v0 =	vld.msk [tilespmem:s14+$0x0 ss:$0x1], $0xffff;
	_ =	sdelay $0x4  }
0x2e: {  	s15 =	sadd.s32 $0x10, s14;
	vm1 =	vgt.s32 v0, $0x0  }
0x2f: {  	v2 =	vld.msk [tilespmem:s15+$0x0 ss:$0x1], $0xffff;
	v1 =	vnsel vm1, $0x0, v0  }
0x30: {  	v1 =	vmin.u32 v1, $0x3FFF;
	_ =	sdelay $0x1  }
0x31: {  	s16 =	sshll.u32 s12, $0x8;
	s18 =	simm.s32 $0x20  }
0x32: {  	s16 =	sand.u32 $0x100, s16;
	s17 =	sadd.s32 $0x10, s15;
	s15 =	sor.u32 $0x200, s14  }
0x33: {  	s14 =	sor.u32 $0x200, s16;
	s16 =	sadd.s32 $0x10, s15;
	v0 =	vld.msk [tilespmem:s17+$0x0 ss:$0x1], $0xffff;
	vm1 =	vgt.s32 v2, $0x0;
	(ifvalue) =	ssetifvalue $0x7FFFFFFF  }
.LBB2_3:
0x34: {  	[tilespmem:s15], [sflag:$0x1] =	stream.indirect_vreg.gather [hbm4b:s2+s10], $0x1, v1, vm0, $0x4038;
	[tilespmem:$0x400] =	vst v63  }
0x35: {  	s18 =	sadd.s32 $0x10, s18  }
0x36: {  	v2 =	vnsel vm1, $0x0, v2;
	p1 =	slt.u32 s18, $0xF0  }
.Ltmp3:
0x37: {  	s15 =	smov.u32 s16;
	v1 =	vmin.u32 v2, $0x3FFF;
	(pc) =	sbr.rel @p1 .LBB2_3-.Ltmp3, $3  }
0x38: {  	_ =	sdelay $0x1  }
0x39: {  	s17 =	sadd.s32 $0x10, s17  }
0x3a: {  	vm1 =	vgt.s32 v0, $0x0;
	s16 =	sadd.s32 $0x10, s16;
	v2 =	vmov v0;
	(ifvalue) =	ssetifvalue $0x7FFFFFFF;
	v0 =	vld.msk [tilespmem:s17+$0x0 ss:$0x1], $0xffff  }
.Ltmp4:
0x3b: {  	_ = 	snop;
	(pc) =	sbr.rel .LBB2_4-.Ltmp4, $1  }
0x3c: {  	_ =	sdelay $0x3  }
.LBB2_6:
0x3d: {  	_ =	sfence.sel $0x180000  }
0x3e: {  	s2 =	simm.s32 $0x2;
	[bflag:$0x0] =	sbarrier.arrive $0xFFFF  }
0x3f: {  	s30 =	simm.s32 $0x3;
	[sflag:s2] =	ssyncpa.u1 $0x1  }
0x40: {  	s31 =	simm.s32 $0x1;
	[sflag:s30] =	ssyncpa.u1 $0x1  }
0x41: {  	[sflag:s31] =	ssyncpa.u1 $0x1  }
0x42: {  	p0 =	sne.s32 s0, $0x0;
	_ =	strace $0x9000004D  }
0x43: {  	s0 =	sadd.s32 @!p0 $0x100000, s1;
	[bflag:$0x2] =	sbarrier.arrive $0xFFFF  }
0x44: {  	[sflag:s0] =	ssyncadd.tile.s32 @!p0 $0x1;
	_ =	shalt  }
.Lfunc_end2:
_tile_overlayer_lowered:
.L_overlay_start_2:
0x45: {  	(tag) =	ssettag $0x2  }
0x46: {  	s0 =	rddreg [dreg:$0x0];
	s2 =	stileid.u32  }
0x47: {  	s1 =	rddreg [dreg:$0x1];
	p0 =	sne.s32 s2, $0x0  }
0x48: {  	s3 =	rddreg [dreg:$0x2];
	[bflag:$0x3] =	sbarrier.arrive $0xFFFF;
	s2 =	simm.s32 @!p0 $0x1C01  }
0x49: {  	[timem:s3], [sflag:s2] =	dma.local @!p0 [hbm:s0], s1  }
0x4a: {  	s0 =	simm.s32 @!p0 $0x1  }
0x4b: {  	_ =	swait.ge @!p0 [sflag:s0], s1  }
0x4c: {  	s1 =	ssub.s32 @!p0 $0x0, s1;
	[sflag:s0] =	ssyncset.done @!p0 $0x0  }
0x4d: {  	[sflag:s0] =	ssyncadd.s32 @!p0 s1  }
0x4e: {  	[bflag:$0x3] =	sbarrier.arrive $0xFFFF  }
0x4f: {  	_ =	shalt  }

// kernel: gather_offload_async_start.2
scs
__scs_entry_jumppad:
0x0: {  	(pc) =	sbr.rel $0x88, $3  }
0x1: {  	(tag) =	ssettag $0x0;
	lr =	simm.s32 $0x1  }
0x2: {  	[smem:$0x3F96] =	sst lr;
	_ =	strace $0xD0000000  }
0x3: {  	_ = 	snop  }
0x4: {  	_ = 	snop  }
0x5: {  	_ = 	snop  }
0x6: {  	_ = 	snop  }
0x7: {  	_ = 	snop  }
__scs_overlays_trampoline_lowered:
0x8: {  	[smem:$0x3FA5] =	sst s0  }
0x9: {  	[smem:$0x3FA6] =	sst s1  }
0xa: {  	[smem:$0x3FA7] =	sst s2  }
0xb: {  	[smem:$0x3FA8] =	sst s3  }
0xc: {  	[smem:$0x3FA9] =	sst s4  }
0xd: {  	[smem:$0x3FAA] =	sst s5  }
0xe: {  	[smem:$0x3FAB] =	sst s6  }
0xf: {  	[smem:$0x3FAC] =	sst s7  }
0x10: {  	[smem:$0x3FAD] =	sst s8  }
0x11: {  	[smem:$0x3FAE] =	sst s9;
	s0 =	simm.s32 @!p0 $0x0  }
0x12: {  	s1 =	sld [smem:$0x3F94];
	s0 =	simm.s32 @p0 $0x1  }
0x13: {  	[smem:$0x3FAF] =	sst s0;
	s0 =	simm.s32 @!p1 $0x0  }
0x14: {  	s2 =	sld [smem:$0x3F93];
	s0 =	simm.s32 @p1 $0x1  }
0x15: {  	[smem:$0x3FB0] =	sst s0;
	s0 =	simm.s32 @!p2 $0x0  }
0x16: {  	s3 =	sld [smem:$0x3FDB];
	s0 =	simm.s32 @p2 $0x1  }
0x17: {  	s4 =	simm.s32 $0x1BF5;
	[smem:$0x3FB2] =	sst s0  }
0x18: {  	s0 =	sld [smem:$0x3F95];
	_ =	swait.ge [sflag:s4], $0x0  }
0x19: {  	s7 =	sld [smem:$0x3F96]  }
0x1a: {  	s8 =	sadd.s32 $0xFFFFE003, lr  }
0x1b: {  	s9 =	sadd.s32 $0xFFFFFEF7, lr;
	s5 =	simm.s32 $0xFFFFFFFF;
	p2 =	slt.u32 s8, $0xFFFFF086  }
0x1c: {  	p1 =	slt.u32 s9, $0xF7A;
	s5 =	simm.s32 @!p2 $0x0  }
0x1d: {  	s5 =	simm.s32 @p1 $0x1;
	p0 =	seq.s32 s7, s2  }
0x1e: {  	s7 =	smul.u32 @!p0 $0xF7A, s2;
	p2 =	seq.s32 @!p0 s5, $0x0  }
0x1f: {  	s9 =	smul.u32 $0xF7A, s1;
	s8 =	simm.s32 @!p0 $0x1BF5;
	p2 =	por !p2, p0  }
0x20: {  	[sflag:s8] =	ssyncset.s32 @!p0 $0xFFFFF086;
	s6 =	sadd.s32 @!p0 s3, s7;
	s7 =	simm.s32 @!p0 $0x108  }
0x21: {  	s3 =	sadd.s32 s3, s9;
	s6 =	sadd.s32 @!p0 $0x88, s6;
	s7 =	simm.s32 @p2 $0x1082  }
0x22: {  	[simem:s7], [sflag:s8] =	dma.local @!p0 [hbm:s6], $0xF7A  }
0x23: {  	s9 =	sor.u32 $0xD0000000, s2;
	s6 =	simm.s32 $0x108;
	_ =	swait.ge @!p0 [sflag:s8], $0x0  }
0x24: {  	s3 =	sadd.s32 $0x88, s3;
	s6 =	simm.s32 @!p1 $0x1082;
	[sflag:s4] =	ssyncset.s32 $0xFFFFF086  }
0x25: {  	[simem:s6], [sflag:s4] =	dma.local [hbm:s3], $0xF7A  }
0x26: {  	[smem:$0x3F96] =	sst s1;
	(tag) =	ssettag s2;
	_ =	strace s9  }
0x27: {  	s1 =	sld [smem:$0x3FA6]  }
0x28: {  	s2 =	sld [smem:$0x3FA7]  }
0x29: {  	s4 =	sld [smem:$0x3FA9]  }
0x2a: {  	p0 =	seq.s32 s5, $0x0;
	s5 =	sld [smem:$0x3FAA]  }
0x2b: {  	s6 =	sld [smem:$0x3FAB]  }
0x2c: {  	s7 =	sld [smem:$0x3FAC]  }
0x2d: {  	s3 =	simm.s32 $0x108;
	s8 =	sld [smem:$0x3FAD]  }
0x2e: {  	s3 =	simm.s32 @!p0 $0x1082;
	s9 =	sld [smem:$0x3FAE]  }
0x2f: {  	lr =	sadd.s32 s0, s3;
	s0 =	sld [smem:$0x3FA5]  }
0x30: {  	s3 =	sld [smem:$0x3FA8]  }
0x31: {  	[smem:$0x3FB1] =	sst s10  }
0x32: {  	s10 =	sld [smem:$0x3FAF];
	_ =	sdelay $0x3  }
0x33: {  	p0 =	seq.s32 s10, $0x1;
	s10 =	sld [smem:$0x3FB1];
	_ =	sdelay $0x3  }
0x34: {  	[smem:$0x3FB1] =	sst s10  }
0x35: {  	s10 =	sld [smem:$0x3FB0];
	_ =	sdelay $0x3  }
0x36: {  	p1 =	seq.s32 s10, $0x1;
	s10 =	sld [smem:$0x3FB1];
	_ =	sdelay $0x3  }
0x37: {  	[smem:$0x3FB1] =	sst s10  }
0x38: {  	s10 =	sld [smem:$0x3FB2]  }
0x39: {  	_ = 	snop;
	(pc) =	sbr.ind lr, $3  }
0x3a: {  	_ = 	snop  }
0x3b: {  	_ = 	snop  }
0x3c: {  	p2 =	seq.s32 s10, $0x1;
	s10 =	sld [smem:$0x3FB1]  }
0x3d: {  	_ =	shalt  }
0x3e: {  	_ =	shalt  }
0x3f: {  	_ =	shalt  }
0x40: {  	_ =	shalt  }
0x41: {  	_ =	shalt  }
0x42: {  	_ =	shalt  }
0x43: {  	_ =	shalt  }
0x44: {  	_ =	shalt  }
0x45: {  	_ =	shalt  }
0x46: {  	_ =	shalt  }
0x47: {  	_ =	shalt  }
0x48: {  	_ =	shalt  }
0x49: {  	_ =	shalt  }
0x4a: {  	_ =	shalt  }
0x4b: {  	_ =	shalt  }
0x4c: {  	_ =	shalt  }
0x4d: {  	_ =	shalt  }
0x4e: {  	_ =	shalt  }
0x4f: {  	_ =	shalt  }
0x50: {  	_ =	shalt  }
0x51: {  	_ =	shalt  }
0x52: {  	_ =	shalt  }
0x53: {  	_ =	shalt  }
0x54: {  	_ =	shalt  }
0x55: {  	_ =	shalt  }
0x56: {  	_ =	shalt  }
0x57: {  	_ =	shalt  }
0x58: {  	_ =	shalt  }
0x59: {  	_ =	shalt  }
0x5a: {  	_ =	shalt  }
0x5b: {  	_ =	shalt  }
0x5c: {  	_ =	shalt  }
0x5d: {  	_ =	shalt  }
0x5e: {  	_ =	shalt  }
0x5f: {  	_ =	shalt  }
0x60: {  	_ =	shalt  }
0x61: {  	_ =	shalt  }
0x62: {  	_ =	shalt  }
0x63: {  	_ =	shalt  }
0x64: {  	_ =	shalt  }
0x65: {  	_ =	shalt  }
0x66: {  	_ =	shalt  }
0x67: {  	_ =	shalt  }
0x68: {  	_ =	shalt  }
0x69: {  	_ =	shalt  }
0x6a: {  	_ =	shalt  }
0x6b: {  	_ =	shalt  }
0x6c: {  	_ =	shalt  }
0x6d: {  	_ =	shalt  }
0x6e: {  	_ =	shalt  }
0x6f: {  	_ =	shalt  }
0x70: {  	_ =	shalt  }
0x71: {  	_ =	shalt  }
0x72: {  	_ =	shalt  }
0x73: {  	_ =	shalt  }
0x74: {  	_ =	shalt  }
0x75: {  	_ =	shalt  }
0x76: {  	_ =	shalt  }
0x77: {  	_ =	shalt  }
0x78: {  	_ =	shalt  }
0x79: {  	_ =	shalt  }
0x7a: {  	_ =	shalt  }
0x7b: {  	_ =	shalt  }
0x7c: {  	_ =	shalt  }
0x7d: {  	_ =	shalt  }
0x7e: {  	_ =	shalt  }
0x7f: {  	_ =	shalt  }
0x80: {  	_ =	shalt  }
0x81: {  	_ =	shalt  }
0x82: {  	_ =	shalt  }
0x83: {  	_ =	shalt  }
0x84: {  	_ =	shalt  }
0x85: {  	_ =	shalt  }
0x86: {  	_ =	shalt  }
0x87: {  	_ =	shalt  }
.Lfunc_end0:
.L_simem_size_0:
called_computation.2_lowered:
.L_overlay_start_0:
0x88: {  	s2 =	sld [smem:$0x3FD9]  }
0x89: {  	s3 =	sld [smem:$0x3FFE];
	_ =	sdelay $0x1  }
0x8a: {  	s1 =	srdreg.scid  }
0x8b: {  	s0 =	sand.u32 $0x1, s1  }
0x8c: {  	s16 =	sshll.u32 s0, $0xA;
	s2 =	sadd.s32 s3, s2  }
0x8d: {  	s2 =	sadd.s32 s2, s16  }
0x8e: {  	[smem:$0x3FBD] =	sst s2  }
0x8f: {  	_ = 	snop  }
0x90: {  	(tm) =	ssettm $0x1  }
0x91: {  	s17 =	sld [smem:$0x3FFB];
	_ =	sdelay $0x3  }
0x92: {  	_ =	strace s17  }
0x93: {  	s2 =	sld [smem:$0x3FFC];
	_ =	sdelay $0x3  }
0x94: {  	_ =	strace s2  }
0x95: {  	s2 =	sld [smem:$0x3FFD];
	_ =	sdelay $0x3  }
0x96: {  	_ =	strace s2  }
0x97: {  	_ =	strace $0x8FFFFFFF  }
0x98: {  	s18 =	sld [smem:$0x3FDB];
	_ =	sdelay $0x1  }
0x99: {  	s19 =	simm.s32 $_scs_section_size  }
0x9a: {  	s4 =	simm.s32 $_size__tile_overlayer_lowered;
	s5 =	simm.s32 $_tile_overlayer_lowered  }
0x9b: {  	s22 =	simm.s32 $0x1BFF;
	s21 =	sshll.u32 s5, $0x1;
	s2 =	sadd.s32 s19, s18  }
0x9c: {  	s6 =	simm.s32 $0x0;
	s20 =	sshll.u32 s4, $0x1;
	s4 =	sadd.s32 s21, s2  }
0x9d: {  	[timem:s6], [sflag:s22] =	dma.local [hbm:s4], s20  }
0x9e: {  	_ =	swait.ge [sflag:s22], s20  }
0x9f: {  	s3 =	ssub.s32 $0x0, s20;
	[sflag:s22] =	ssyncset.done $0x0  }
0xa0: {  	[sflag:s22] =	ssyncadd.s32 s3;
	_ =	sdelay $0x1  }
0xa1: {  	s23 =	simm.s32 $0x1B8B  }
0xa2: {  	_ =	swait.ge [sflag:s23], $0x1  }
0xa3: {  	[sflag:s23] =	ssyncset.done $0x0  }
0xa4: {  	s25 =	simm.s32 $0x1B8E;
	s24 =	sld [smem:$0x3FFE];
	[sflag:s23] =	ssyncadd.s32 $0xFFFFFFFF  }
0xa5: {  	s26 =	simm.s32 $execute0_lowered;
	[smem:$0x3FD2] =	sst s25  }
0xa6: {  	s4 =	sshll.u32 s26, $0x1;
	_ =	strace $0x8000004F;
	[dreg:$0x1] =	wrdreg $0xFFFFFFFF  }
0xa7: {  	s28 =	simm.s32 $_size_execute0_lowered;
	s2 =	sadd.s32 s2, s4;
	[dreg:$0x0] =	wrdreg $0x0  }
0xa8: {  	s4 =	sshll.u32 s28, $0x1;
	[dreg:$0x2] =	wrdreg s2  }
0xa9: {  	[dreg:$0x3] =	wrdreg s4  }
0xaa: {  	[dreg:$0x4] =	wrdreg $0xC0  }
0xab: {  	_ =	task [dreg:s6], $0x5FFFF  }
0xac: {  	[dreg:$0x1] =	wrdreg $0xFFFFFFFF  }
0xad: {  	[dreg:$0x0] =	wrdreg $0x60  }
0xae: {  	[dreg:$0x2] =	wrdreg s24  }
0xaf: {  	[dreg:$0x3] =	wrdreg $0x9  }
0xb0: {  	_ =	task.clear_ibuf [dreg:s6], $0x4FFFF;
	_ =	strace $0x9000004F  }
0xb1: {  	s29 =	simm.s32 $0x9;
	_ =	strace $0x80000051  }
0xb2: {  	_ =	swait.ge [sflag:s29], $0x1  }
0xb3: {  	[sflag:s29] =	ssyncadd.s32 $0xFFFFFFFF  }
0xb4: {  	_ =	strace $0x90000051  }
0xb5: {  	_ =	sfence  }
0xb6: {  	s30 =	sld [smem:$0x0];
	_ =	sdelay $0x2  }
0xb7: {  	s31 =	sshll.u32 s1, $0xD;
	s1 =	sshrl.u32 s1, $0x2  }
0xb8: {  	s3 =	sand.u32 $0x4000, s31;
	s1 =	sadd.s32 s1, s30  }
0xb9: {  	s0 =	sor.u32 s3, s0;
	s1 =	sshll.u32 s1, $0x11  }
0xba: {  	s0 =	sor.u32 s1, s0  }
0xbb: {  	s0 =	sadd.s32 $0x8F2B, s0  }
0xbc: {  	[sflag:s0] =	ssyncadd.remote.s32 $0x1  }
0xbd: {  	_ =	sfence.sel $0xFFFF  }
0xbe: {  	[dreg:$0x0] =	wrdreg $0xFFFFFFFF;
	(pc) =	sbr.abs _section_cstart, $3  }
0xbf: {  	[dreg:$0x1] =	wrdreg $0xFFFFFFFF  }
0xc0: {  	_ =	task.clear_ibuf [dreg:s6], $0x2FFFF;
	_ =	strace $0x9FFFFFFF  }
0xc1: {  	(tm) =	ssettm $0x7FFFFFFF  }
tec
execute0_lowered:
.L_overlay_start_1:
0x0: {  	(tag) =	ssettag $0x1  }
0x1: {  	s7 =	rddreg [dreg:$0x0]  }
0x2: {  	s0 =	rddreg [dreg:$0x1];
	_ =	strace $0x80000050  }
0x3: {  	s1 =	srdreg.scid;
	s4 =	simm.s32 $0x1;
	s9 =	simm.s32 $0x3  }
0x4: {  	s11 =	simm.s32 $0x0;
	p0 =	por $0x0, $0x0;
	s5 =	sshll.u32 s1, $0x4  }
.Ltmp0:
0x5: {  	s1 =	stileid.u32;
	s5 =	sand.u32 $0x10, s5;
	(pc) =	sbr.rel .LBB2_1-.Ltmp0, $4  }
0x6: {  	s2 =	sadd.s32 $0x1400, s7;
	s3 =	sadd.s32 $0x45400, s7;
	s6 =	sor.u32 s1, s5  }
0x7: {  	[sflag:s4] =	ssyncpa.u1 $0x0;
	s5 =	simm.s32 $0x2;
	s6 =	sshll.u32 s6, $0x9  }
0x8: {  	s7 =	sadd.s32 $0x45C00, s7;
	[sflag:s5] =	ssyncpa.u1 $0x0;
	s8 =	sadd.s32 $0x200, s6  }
0x9: {  	vm0 =	vmmov $0xff;
	vm1 =	vcmask $0x3F20;
	[sflag:s9] =	ssyncpa.u1 $0x0;
	s10 =	smov.u32 s6;
	s9 =	simm.s32 $0x0  }
.LBB2_7:
0xa: {  	p1 =	slt.u32 s9, $0x2;
	s11 =	sadd.s32 $0x100, s10  }
0xb: {  	s13 =	smov.u32 s6;
	s9 =	sadd.s32 $0x1, s9;
	p2 =	slt.s32 s11, s8  }
0xc: {  	s13 =	smov.u32 @p2 s11;
	p2 =	sne.s32 s9, $0x4  }
.Ltmp1:
0xd: {  	_ = 	snop;
	(pc) =	sbr.rel @!p2 .LBB2_8-.Ltmp1, $4  }
0xe: {  	s12 =	simm.s32 @!p1 $0x3  }
0xf: {  	_ =	swait.ge @!p1 [sflag:s12], $0x8000  }
0x10: {  	p0 =	por !p0, !p0;
	[sflag:s12] =	ssyncset.done @!p1 $0x0  }
0x11: {  	s11 =	smov.u32 s10;
	s10 =	smov.u32 s13;
	[sflag:s12] =	ssyncadd.s32 @!p1 $0xFFFF8000  }
.LBB2_1:
0x12: {  	p1 =	sgt.u32 s9, $0x1  }
0x13: {  	s12 =	sshll.u32 @!p1 s9, $0x8;
	s13 =	sshrl.u32 @!p1 s10, $0x3  }
0x14: {  	s14 =	sand.u32 @!p1 $0x7, s10;
	s12 =	sxor.u32 @!p1 $0x100, s12;
	s13 =	sadd.s32 @!p1 s3, s13  }
0x15: {  	[tilespmem:s12], [sflag:$0x2] =	stream.linear.gather @!p1 [hbm4b:s13+s14], $0x100, $0x38;
	[tilespmem:$0x10200] =	vst v63  }
0x16: {  	p1 =	seq.s32 s9, $0x0  }
0x17: {  	p2 =	seq.s32 @!p1 s9, $0x3  }
0x18: {  	p1 =	por p1, p2  }
.Ltmp2:
0x19: {  	_ = 	snop;
	(pc) =	sbr.rel @p1 .LBB2_7-.Ltmp2, $1  }
0x1a: {  	_ =	sdelay $0x3  }
0x1b: {  	s12 =	simm.s32 $0x1  }
0x1c: {  	_ =	swait.ge [sflag:s5], $0x100;
	s12 =	simm.s32 @!p0 $0x0  }
0x1d: {  	[sflag:s5] =	ssyncset.done $0x0;
	s14 =	sshll.u32 s12, $0x8  }
0x1e: {  	[sflag:s5] =	ssyncadd.s32 $0xFFFFFF00;
	s13 =	sadd.s32 $0x0, s14  }
0x1f: {  	v0 =	vld.msk [tilespmem:s13+$0x0 ss:$0x1], $0xffff;
	_ =	sdelay $0x4  }
0x20: {  	vm2 =	vgt.s32 v0, $0x0  }
0x21: {  	v0 =	vnsel vm2, $0x0, v0  }
0x22: {  	v0 =	vmin.u32 v0, $0x3FFF  }
0x23: {  	v0 =	vshll.u32 v0, $0x4;
	_ =	sdelay $0x2  }
0x24: {  	s12 =	sshll.u32 s12, $0xF  }
0x25: {  	s12 =	sor.u32 $0x200, s12  }
0x26: {  	[tilespmem:s12], [sflag:$0x1] =	stream.indirect_vreg.gather [hbm:s2], $0x80, v0, vm0, $0x38;
	[tilespmem:$0x10200] =	vst v63  }
0x27: {  	s15 =	sadd.s32 $0x10, s14;
	s13 =	sadd.s32 $0x400, s12  }
0x28: {  	[tilespmem:s13], [sflag:$0x1] =	stream.indirect_vreg.gather [hbm:s2], $0x80, v0, vm1, $0x38;
	[tilespmem:$0x10200] =	vst v63  }
0x29: {  	s16 =	simm.s32 $0x80;
	v0 =	vld.msk [tilespmem:s15+$0x0 ss:$0x1], $0xffff;
	s15 =	smov.u32 s12  }
.LBB2_3:
0x2a: {  	p1 =	sne.s32 s16, $0x3C0;
	_ =	sdelay $0x4  }
0x2b: {  	vm2 =	vgt.s32 v0, $0x0  }
0x2c: {  	v0 =	vnsel vm2, $0x0, v0  }
0x2d: {  	v0 =	vmin.u32 v0, $0x3FFF  }
0x2e: {  	v0 =	vshll.u32 v0, $0x4;
	_ =	sdelay $0x3  }
.Ltmp3:
0x2f: {  	s17 =	sshra.s32 s16, $0x2;
	s15 =	sadd.s32 $0x800, s15;
	(pc) =	sbr.rel @p1 .LBB2_3-.Ltmp3, $4  }
0x30: {  	[tilespmem:s15], [sflag:$0x1] =	stream.indirect_vreg.gather [hbm:s2], $0x80, v0, vm0, $0x38;
	[tilespmem:$0x10200] =	vst v63  }
0x31: {  	s17 =	sadd.s32 s17, s14;
	s18 =	sadd.s32 $0x400, s15  }
0x32: {  	[tilespmem:s18], [sflag:$0x1] =	stream.indirect_vreg.gather [hbm:s2], $0x80, v0, vm1, $0x38;
	[tilespmem:$0x10200] =	vst v63  }
0x33: {  	s16 =	sadd.s32 $0x40, s16;
	v0 =	vld.msk [tilespmem:s17+$0x0 ss:$0x1], $0xffff  }
0x34: {  	_ =	sdelay $0x3  }
0x35: {  	vm2 =	vgt.s32 v0, $0x0  }
0x36: {  	v0 =	vnsel vm2, $0x0, v0  }
0x37: {  	v0 =	vmin.u32 v0, $0x3FFF  }
0x38: {  	v0 =	vshll.u32 v0, $0x4;
	_ =	sdelay $0x3  }
0x39: {  	s14 =	sadd.s32 $0x800, s15  }
0x3a: {  	[tilespmem:s14], [sflag:$0x1] =	stream.indirect_vreg.gather [hbm:s2], $0x80, v0, vm0, $0x38;
	[tilespmem:$0x10200] =	vst v63  }
0x3b: {  	s14 =	sadd.s32 $0x400, s14  }
0x3c: {  	[tilespmem:s14], [sflag:$0x1] =	stream.indirect_vreg.gather [hbm:s2], $0x80, v0, vm1, $0x38;
	[tilespmem:$0x10200] =	vst v63  }
0x3d: {  	s11 =	sshll.u32 s11, $0x4;
	_ =	swait.ge [sflag:s4], $0x8000  }
0x3e: {  	s11 =	sadd.s32 s11, s7;
	[sflag:s4] =	ssyncset.done $0x0  }
0x3f: {  	s15 =	sadd.s32 $0x0, s11;
	s14 =	simm.s32 $0x80;
	[sflag:s4] =	ssyncadd.s32 $0xFFFF8000  }
.LBB2_5:
0x40: {  	[hbm:s15] =	stream.linear.scatter [tilespmem:s12], [sflag:$0x3], $0x400, $0x38;
	[tilespmem:$0x10200] =	vst v63  }
0x41: {  	s15 =	smov.u32 s14;
	s12 =	smov.u32 s13;
	p1 =	sne.s32 s14, $0xF80  }
.Ltmp4:
0x42: {  	s14 =	sadd.s32 $0x80, s14;
	(pc) =	sbr.rel @p1 .LBB2_5-.Ltmp4, $2  }
0x43: {  	_ =	sdelay $0x2  }
0x44: {  	s13 =	sadd.s32 $0x400, s13;
	s15 =	sadd.s32 s15, s11  }
.Ltmp5:
0x45: {  	(pc) =	sbr.rel .LBB2_7-.Ltmp5, $2  }
0x46: {  	_ =	sdelay $0x2  }
0x47: {  	[hbm:s15] =	stream.linear.scatter [tilespmem:s12], [sflag:$0x3], $0x400, $0x38;
	[tilespmem:$0x10200] =	vst v63  }
.LBB2_8:
0x48: {  	_ =	sfence.sel $0x180000  }
0x49: {  	s2 =	simm.s32 $0x2;
	[bflag:$0x0] =	sbarrier.arrive $0xFFFF  }
0x4a: {  	s30 =	simm.s32 $0x3;
	[sflag:s2] =	ssyncpa.u1 $0x1  }
0x4b: {  	s31 =	simm.s32 $0x1;
	[sflag:s30] =	ssyncpa.u1 $0x1  }
0x4c: {  	[sflag:s31] =	ssyncpa.u1 $0x1  }
0x4d: {  	p0 =	sne.s32 s1, $0x0;
	_ =	strace $0x90000050  }
0x4e: {  	s0 =	sadd.s32 @!p0 $0x100000, s0;
	[bflag:$0x2] =	sbarrier.arrive $0xFFFF  }
0x4f: {  	[sflag:s0] =	ssyncadd.tile.s32 @!p0 $0x1;
	_ =	shalt  }
.Lfunc_end2:
_tile_overlayer_lowered:
.L_overlay_start_2:
0x50: {  	(tag) =	ssettag $0x2  }
0x51: {  	s0 =	rddreg [dreg:$0x0];
	s2 =	stileid.u32  }
0x52: {  	s1 =	rddreg [dreg:$0x1];
	p0 =	sne.s32 s2, $0x0  }
0x53: {  	s3 =	rddreg [dreg:$0x2];
	[bflag:$0x3] =	sbarrier.arrive $0xFFFF;
	s2 =	simm.s32 @!p0 $0x1C01  }
0x54: {  	[timem:s3], [sflag:s2] =	dma.local @!p0 [hbm:s0], s1  }
0x55: {  	s0 =	simm.s32 @!p0 $0x1  }
0x56: {  	_ =	swait.ge @!p0 [sflag:s0], s1  }
0x57: {  	s1 =	ssub.s32 @!p0 $0x0, s1;
	[sflag:s0] =	ssyncset.done @!p0 $0x0  }
0x58: {  	[sflag:s0] =	ssyncadd.s32 @!p0 s1  }
0x59: {  	[bflag:$0x3] =	sbarrier.arrive $0xFFFF  }
0x5a: {  	_ =	shalt  }

// kernel: gather_offload_async_start.3
scs
__scs_entry_jumppad:
0x0: {  	(pc) =	sbr.rel $0x88, $3  }
0x1: {  	(tag) =	ssettag $0x0;
	lr =	simm.s32 $0x1  }
0x2: {  	[smem:$0x3F96] =	sst lr;
	_ =	strace $0xD0000000  }
0x3: {  	_ = 	snop  }
0x4: {  	_ = 	snop  }
0x5: {  	_ = 	snop  }
0x6: {  	_ = 	snop  }
0x7: {  	_ = 	snop  }
__scs_overlays_trampoline_lowered:
0x8: {  	[smem:$0x3FA5] =	sst s0  }
0x9: {  	[smem:$0x3FA6] =	sst s1  }
0xa: {  	[smem:$0x3FA7] =	sst s2  }
0xb: {  	[smem:$0x3FA8] =	sst s3  }
0xc: {  	[smem:$0x3FA9] =	sst s4  }
0xd: {  	[smem:$0x3FAA] =	sst s5  }
0xe: {  	[smem:$0x3FAB] =	sst s6  }
0xf: {  	[smem:$0x3FAC] =	sst s7  }
0x10: {  	[smem:$0x3FAD] =	sst s8  }
0x11: {  	[smem:$0x3FAE] =	sst s9;
	s0 =	simm.s32 @!p0 $0x0  }
0x12: {  	s1 =	sld [smem:$0x3F94];
	s0 =	simm.s32 @p0 $0x1  }
0x13: {  	[smem:$0x3FAF] =	sst s0;
	s0 =	simm.s32 @!p1 $0x0  }
0x14: {  	s2 =	sld [smem:$0x3F93];
	s0 =	simm.s32 @p1 $0x1  }
0x15: {  	[smem:$0x3FB0] =	sst s0;
	s0 =	simm.s32 @!p2 $0x0  }
0x16: {  	s3 =	sld [smem:$0x3FDB];
	s0 =	simm.s32 @p2 $0x1  }
0x17: {  	s4 =	simm.s32 $0x1BF5;
	[smem:$0x3FB2] =	sst s0  }
0x18: {  	s0 =	sld [smem:$0x3F95];
	_ =	swait.ge [sflag:s4], $0x0  }
0x19: {  	s7 =	sld [smem:$0x3F96]  }
0x1a: {  	s8 =	sadd.s32 $0xFFFFE003, lr  }
0x1b: {  	s9 =	sadd.s32 $0xFFFFFEF7, lr;
	s5 =	simm.s32 $0xFFFFFFFF;
	p2 =	slt.u32 s8, $0xFFFFF086  }
0x1c: {  	p1 =	slt.u32 s9, $0xF7A;
	s5 =	simm.s32 @!p2 $0x0  }
0x1d: {  	s5 =	simm.s32 @p1 $0x1;
	p0 =	seq.s32 s7, s2  }
0x1e: {  	s7 =	smul.u32 @!p0 $0xF7A, s2;
	p2 =	seq.s32 @!p0 s5, $0x0  }
0x1f: {  	s9 =	smul.u32 $0xF7A, s1;
	s8 =	simm.s32 @!p0 $0x1BF5;
	p2 =	por !p2, p0  }
0x20: {  	[sflag:s8] =	ssyncset.s32 @!p0 $0xFFFFF086;
	s6 =	sadd.s32 @!p0 s3, s7;
	s7 =	simm.s32 @!p0 $0x108  }
0x21: {  	s3 =	sadd.s32 s3, s9;
	s6 =	sadd.s32 @!p0 $0x88, s6;
	s7 =	simm.s32 @p2 $0x1082  }
0x22: {  	[simem:s7], [sflag:s8] =	dma.local @!p0 [hbm:s6], $0xF7A  }
0x23: {  	s9 =	sor.u32 $0xD0000000, s2;
	s6 =	simm.s32 $0x108;
	_ =	swait.ge @!p0 [sflag:s8], $0x0  }
0x24: {  	s3 =	sadd.s32 $0x88, s3;
	s6 =	simm.s32 @!p1 $0x1082;
	[sflag:s4] =	ssyncset.s32 $0xFFFFF086  }
0x25: {  	[simem:s6], [sflag:s4] =	dma.local [hbm:s3], $0xF7A  }
0x26: {  	[smem:$0x3F96] =	sst s1;
	(tag) =	ssettag s2;
	_ =	strace s9  }
0x27: {  	s1 =	sld [smem:$0x3FA6]  }
0x28: {  	s2 =	sld [smem:$0x3FA7]  }
0x29: {  	s4 =	sld [smem:$0x3FA9]  }
0x2a: {  	p0 =	seq.s32 s5, $0x0;
	s5 =	sld [smem:$0x3FAA]  }
0x2b: {  	s6 =	sld [smem:$0x3FAB]  }
0x2c: {  	s7 =	sld [smem:$0x3FAC]  }
0x2d: {  	s3 =	simm.s32 $0x108;
	s8 =	sld [smem:$0x3FAD]  }
0x2e: {  	s3 =	simm.s32 @!p0 $0x1082;
	s9 =	sld [smem:$0x3FAE]  }
0x2f: {  	lr =	sadd.s32 s0, s3;
	s0 =	sld [smem:$0x3FA5]  }
0x30: {  	s3 =	sld [smem:$0x3FA8]  }
0x31: {  	[smem:$0x3FB1] =	sst s10  }
0x32: {  	s10 =	sld [smem:$0x3FAF];
	_ =	sdelay $0x3  }
0x33: {  	p0 =	seq.s32 s10, $0x1;
	s10 =	sld [smem:$0x3FB1];
	_ =	sdelay $0x3  }
0x34: {  	[smem:$0x3FB1] =	sst s10  }
0x35: {  	s10 =	sld [smem:$0x3FB0];
	_ =	sdelay $0x3  }
0x36: {  	p1 =	seq.s32 s10, $0x1;
	s10 =	sld [smem:$0x3FB1];
	_ =	sdelay $0x3  }
0x37: {  	[smem:$0x3FB1] =	sst s10  }
0x38: {  	s10 =	sld [smem:$0x3FB2]  }
0x39: {  	_ = 	snop;
	(pc) =	sbr.ind lr, $3  }
0x3a: {  	_ = 	snop  }
0x3b: {  	_ = 	snop  }
0x3c: {  	p2 =	seq.s32 s10, $0x1;
	s10 =	sld [smem:$0x3FB1]  }
0x3d: {  	_ =	shalt  }
0x3e: {  	_ =	shalt  }
0x3f: {  	_ =	shalt  }
0x40: {  	_ =	shalt  }
0x41: {  	_ =	shalt  }
0x42: {  	_ =	shalt  }
0x43: {  	_ =	shalt  }
0x44: {  	_ =	shalt  }
0x45: {  	_ =	shalt  }
0x46: {  	_ =	shalt  }
0x47: {  	_ =	shalt  }
0x48: {  	_ =	shalt  }
0x49: {  	_ =	shalt  }
0x4a: {  	_ =	shalt  }
0x4b: {  	_ =	shalt  }
0x4c: {  	_ =	shalt  }
0x4d: {  	_ =	shalt  }
0x4e: {  	_ =	shalt  }
0x4f: {  	_ =	shalt  }
0x50: {  	_ =	shalt  }
0x51: {  	_ =	shalt  }
0x52: {  	_ =	shalt  }
0x53: {  	_ =	shalt  }
0x54: {  	_ =	shalt  }
0x55: {  	_ =	shalt  }
0x56: {  	_ =	shalt  }
0x57: {  	_ =	shalt  }
0x58: {  	_ =	shalt  }
0x59: {  	_ =	shalt  }
0x5a: {  	_ =	shalt  }
0x5b: {  	_ =	shalt  }
0x5c: {  	_ =	shalt  }
0x5d: {  	_ =	shalt  }
0x5e: {  	_ =	shalt  }
0x5f: {  	_ =	shalt  }
0x60: {  	_ =	shalt  }
0x61: {  	_ =	shalt  }
0x62: {  	_ =	shalt  }
0x63: {  	_ =	shalt  }
0x64: {  	_ =	shalt  }
0x65: {  	_ =	shalt  }
0x66: {  	_ =	shalt  }
0x67: {  	_ =	shalt  }
0x68: {  	_ =	shalt  }
0x69: {  	_ =	shalt  }
0x6a: {  	_ =	shalt  }
0x6b: {  	_ =	shalt  }
0x6c: {  	_ =	shalt  }
0x6d: {  	_ =	shalt  }
0x6e: {  	_ =	shalt  }
0x6f: {  	_ =	shalt  }
0x70: {  	_ =	shalt  }
0x71: {  	_ =	shalt  }
0x72: {  	_ =	shalt  }
0x73: {  	_ =	shalt  }
0x74: {  	_ =	shalt  }
0x75: {  	_ =	shalt  }
0x76: {  	_ =	shalt  }
0x77: {  	_ =	shalt  }
0x78: {  	_ =	shalt  }
0x79: {  	_ =	shalt  }
0x7a: {  	_ =	shalt  }
0x7b: {  	_ =	shalt  }
0x7c: {  	_ =	shalt  }
0x7d: {  	_ =	shalt  }
0x7e: {  	_ =	shalt  }
0x7f: {  	_ =	shalt  }
0x80: {  	_ =	shalt  }
0x81: {  	_ =	shalt  }
0x82: {  	_ =	shalt  }
0x83: {  	_ =	shalt  }
0x84: {  	_ =	shalt  }
0x85: {  	_ =	shalt  }
0x86: {  	_ =	shalt  }
0x87: {  	_ =	shalt  }
.Lfunc_end0:
.L_simem_size_0:
called_computation.3_lowered:
.L_overlay_start_0:
0x88: {  	s2 =	sld [smem:$0x3FD9]  }
0x89: {  	s3 =	sld [smem:$0x3FFE];
	_ =	sdelay $0x1  }
0x8a: {  	s1 =	srdreg.scid  }
0x8b: {  	s0 =	sand.u32 $0x1, s1  }
0x8c: {  	s16 =	sshll.u32 s0, $0xA;
	s2 =	sadd.s32 s3, s2  }
0x8d: {  	s2 =	sadd.s32 s2, s16  }
0x8e: {  	[smem:$0x3FBD] =	sst s2  }
0x8f: {  	_ = 	snop  }
0x90: {  	(tm) =	ssettm $0x1  }
0x91: {  	s17 =	sld [smem:$0x3FFB];
	_ =	sdelay $0x3  }
0x92: {  	_ =	strace s17  }
0x93: {  	s2 =	sld [smem:$0x3FFC];
	_ =	sdelay $0x3  }
0x94: {  	_ =	strace s2  }
0x95: {  	s2 =	sld [smem:$0x3FFD];
	_ =	sdelay $0x3  }
0x96: {  	_ =	strace s2  }
0x97: {  	_ =	strace $0x8FFFFFFF  }
0x98: {  	s18 =	sld [smem:$0x3FDB];
	_ =	sdelay $0x1  }
0x99: {  	s19 =	simm.s32 $_scs_section_size  }
0x9a: {  	s4 =	simm.s32 $_size__tile_overlayer_lowered;
	s5 =	simm.s32 $_tile_overlayer_lowered  }
0x9b: {  	s22 =	simm.s32 $0x1BFF;
	s21 =	sshll.u32 s5, $0x1;
	s2 =	sadd.s32 s19, s18  }
0x9c: {  	s6 =	simm.s32 $0x0;
	s20 =	sshll.u32 s4, $0x1;
	s4 =	sadd.s32 s21, s2  }
0x9d: {  	[timem:s6], [sflag:s22] =	dma.local [hbm:s4], s20  }
0x9e: {  	_ =	swait.ge [sflag:s22], s20  }
0x9f: {  	s3 =	ssub.s32 $0x0, s20;
	[sflag:s22] =	ssyncset.done $0x0  }
0xa0: {  	[sflag:s22] =	ssyncadd.s32 s3;
	_ =	sdelay $0x1  }
0xa1: {  	s23 =	simm.s32 $0x1B8B  }
0xa2: {  	_ =	swait.ge [sflag:s23], $0x1  }
0xa3: {  	[sflag:s23] =	ssyncset.done $0x0  }
0xa4: {  	s25 =	simm.s32 $0x1B8E;
	s24 =	sld [smem:$0x3FFE];
	[sflag:s23] =	ssyncadd.s32 $0xFFFFFFFF  }
0xa5: {  	s26 =	simm.s32 $execute0_lowered;
	[smem:$0x3FD2] =	sst s25  }
0xa6: {  	s4 =	sshll.u32 s26, $0x1;
	_ =	strace $0x80000046;
	[dreg:$0x1] =	wrdreg $0xFFFFFFFF  }
0xa7: {  	s28 =	simm.s32 $_size_execute0_lowered;
	s2 =	sadd.s32 s2, s4;
	[dreg:$0x0] =	wrdreg $0x0  }
0xa8: {  	s4 =	sshll.u32 s28, $0x1;
	[dreg:$0x2] =	wrdreg s2  }
0xa9: {  	[dreg:$0x3] =	wrdreg s4  }
0xaa: {  	[dreg:$0x4] =	wrdreg $0xC0  }
0xab: {  	_ =	task [dreg:s6], $0x5FFFF  }
0xac: {  	[dreg:$0x1] =	wrdreg $0xFFFFFFFF  }
0xad: {  	[dreg:$0x0] =	wrdreg $0x60  }
0xae: {  	[dreg:$0x2] =	wrdreg s24  }
0xaf: {  	[dreg:$0x3] =	wrdreg $0xA  }
0xb0: {  	_ =	task.clear_ibuf [dreg:s6], $0x4FFFF;
	_ =	strace $0x90000046  }
0xb1: {  	s29 =	simm.s32 $0xA;
	_ =	strace $0x80000048  }
0xb2: {  	_ =	swait.ge [sflag:s29], $0x1  }
0xb3: {  	[sflag:s29] =	ssyncadd.s32 $0xFFFFFFFF  }
0xb4: {  	_ =	strace $0x90000048  }
0xb5: {  	_ =	sfence  }
0xb6: {  	s30 =	sld [smem:$0x0];
	_ =	sdelay $0x2  }
0xb7: {  	s31 =	sshll.u32 s1, $0xD;
	s1 =	sshrl.u32 s1, $0x2  }
0xb8: {  	s3 =	sand.u32 $0x4000, s31;
	s1 =	sadd.s32 s1, s30  }
0xb9: {  	s0 =	sor.u32 s3, s0;
	s1 =	sshll.u32 s1, $0x11  }
0xba: {  	s0 =	sor.u32 s1, s0  }
0xbb: {  	s0 =	sadd.s32 $0x8F2B, s0  }
0xbc: {  	[sflag:s0] =	ssyncadd.remote.s32 $0x1  }
0xbd: {  	_ =	sfence.sel $0xFFFF  }
0xbe: {  	[dreg:$0x0] =	wrdreg $0xFFFFFFFF;
	(pc) =	sbr.abs _section_cstart, $3  }
0xbf: {  	[dreg:$0x1] =	wrdreg $0xFFFFFFFF  }
0xc0: {  	_ =	task.clear_ibuf [dreg:s6], $0x2FFFF;
	_ =	strace $0x9FFFFFFF  }
0xc1: {  	(tm) =	ssettm $0x7FFFFFFF  }
tec
execute0_lowered:
.L_overlay_start_1:
0x0: {  	(tag) =	ssettag $0x1  }
0x1: {  	s0 =	srdreg.scid;
	s5 =	rddreg [dreg:$0x0]  }
0x2: {  	s1 =	stileid.u32;
	s6 =	simm.s32 $0x1;
	s9 =	simm.s32 $0x1  }
0x3: {  	s10 =	simm.s32 $0x3;
	s13 =	simm.s32 $0x0;
	s2 =	sshll.u32 s0, $0x8  }
0x4: {  	s12 =	simm.s32 $0x0;
	s3 =	sshll.u32 s1, $0x9;
	s2 =	sand.u32 $0x100, s2  }
0x5: {  	s0 =	rddreg [dreg:$0x1];
	_ =	strace $0x80000047;
	s2 =	sor.u32 s3, s2  }
0x6: {  	s4 =	sadd.s32 $0x45400, s5;
	[sflag:s6] =	ssyncpa.u1 $0x0;
	s8 =	ssub.s32 $0x4000, s2  }
.Ltmp0:
0x7: {  	s3 =	sadd.s32 $0x1400, s5;
	s7 =	sand.u32 $0x1F00, s8;
	(pc) =	sbr.rel .LBB2_1-.Ltmp0, $4  }
0x8: {  	s5 =	sadd.s32 $0x88400, s5;
	s11 =	smov.u32 s2;
	p0 =	sne.s32 s7, $0x0  }
0x9: {  	s8 =	sshrl.u32 s8, $0xD;
	s7 =	simm.s32 $0x2;
	s9 =	simm.s32 @!p0 $0x0  }
0xa: {  	[sflag:s7] =	ssyncpa.u1 $0x0;
	p0 =	por $0x0, $0x0;
	s8 =	sadd.s32 s9, s8  }
0xb: {  	vm0 =	vmmov $0xffff;
	[sflag:s10] =	ssyncpa.u1 $0x0;
	s10 =	simm.s32 $0x0;
	s9 =	sadd.s32 $0x1, s8  }
.LBB2_4:
0xc: {  	v5 =	vshrl.u32 v1, $0xE;
	v6 =	vshll.u32 v1, $0x7  }
0xd: {  	vm1 =	veq.s32 v1, $0x80000000;
	v58 =	vand.u32 $0x1F, v5;
	v59 =	vand.u32 $0x1FFF80, v6  }
0xe: {  	v1 =	vsel vm1, $0xFFFFFFFF, v58;
	v5 =	vsel vm1, $0xFFFFFF80, v59  }
0xf: {  	v3 =	vor.u32 v4, v3;
	v60 =	vand.u32 $0xFFFFFC00, v5;
	v61 =	vand.u32 $0xFFFFFC00, v1  }
0x10: {  	v2 =	vor.u32 v2, v3;
	v63 =	vand.u32 $0x380, v5;
	v62 =	vadd.s32 v61, v60  }
0x11: {  	v1 =	vand.u32 $0x7F, v1;
	v3 =	vor.u32 v63, v62  }
0x12: {  	v1 =	vor.u32 v1, v3  }
0x13: {  	[tilespmem:s15], [sflag:$0x1] =	stream.indirect_vreg.gather [hbm4b:s3+s10], $0x1, v0, vm0, $0x4038;
	[tilespmem:$0x400] =	vst v63  }
0x14: {  	(ifvalue) =	ssetifvalue $0x7FFFFFFF  }
0x15: {  	[tilespmem:s16], [sflag:$0x1] =	stream.indirect_vreg.gather [hbm4b:s3+s10], $0x1, v2, vm0, $0x4038;
	[tilespmem:$0x400] =	vst v63  }
0x16: {  	s29 =	sadd.s32 $0x10, s16;
	(ifvalue) =	ssetifvalue $0x7FFFFFFF  }
0x17: {  	[tilespmem:s29], [sflag:$0x1] =	stream.indirect_vreg.gather [hbm4b:s3+s10], $0x1, v1, vm0, $0x4038;
	[tilespmem:$0x400] =	vst v63  }
0x18: {  	_ =	swait.ge [sflag:s6], $0x100  }
0x19: {  	s30 =	sshrl.u32 s13, $0x3;
	[sflag:s6] =	ssyncset.done $0x0  }
0x1a: {  	s31 =	sand.u32 $0x7, s13;
	s15 =	sadd.s32 s5, s30;
	[sflag:s6] =	ssyncadd.s32 $0xFFFFFF00  }
0x1b: {  	[hbm4b:s15+s31] =	stream.linear.scatter [tilespmem:s14], [sflag:$0x3], $0x100, $0x38;
	[tilespmem:$0x400] =	vst v63  }
.LBB2_5:
0x1c: {  	s15 =	sadd.s32 $0x2000, s11  }
0x1d: {  	p2 =	sgt.s32 s15, $0x3FFF  }
0x1e: {  	s15 =	smov.u32 @p2 s2;
	p2 =	sne.s32 s12, s9  }
.Ltmp1:
0x1f: {  	p1 =	slt.u32 s12, $0x2;
	(pc) =	sbr.rel @!p2 .LBB2_6-.Ltmp1, $4  }
0x20: {  	s14 =	simm.s32 @!p1 $0x3  }
0x21: {  	s16 =	sadd.s32 $0x1, s12;
	_ =	swait.ge @!p1 [sflag:s14], $0x100  }
0x22: {  	s13 =	smov.u32 s11;
	p0 =	por !p0, !p0;
	[sflag:s14] =	ssyncset.done @!p1 $0x0  }
0x23: {  	s12 =	smov.u32 s16;
	s11 =	smov.u32 s15;
	[sflag:s14] =	ssyncadd.s32 @!p1 $0xFFFFFF00  }
.LBB2_1:
0x24: {  	p1 =	sge.u32 s12, s8  }
0x25: {  	s14 =	sxor.u32 @!p1 $0xFFFFFFFF, s12  }
0x26: {  	s31 =	sadd.s32 $0xFFFFFFFF, s12;
	s15 =	sshrl.u32 @!p1 s11, $0x3;
	s14 =	sshll.u32 @!p1 s14, $0x8  }
0x27: {  	s16 =	sand.u32 @!p1 $0x7, s11;
	s15 =	sadd.s32 @!p1 s4, s15;
	s14 =	sand.u32 @!p1 $0x100, s14  }
0x28: {  	[tilespmem:s14], [sflag:$0x2] =	stream.linear.gather @!p1 [hbm4b:s15+s16], $0x100, $0x38;
	[tilespmem:$0x400] =	vst v63  }
0x29: {  	p1 =	sge.u32 s31, s8  }
.Ltmp2:
0x2a: {  	_ = 	snop;
	(pc) =	sbr.rel @p1 .LBB2_5-.Ltmp2, $1  }
0x2b: {  	_ =	sdelay $0x3  }
0x2c: {  	s14 =	simm.s32 $0x1  }
0x2d: {  	_ =	swait.ge [sflag:s7], $0x100;
	s14 =	simm.s32 @!p0 $0x0  }
0x2e: {  	[sflag:s7] =	ssyncset.done $0x0;
	s14 =	sshll.u32 s14, $0x8  }
0x2f: {  	[sflag:s7] =	ssyncadd.s32 $0xFFFFFF00;
	(ifvalue) =	ssetifvalue $0x7FFFFFFF;
	v0 =	vld.msk [tilespmem:s14+$0x0 ss:$0x1], $0xffff;
	_ =	sdelay $0x4  }
0x30: {  	s15 =	sadd.s32 $0x10, s14;
	v2 =	vshrl.u32 v0, $0xE;
	v3 =	vshll.u32 v0, $0x7  }
0x31: {  	v1 =	vld.msk [tilespmem:s15+$0x0 ss:$0x1], $0xffff;
	vm1 =	veq.s32 v0, $0x80000000;
	v0 =	vand.u32 $0x1F, v2;
	v2 =	vand.u32 $0x1FFF80, v3  }
0x32: {  	v0 =	vsel vm1, $0xFFFFFFFF, v0;
	v2 =	vsel vm1, $0xFFFFFF80, v2  }
0x33: {  	v3 =	vand.u32 $0xFFFFFC00, v2;
	v4 =	vand.u32 $0xFFFFFC00, v0  }
0x34: {  	v2 =	vand.u32 $0x380, v2;
	v3 =	vadd.s32 v4, v3  }
0x35: {  	v0 =	vand.u32 $0x7F, v0;
	v2 =	vor.u32 v2, v3  }
0x36: {  	v5 =	vshll.u32 v1, $0x7;
	v4 =	vshrl.u32 v1, $0xE;
	v0 =	vor.u32 v0, v2  }
0x37: {  	s16 =	sshll.u32 s12, $0x8;
	vm1 =	veq.s32 v1, $0x80000000;
	v1 =	vand.u32 $0x1F, v4;
	v4 =	vand.u32 $0x1FFF80, v5  }
0x38: {  	s16 =	sand.u32 $0x100, s16;
	s18 =	sadd.s32 $0x10, s15;
	v3 =	vsel vm1, $0xFFFFFFFF, v1;
	v4 =	vsel vm1, $0xFFFFFF80, v4  }
0x39: {  	s17 =	simm.s32 $0x20;
	s15 =	sor.u32 $0x200, s14;
	s14 =	sor.u32 $0x200, s16;
	v1 =	vld.msk [tilespmem:s18+$0x0 ss:$0x1], $0xffff;
	v5 =	vand.u32 $0xFFFFFC00, v4;
	v6 =	vand.u32 $0xFFFFFC00, v3  }
0x3a: {  	s16 =	sadd.s32 $0x10, s15;
	s18 =	sadd.s32 $0x10, s18;
	(ifvalue) =	ssetifvalue $0x7FFFFFFF;
	v2 =	vand.u32 $0x7F, v3;
	v4 =	vand.u32 $0x380, v4;
	v3 =	vadd.s32 v6, v5  }
.LBB2_3:
0x3b: {  	[tilespmem:s15], [sflag:$0x1] =	stream.indirect_vreg.gather [hbm4b:s3+s10], $0x1, v0, vm0, $0x4038;
	[tilespmem:$0x400] =	vst v63  }
0x3c: {  	s17 =	sadd.s32 $0x10, s17  }
0x3d: {  	v3 =	vor.u32 v4, v3;
	p1 =	slt.u32 s17, $0xF0  }
.Ltmp3:
0x3e: {  	v4 =	vshrl.u32 v1, $0xE;
	v5 =	vshll.u32 v1, $0x7;
	s15 =	smov.u32 s16;
	v0 =	vor.u32 v2, v3;
	v2 =	vmovc v1;
	v1 =	vld.msk [tilespmem:s18+$0x0 ss:$0x1], $0xffff;
	(pc) =	sbr.rel @p1 .LBB2_3-.Ltmp3, $4  }
0x3f: {  	v3 =	vand.u32 $0x1FFF80, v5;
	vm1 =	veq.s32 v2, $0x80000000;
	v2 =	vand.u32 $0x1F, v4  }
0x40: {  	v4 =	vsel vm1, $0xFFFFFFFF, v2;
	v5 =	vsel vm1, $0xFFFFFF80, v3  }
0x41: {  	v2 =	vand.u32 $0x7F, v4;
	v3 =	vand.u32 $0xFFFFFC00, v5;
	v4 =	vand.u32 $0xFFFFFC00, v4  }
0x42: {  	s16 =	sadd.s32 $0x10, s16;
	s18 =	sadd.s32 $0x10, s18;
	v3 =	vadd.s32 v4, v3;
	v4 =	vand.u32 $0x380, v5;
	(ifvalue) =	ssetifvalue $0x7FFFFFFF  }
.Ltmp4:
0x43: {  	_ = 	snop;
	(pc) =	sbr.rel .LBB2_4-.Ltmp4, $1  }
0x44: {  	_ =	sdelay $0x3  }
.LBB2_6:
0x45: {  	_ =	sfence.sel $0x180000  }
0x46: {  	s2 =	simm.s32 $0x2;
	[bflag:$0x0] =	sbarrier.arrive $0xFFFF  }
0x47: {  	s30 =	simm.s32 $0x3;
	[sflag:s2] =	ssyncpa.u1 $0x1  }
0x48: {  	s31 =	simm.s32 $0x1;
	[sflag:s30] =	ssyncpa.u1 $0x1  }
0x49: {  	[sflag:s31] =	ssyncpa.u1 $0x1  }
0x4a: {  	p0 =	sne.s32 s1, $0x0;
	_ =	strace $0x90000047  }
0x4b: {  	s0 =	sadd.s32 @!p0 $0x100000, s0;
	[bflag:$0x2] =	sbarrier.arrive $0xFFFF  }
0x4c: {  	[sflag:s0] =	ssyncadd.tile.s32 @!p0 $0x1;
	_ =	shalt  }
.Lfunc_end2:
_tile_overlayer_lowered:
.L_overlay_start_2:
0x4d: {  	(tag) =	ssettag $0x2  }
0x4e: {  	s0 =	rddreg [dreg:$0x0];
	s2 =	stileid.u32  }
0x4f: {  	s1 =	rddreg [dreg:$0x1];
	p0 =	sne.s32 s2, $0x0  }
0x50: {  	s3 =	rddreg [dreg:$0x2];
	[bflag:$0x3] =	sbarrier.arrive $0xFFFF;
	s2 =	simm.s32 @!p0 $0x1C01  }
0x51: {  	[timem:s3], [sflag:s2] =	dma.local @!p0 [hbm:s0], s1  }
0x52: {  	s0 =	simm.s32 @!p0 $0x1  }
0x53: {  	_ =	swait.ge @!p0 [sflag:s0], s1  }
0x54: {  	s1 =	ssub.s32 @!p0 $0x0, s1;
	[sflag:s0] =	ssyncset.done @!p0 $0x0  }
0x55: {  	[sflag:s0] =	ssyncadd.s32 @!p0 s1  }
0x56: {  	[bflag:$0x3] =	sbarrier.arrive $0xFFFF  }
0x57: {  	_ =	shalt  }

// kernel: gather_offload_async_start
scs
__scs_entry_jumppad:
0x0: {  	(pc) =	sbr.rel $0x88, $3  }
0x1: {  	(tag) =	ssettag $0x0;
	lr =	simm.s32 $0x1  }
0x2: {  	[smem:$0x3F96] =	sst lr;
	_ =	strace $0xD0000000  }
0x3: {  	_ = 	snop  }
0x4: {  	_ = 	snop  }
0x5: {  	_ = 	snop  }
0x6: {  	_ = 	snop  }
0x7: {  	_ = 	snop  }
__scs_overlays_trampoline_lowered:
0x8: {  	[smem:$0x3FA5] =	sst s0  }
0x9: {  	[smem:$0x3FA6] =	sst s1  }
0xa: {  	[smem:$0x3FA7] =	sst s2  }
0xb: {  	[smem:$0x3FA8] =	sst s3  }
0xc: {  	[smem:$0x3FA9] =	sst s4  }
0xd: {  	[smem:$0x3FAA] =	sst s5  }
0xe: {  	[smem:$0x3FAB] =	sst s6  }
0xf: {  	[smem:$0x3FAC] =	sst s7  }
0x10: {  	[smem:$0x3FAD] =	sst s8  }
0x11: {  	[smem:$0x3FAE] =	sst s9;
	s0 =	simm.s32 @!p0 $0x0  }
0x12: {  	s1 =	sld [smem:$0x3F94];
	s0 =	simm.s32 @p0 $0x1  }
0x13: {  	[smem:$0x3FAF] =	sst s0;
	s0 =	simm.s32 @!p1 $0x0  }
0x14: {  	s2 =	sld [smem:$0x3F93];
	s0 =	simm.s32 @p1 $0x1  }
0x15: {  	[smem:$0x3FB0] =	sst s0;
	s0 =	simm.s32 @!p2 $0x0  }
0x16: {  	s3 =	sld [smem:$0x3FDB];
	s0 =	simm.s32 @p2 $0x1  }
0x17: {  	s4 =	simm.s32 $0x1BF5;
	[smem:$0x3FB2] =	sst s0  }
0x18: {  	s0 =	sld [smem:$0x3F95];
	_ =	swait.ge [sflag:s4], $0x0  }
0x19: {  	s7 =	sld [smem:$0x3F96]  }
0x1a: {  	s8 =	sadd.s32 $0xFFFFE003, lr  }
0x1b: {  	s9 =	sadd.s32 $0xFFFFFEF7, lr;
	s5 =	simm.s32 $0xFFFFFFFF;
	p2 =	slt.u32 s8, $0xFFFFF086  }
0x1c: {  	p1 =	slt.u32 s9, $0xF7A;
	s5 =	simm.s32 @!p2 $0x0  }
0x1d: {  	s5 =	simm.s32 @p1 $0x1;
	p0 =	seq.s32 s7, s2  }
0x1e: {  	s7 =	smul.u32 @!p0 $0xF7A, s2;
	p2 =	seq.s32 @!p0 s5, $0x0  }
0x1f: {  	s9 =	smul.u32 $0xF7A, s1;
	s8 =	simm.s32 @!p0 $0x1BF5;
	p2 =	por !p2, p0  }
0x20: {  	[sflag:s8] =	ssyncset.s32 @!p0 $0xFFFFF086;
	s6 =	sadd.s32 @!p0 s3, s7;
	s7 =	simm.s32 @!p0 $0x108  }
0x21: {  	s3 =	sadd.s32 s3, s9;
	s6 =	sadd.s32 @!p0 $0x88, s6;
	s7 =	simm.s32 @p2 $0x1082  }
0x22: {  	[simem:s7], [sflag:s8] =	dma.local @!p0 [hbm:s6], $0xF7A  }
0x23: {  	s9 =	sor.u32 $0xD0000000, s2;
	s6 =	simm.s32 $0x108;
	_ =	swait.ge @!p0 [sflag:s8], $0x0  }
0x24: {  	s3 =	sadd.s32 $0x88, s3;
	s6 =	simm.s32 @!p1 $0x1082;
	[sflag:s4] =	ssyncset.s32 $0xFFFFF086  }
0x25: {  	[simem:s6], [sflag:s4] =	dma.local [hbm:s3], $0xF7A  }
0x26: {  	[smem:$0x3F96] =	sst s1;
	(tag) =	ssettag s2;
	_ =	strace s9  }
0x27: {  	s1 =	sld [smem:$0x3FA6]  }
0x28: {  	s2 =	sld [smem:$0x3FA7]  }
0x29: {  	s4 =	sld [smem:$0x3FA9]  }
0x2a: {  	p0 =	seq.s32 s5, $0x0;
	s5 =	sld [smem:$0x3FAA]  }
0x2b: {  	s6 =	sld [smem:$0x3FAB]  }
0x2c: {  	s7 =	sld [smem:$0x3FAC]  }
0x2d: {  	s3 =	simm.s32 $0x108;
	s8 =	sld [smem:$0x3FAD]  }
0x2e: {  	s3 =	simm.s32 @!p0 $0x1082;
	s9 =	sld [smem:$0x3FAE]  }
0x2f: {  	lr =	sadd.s32 s0, s3;
	s0 =	sld [smem:$0x3FA5]  }
0x30: {  	s3 =	sld [smem:$0x3FA8]  }
0x31: {  	[smem:$0x3FB1] =	sst s10  }
0x32: {  	s10 =	sld [smem:$0x3FAF];
	_ =	sdelay $0x3  }
0x33: {  	p0 =	seq.s32 s10, $0x1;
	s10 =	sld [smem:$0x3FB1];
	_ =	sdelay $0x3  }
0x34: {  	[smem:$0x3FB1] =	sst s10  }
0x35: {  	s10 =	sld [smem:$0x3FB0];
	_ =	sdelay $0x3  }
0x36: {  	p1 =	seq.s32 s10, $0x1;
	s10 =	sld [smem:$0x3FB1];
	_ =	sdelay $0x3  }
0x37: {  	[smem:$0x3FB1] =	sst s10  }
0x38: {  	s10 =	sld [smem:$0x3FB2]  }
0x39: {  	_ = 	snop;
	(pc) =	sbr.ind lr, $3  }
0x3a: {  	_ = 	snop  }
0x3b: {  	_ = 	snop  }
0x3c: {  	p2 =	seq.s32 s10, $0x1;
	s10 =	sld [smem:$0x3FB1]  }
0x3d: {  	_ =	shalt  }
0x3e: {  	_ =	shalt  }
0x3f: {  	_ =	shalt  }
0x40: {  	_ =	shalt  }
0x41: {  	_ =	shalt  }
0x42: {  	_ =	shalt  }
0x43: {  	_ =	shalt  }
0x44: {  	_ =	shalt  }
0x45: {  	_ =	shalt  }
0x46: {  	_ =	shalt  }
0x47: {  	_ =	shalt  }
0x48: {  	_ =	shalt  }
0x49: {  	_ =	shalt  }
0x4a: {  	_ =	shalt  }
0x4b: {  	_ =	shalt  }
0x4c: {  	_ =	shalt  }
0x4d: {  	_ =	shalt  }
0x4e: {  	_ =	shalt  }
0x4f: {  	_ =	shalt  }
0x50: {  	_ =	shalt  }
0x51: {  	_ =	shalt  }
0x52: {  	_ =	shalt  }
0x53: {  	_ =	shalt  }
0x54: {  	_ =	shalt  }
0x55: {  	_ =	shalt  }
0x56: {  	_ =	shalt  }
0x57: {  	_ =	shalt  }
0x58: {  	_ =	shalt  }
0x59: {  	_ =	shalt  }
0x5a: {  	_ =	shalt  }
0x5b: {  	_ =	shalt  }
0x5c: {  	_ =	shalt  }
0x5d: {  	_ =	shalt  }
0x5e: {  	_ =	shalt  }
0x5f: {  	_ =	shalt  }
0x60: {  	_ =	shalt  }
0x61: {  	_ =	shalt  }
0x62: {  	_ =	shalt  }
0x63: {  	_ =	shalt  }
0x64: {  	_ =	shalt  }
0x65: {  	_ =	shalt  }
0x66: {  	_ =	shalt  }
0x67: {  	_ =	shalt  }
0x68: {  	_ =	shalt  }
0x69: {  	_ =	shalt  }
0x6a: {  	_ =	shalt  }
0x6b: {  	_ =	shalt  }
0x6c: {  	_ =	shalt  }
0x6d: {  	_ =	shalt  }
0x6e: {  	_ =	shalt  }
0x6f: {  	_ =	shalt  }
0x70: {  	_ =	shalt  }
0x71: {  	_ =	shalt  }
0x72: {  	_ =	shalt  }
0x73: {  	_ =	shalt  }
0x74: {  	_ =	shalt  }
0x75: {  	_ =	shalt  }
0x76: {  	_ =	shalt  }
0x77: {  	_ =	shalt  }
0x78: {  	_ =	shalt  }
0x79: {  	_ =	shalt  }
0x7a: {  	_ =	shalt  }
0x7b: {  	_ =	shalt  }
0x7c: {  	_ =	shalt  }
0x7d: {  	_ =	shalt  }
0x7e: {  	_ =	shalt  }
0x7f: {  	_ =	shalt  }
0x80: {  	_ =	shalt  }
0x81: {  	_ =	shalt  }
0x82: {  	_ =	shalt  }
0x83: {  	_ =	shalt  }
0x84: {  	_ =	shalt  }
0x85: {  	_ =	shalt  }
0x86: {  	_ =	shalt  }
0x87: {  	_ =	shalt  }
.Lfunc_end0:
.L_simem_size_0:
called_computation_lowered:
.L_overlay_start_0:
0x88: {  	s2 =	sld [smem:$0x3FD9]  }
0x89: {  	s3 =	sld [smem:$0x3FFE];
	_ =	sdelay $0x1  }
0x8a: {  	s1 =	srdreg.scid  }
0x8b: {  	s0 =	sand.u32 $0x1, s1  }
0x8c: {  	s17 =	sshll.u32 s0, $0xA;
	s2 =	sadd.s32 s3, s2  }
0x8d: {  	s2 =	sadd.s32 s2, s17  }
0x8e: {  	[smem:$0x3FBD] =	sst s2  }
0x8f: {  	_ = 	snop  }
0x90: {  	s18 =	sld [smem:$0x3FD0];
	(tm) =	ssettm $0x1  }
0x91: {  	s19 =	sld [smem:$0x3FFB];
	_ =	sdelay $0x3  }
0x92: {  	_ =	strace s19  }
0x93: {  	s2 =	sld [smem:$0x3FFC];
	_ =	sdelay $0x3  }
0x94: {  	_ =	strace s2  }
0x95: {  	s2 =	sld [smem:$0x3FFD];
	_ =	sdelay $0x3  }
0x96: {  	_ =	strace s2  }
0x97: {  	_ =	strace $0x8FFFFFFF  }
0x98: {  	s20 =	sld [smem:$0x3FDB];
	_ =	sdelay $0x1  }
0x99: {  	s4 =	simm.s32 $_scs_section_size  }
0x9a: {  	s5 =	simm.s32 $_size__tile_overlayer_lowered;
	s6 =	simm.s32 $_tile_overlayer_lowered  }
0x9b: {  	s7 =	simm.s32 $0x1BFF;
	s21 =	sshll.u32 s6, $0x1;
	s4 =	sadd.s32 s4, s20  }
0x9c: {  	s22 =	simm.s32 $0x0;
	s5 =	sshll.u32 s5, $0x1;
	s6 =	sadd.s32 s21, s4  }
0x9d: {  	[timem:s22], [sflag:s7] =	dma.local [hbm:s6], s5  }
0x9e: {  	_ =	swait.ge [sflag:s7], s5  }
0x9f: {  	s5 =	ssub.s32 $0x0, s5;
	[sflag:s7] =	ssyncset.done $0x0  }
0xa0: {  	[sflag:s7] =	ssyncadd.s32 s5;
	_ =	sdelay $0x1  }
0xa1: {  	s23 =	simm.s32 $0x1B8B  }
0xa2: {  	_ =	swait.ge [sflag:s23], $0x1  }
0xa3: {  	[sflag:s23] =	ssyncset.done $0x0  }
0xa4: {  	[sflag:s23] =	ssyncadd.s32 $0xFFFFFFFF  }
0xa5: {  	s5 =	sld [smem:$0x0]  }
0xa6: {  	s6 =	sand.u32 $0xFFFFFFFE, s1  }
0xa7: {  	p0 =	sne.s32 s1, s6  }
0xa8: {  	s6 =	sshll.u32 @p0 s6, $0xE  }
0xa9: {  	s6 =	sadd.s32 @p0 $0x11B8D, s6;
	s7 =	sshll.u32 @p0 s5, $0x11  }
0xaa: {  	s6 =	sor.u32 @p0 s7, s6  }
0xab: {  	[sflag:s6] =	ssyncadd.remote.s32 @p0 $0x1;
	_ =	sdelay $0x1  }
0xac: {  	s6 =	simm.s32 @p0 $0x1B8D  }
0xad: {  	_ =	swait.eq @p0 [sflag:s6], $0x1  }
0xae: {  	[sflag:s6] =	ssyncadd.s32 @p0 $0xFFFFFFFF  }
0xaf: {  	s7 =	sshll.u32 @!p0 s1, $0xE  }
0xb0: {  	s7 =	sor.u32 @!p0 $0x4000, s7;
	s6 =	simm.s32 @!p0 $0x1B8D  }
0xb1: {  	s5 =	sshll.u32 @!p0 s5, $0x11;
	s7 =	sadd.s32 @!p0 $0x11B8D, s7;
	_ =	swait.eq @!p0 [sflag:s6], $0x1  }
0xb2: {  	s5 =	sor.u32 @!p0 s5, s7;
	[sflag:s6] =	ssyncadd.s32 @!p0 $0xFFFFFFFF  }
0xb3: {  	s25 =	simm.s32 $0x1B8E;
	s24 =	sld [smem:$0x3FFE];
	[sflag:s5] =	ssyncadd.remote.s32 @!p0 $0x1  }
0xb4: {  	s26 =	simm.s32 $execute0_lowered;
	[smem:$0x3FD2] =	sst s25  }
0xb5: {  	s6 =	sshll.u32 s26, $0x1;
	_ =	strace $0x80000049;
	[dreg:$0x1] =	wrdreg $0xFFFFFFFF  }
0xb6: {  	s28 =	simm.s32 $_size_execute0_lowered;
	s4 =	sadd.s32 s4, s6;
	[dreg:$0x0] =	wrdreg $0x0  }
0xb7: {  	s6 =	sshll.u32 s28, $0x1;
	[dreg:$0x2] =	wrdreg s4  }
0xb8: {  	[dreg:$0x3] =	wrdreg s6  }
0xb9: {  	[dreg:$0x4] =	wrdreg $0xC0  }
0xba: {  	_ =	task [dreg:s22], $0x5FFFF  }
0xbb: {  	[dreg:$0x1] =	wrdreg $0xFFFFFFFF  }
0xbc: {  	[dreg:$0x0] =	wrdreg $0x60  }
0xbd: {  	[dreg:$0x2] =	wrdreg s24  }
0xbe: {  	[dreg:$0x3] =	wrdreg s18  }
0xbf: {  	[dreg:$0x4] =	wrdreg $0x9  }
0xc0: {  	_ =	task.clear_ibuf [dreg:s22], $0x5FFFF;
	_ =	strace $0x90000049  }
0xc1: {  	s29 =	simm.s32 $0x9;
	_ =	strace $0x8000004B  }
0xc2: {  	_ =	swait.ge [sflag:s29], $0x1  }
0xc3: {  	[sflag:s29] =	ssyncadd.s32 $0xFFFFFFFF  }
0xc4: {  	_ =	strace $0x9000004B  }
0xc5: {  	_ =	sfence  }
0xc6: {  	s30 =	sld [smem:$0x0];
	_ =	sdelay $0x2  }
0xc7: {  	s31 =	sshll.u32 s1, $0xD;
	s1 =	sshrl.u32 s1, $0x2  }
0xc8: {  	s4 =	sand.u32 $0x4000, s31;
	s1 =	sadd.s32 s1, s30  }
0xc9: {  	s0 =	sor.u32 s4, s0;
	s1 =	sshll.u32 s1, $0x11  }
0xca: {  	s0 =	sor.u32 s1, s0  }
0xcb: {  	s0 =	sadd.s32 $0x8F2B, s0  }
0xcc: {  	[sflag:s0] =	ssyncadd.remote.s32 $0x1  }
0xcd: {  	_ =	sfence.sel $0xFFFF  }
0xce: {  	[dreg:$0x0] =	wrdreg $0xFFFFFFFF;
	(pc) =	sbr.abs _section_cstart, $3  }
0xcf: {  	[dreg:$0x1] =	wrdreg $0xFFFFFFFF  }
0xd0: {  	_ =	task.clear_ibuf [dreg:s22], $0x2FFFF;
	_ =	strace $0x9FFFFFFF  }
0xd1: {  	(tm) =	ssettm $0x7FFFFFFF  }
tec
execute0_lowered:
.L_overlay_start_1:
0x0: {  	(tag) =	ssettag $0x1  }
0x1: {  	s7 =	rddreg [dreg:$0x0]  }
0x2: {  	s2 =	rddreg [dreg:$0x1]  }
0x3: {  	s0 =	rddreg [dreg:$0x2]  }
0x4: {  	s1 =	srdreg.scid;
	_ =	strace $0x8000004A;
	s4 =	simm.s32 $0x1  }
0x5: {  	s9 =	simm.s32 $0x3;
	s11 =	simm.s32 $0x0;
	s5 =	sshll.u32 s1, $0x4  }
.Ltmp0:
0x6: {  	s1 =	stileid.u32;
	s5 =	sand.u32 $0x10, s5;
	(pc) =	sbr.rel .LBB2_1-.Ltmp0, $4  }
0x7: {  	p0 =	por $0x0, $0x0;
	s3 =	sadd.s32 $0x45C00, s7;
	s6 =	sor.u32 s1, s5  }
0x8: {  	[sflag:s4] =	ssyncpa.u1 $0x0;
	s5 =	simm.s32 $0x2;
	s6 =	sshll.u32 s6, $0x9  }
0x9: {  	s7 =	sadd.s32 $0x88C00, s7;
	[sflag:s5] =	ssyncpa.u1 $0x0;
	s8 =	sadd.s32 $0x200, s6  }
0xa: {  	vm0 =	vmmov $0xff;
	vm1 =	vcmask $0x3F20;
	[sflag:s9] =	ssyncpa.u1 $0x0;
	s10 =	smov.u32 s6;
	s9 =	simm.s32 $0x0  }
.LBB2_7:
0xb: {  	p1 =	slt.u32 s9, $0x2;
	s11 =	sadd.s32 $0x100, s10  }
0xc: {  	s13 =	smov.u32 s6;
	s9 =	sadd.s32 $0x1, s9;
	p2 =	slt.s32 s11, s8  }
0xd: {  	s13 =	smov.u32 @p2 s11;
	p2 =	sne.s32 s9, $0x4  }
.Ltmp1:
0xe: {  	_ = 	snop;
	(pc) =	sbr.rel @!p2 .LBB2_8-.Ltmp1, $4  }
0xf: {  	s12 =	simm.s32 @!p1 $0x3  }
0x10: {  	_ =	swait.ge @!p1 [sflag:s12], $0x8000  }
0x11: {  	p0 =	por !p0, !p0;
	[sflag:s12] =	ssyncset.done @!p1 $0x0  }
0x12: {  	s11 =	smov.u32 s10;
	s10 =	smov.u32 s13;
	[sflag:s12] =	ssyncadd.s32 @!p1 $0xFFFF8000  }
.LBB2_1:
0x13: {  	p1 =	sgt.u32 s9, $0x1  }
0x14: {  	s12 =	sshll.u32 @!p1 s9, $0x8;
	s13 =	sshrl.u32 @!p1 s10, $0x3  }
0x15: {  	s14 =	sand.u32 @!p1 $0x7, s10;
	s12 =	sxor.u32 @!p1 $0x100, s12;
	s13 =	sadd.s32 @!p1 s2, s13  }
0x16: {  	[tilespmem:s12], [sflag:$0x2] =	stream.linear.gather @!p1 [hbm4b:s13+s14], $0x100, $0x38;
	[tilespmem:$0x10200] =	vst v63  }
0x17: {  	p1 =	seq.s32 s9, $0x0  }
0x18: {  	p2 =	seq.s32 @!p1 s9, $0x3  }
0x19: {  	p1 =	por p1, p2  }
.Ltmp2:
0x1a: {  	_ = 	snop;
	(pc) =	sbr.rel @p1 .LBB2_7-.Ltmp2, $1  }
0x1b: {  	_ =	sdelay $0x3  }
0x1c: {  	s12 =	simm.s32 $0x1  }
0x1d: {  	_ =	swait.ge [sflag:s5], $0x100;
	s12 =	simm.s32 @!p0 $0x0  }
0x1e: {  	[sflag:s5] =	ssyncset.done $0x0;
	s14 =	sshll.u32 s12, $0x8  }
0x1f: {  	[sflag:s5] =	ssyncadd.s32 $0xFFFFFF00;
	s13 =	sadd.s32 $0x0, s14  }
0x20: {  	v0 =	vld.msk [tilespmem:s13+$0x0 ss:$0x1], $0xffff;
	_ =	sdelay $0x4  }
0x21: {  	vm2 =	vgt.s32 v0, $0x0  }
0x22: {  	v0 =	vnsel vm2, $0x0, v0  }
0x23: {  	v0 =	vmin.u32 v0, $0x3FFF  }
0x24: {  	v0 =	vshll.u32 v0, $0x4;
	_ =	sdelay $0x2  }
0x25: {  	s12 =	sshll.u32 s12, $0xF  }
0x26: {  	s12 =	sor.u32 $0x200, s12  }
0x27: {  	[tilespmem:s12], [sflag:$0x1] =	stream.indirect_vreg.gather [hbm:s3], $0x80, v0, vm0, $0x38;
	[tilespmem:$0x10200] =	vst v63  }
0x28: {  	s15 =	sadd.s32 $0x10, s14;
	s13 =	sadd.s32 $0x400, s12  }
0x29: {  	[tilespmem:s13], [sflag:$0x1] =	stream.indirect_vreg.gather [hbm:s3], $0x80, v0, vm1, $0x38;
	[tilespmem:$0x10200] =	vst v63  }
0x2a: {  	s16 =	simm.s32 $0x80;
	v0 =	vld.msk [tilespmem:s15+$0x0 ss:$0x1], $0xffff;
	s15 =	smov.u32 s12  }
.LBB2_3:
0x2b: {  	p1 =	sne.s32 s16, $0x3C0;
	_ =	sdelay $0x4  }
0x2c: {  	vm2 =	vgt.s32 v0, $0x0  }
0x2d: {  	v0 =	vnsel vm2, $0x0, v0  }
0x2e: {  	v0 =	vmin.u32 v0, $0x3FFF  }
0x2f: {  	v0 =	vshll.u32 v0, $0x4;
	_ =	sdelay $0x3  }
.Ltmp3:
0x30: {  	s17 =	sshra.s32 s16, $0x2;
	s15 =	sadd.s32 $0x800, s15;
	(pc) =	sbr.rel @p1 .LBB2_3-.Ltmp3, $4  }
0x31: {  	[tilespmem:s15], [sflag:$0x1] =	stream.indirect_vreg.gather [hbm:s3], $0x80, v0, vm0, $0x38;
	[tilespmem:$0x10200] =	vst v63  }
0x32: {  	s17 =	sadd.s32 s17, s14;
	s18 =	sadd.s32 $0x400, s15  }
0x33: {  	[tilespmem:s18], [sflag:$0x1] =	stream.indirect_vreg.gather [hbm:s3], $0x80, v0, vm1, $0x38;
	[tilespmem:$0x10200] =	vst v63  }
0x34: {  	s16 =	sadd.s32 $0x40, s16;
	v0 =	vld.msk [tilespmem:s17+$0x0 ss:$0x1], $0xffff  }
0x35: {  	_ =	sdelay $0x3  }
0x36: {  	vm2 =	vgt.s32 v0, $0x0  }
0x37: {  	v0 =	vnsel vm2, $0x0, v0  }
0x38: {  	v0 =	vmin.u32 v0, $0x3FFF  }
0x39: {  	v0 =	vshll.u32 v0, $0x4;
	_ =	sdelay $0x3  }
0x3a: {  	s14 =	sadd.s32 $0x800, s15  }
0x3b: {  	[tilespmem:s14], [sflag:$0x1] =	stream.indirect_vreg.gather [hbm:s3], $0x80, v0, vm0, $0x38;
	[tilespmem:$0x10200] =	vst v63  }
0x3c: {  	s14 =	sadd.s32 $0x400, s14  }
0x3d: {  	[tilespmem:s14], [sflag:$0x1] =	stream.indirect_vreg.gather [hbm:s3], $0x80, v0, vm1, $0x38;
	[tilespmem:$0x10200] =	vst v63  }
0x3e: {  	s11 =	sshll.u32 s11, $0x4;
	_ =	swait.ge [sflag:s4], $0x8000  }
0x3f: {  	s11 =	sadd.s32 s11, s7;
	[sflag:s4] =	ssyncset.done $0x0  }
0x40: {  	s15 =	sadd.s32 $0x0, s11;
	s14 =	simm.s32 $0x80;
	[sflag:s4] =	ssyncadd.s32 $0xFFFF8000  }
.LBB2_5:
0x41: {  	[hbm:s15] =	stream.linear.scatter [tilespmem:s12], [sflag:$0x3], $0x400, $0x38;
	[tilespmem:$0x10200] =	vst v63  }
0x42: {  	s15 =	smov.u32 s14;
	s12 =	smov.u32 s13;
	p1 =	sne.s32 s14, $0xF80  }
.Ltmp4:
0x43: {  	s14 =	sadd.s32 $0x80, s14;
	(pc) =	sbr.rel @p1 .LBB2_5-.Ltmp4, $2  }
0x44: {  	_ =	sdelay $0x2  }
0x45: {  	s13 =	sadd.s32 $0x400, s13;
	s15 =	sadd.s32 s15, s11  }
.Ltmp5:
0x46: {  	(pc) =	sbr.rel .LBB2_7-.Ltmp5, $2  }
0x47: {  	_ =	sdelay $0x2  }
0x48: {  	[hbm:s15] =	stream.linear.scatter [tilespmem:s12], [sflag:$0x3], $0x400, $0x38;
	[tilespmem:$0x10200] =	vst v63  }
.LBB2_8:
0x49: {  	_ =	sfence.sel $0x180000  }
0x4a: {  	s2 =	simm.s32 $0x2;
	[bflag:$0x0] =	sbarrier.arrive $0xFFFF  }
0x4b: {  	s30 =	simm.s32 $0x3;
	[sflag:s2] =	ssyncpa.u1 $0x1  }
0x4c: {  	s31 =	simm.s32 $0x1;
	[sflag:s30] =	ssyncpa.u1 $0x1  }
0x4d: {  	[sflag:s31] =	ssyncpa.u1 $0x1  }
0x4e: {  	p0 =	sne.s32 s1, $0x0;
	_ =	strace $0x9000004A  }
0x4f: {  	s0 =	sadd.s32 @!p0 $0x100000, s0;
	[bflag:$0x2] =	sbarrier.arrive $0xFFFF  }
0x50: {  	[sflag:s0] =	ssyncadd.tile.s32 @!p0 $0x1;
	_ =	shalt  }
.Lfunc_end2:
_tile_overlayer_lowered:
.L_overlay_start_2:
0x51: {  	(tag) =	ssettag $0x2  }
0x52: {  	s0 =	rddreg [dreg:$0x0];
	s2 =	stileid.u32  }
0x53: {  	s1 =	rddreg [dreg:$0x1];
	p0 =	sne.s32 s2, $0x0  }
0x54: {  	s3 =	rddreg [dreg:$0x2];
	[bflag:$0x3] =	sbarrier.arrive $0xFFFF;
	s2 =	simm.s32 @!p0 $0x1C01  }
0x55: {  	[timem:s3], [sflag:s2] =	dma.local @!p0 [hbm:s0], s1  }
0x56: {  	s0 =	simm.s32 @!p0 $0x1  }
0x57: {  	_ =	swait.ge @!p0 [sflag:s0], s1  }
0x58: {  	s1 =	ssub.s32 @!p0 $0x0, s1;
	[sflag:s0] =	ssyncset.done @!p0 $0x0  }
0x59: {  	[sflag:s0] =	ssyncadd.s32 @!p0 s1  }
0x5a: {  	[bflag:$0x3] =	sbarrier.arrive $0xFFFF  }
0x5b: {  	_ =	shalt  }

</sc_bundles>
